<compile_context>
chip_gen: v7x
topology: tpu7x:2x2x1
jax: 0.10.2.dev20260603
libtpu: 0.0.44.dev20260713+nightly
codegen_flags: <defaults>
</compile_context>

<pallas_src>
import functools

import jax
import jax.numpy as jnp
from jax import lax
from jax.experimental import pallas as pl
from jax.experimental.pallas import tpu as pltpu
from jax.experimental.pallas import tpu_sc as plsc

B, S, C = 32, 1024, 384
NCLS = 1000
NSEL = 256


def _bitonic_topk(score):
    K = -lax.bitcast_convert_type(score, jnp.int32)
    sub = lax.broadcasted_iota(jnp.int32, (B, 8, 128), 1)
    lane = lax.broadcasted_iota(jnp.int32, (B, 8, 128), 2)
    ii = sub * 128 + lane
    I = ii

    k = 2
    while k <= S:
        j = k // 2
        while j > 0:
            bitclear = (ii & j) == 0
            up = (ii & k) == 0
            if j < 128:
                axis, sh = 2, j
            else:
                axis, sh = 1, j // 128
            Kp = jnp.where(bitclear, jnp.roll(K, -sh, axis=axis),
                           jnp.roll(K, sh, axis=axis))
            Ip = jnp.where(bitclear, jnp.roll(I, -sh, axis=axis),
                           jnp.roll(I, sh, axis=axis))
            less = (K < Kp) | ((K == Kp) & (I < Ip))
            take_self = (bitclear == up) == less
            K = jnp.where(take_self, K, Kp)
            I = jnp.where(take_self, I, Ip)
            j //= 2
        k *= 2

    bid = lax.broadcasted_iota(jnp.int32, (B, 2, 128), 0)
    return I[:, :2, :] + bid * S


def _score_sort_body(lg_ref, out_ref, acc_ref):
    b = pl.program_id(0)
    l = lg_ref[0]
    m = jnp.max(l, axis=-1, keepdims=True)
    e = jnp.exp(l - m)
    s = jnp.sum(e, axis=-1)
    score = 1.0 / s
    acc_ref[b] = score.reshape(8, 128)

    @pl.when(b == B - 1)
    def _():
        out_ref[...] = _bitonic_topk(acc_ref[...])


def _tc_score_topk(logits, interpret=False):
    return pl.pallas_call(
        _score_sort_body,
        grid=(B,),
        in_specs=[pl.BlockSpec((1, S, NCLS), lambda b: (b, 0, 0))],
        out_specs=pl.BlockSpec((B, 2, 128), lambda b: (0, 0, 0)),
        out_shape=jax.ShapeDtypeStruct((B, 2, 128), jnp.int32),
        scratch_shapes=[pltpu.VMEM((B, 8, 128), jnp.float32)],
        compiler_params=pltpu.CompilerParams(
            dimension_semantics=("arbitrary",),
        ),
        interpret=interpret,
    )(logits)


_PER_W = B * NSEL // 32


@functools.cache
def _make_sc_gather():
    mesh = plsc.VectorSubcoreMesh(core_axis_name="c", subcore_axis_name="s")

    @functools.partial(
        pl.kernel,
        mesh=mesh,
        out_type=jax.ShapeDtypeStruct((B * NSEL, C), jnp.float32),
        scratch_types=[
            pltpu.VMEM((_PER_W,), jnp.int32),
            pltpu.VMEM((_PER_W, C), jnp.float32),
            pltpu.SemaphoreType.DMA,
        ],
    )
    def _sc_gather(x_hbm, idx_hbm, out_hbm, idx_v, rows_v, sem):
        wid = lax.axis_index("s") * 2 + lax.axis_index("c")
        base = wid * _PER_W
        pltpu.sync_copy(idx_hbm.at[pl.ds(base, _PER_W)], idx_v)
        pltpu.async_copy(x_hbm.at[idx_v], rows_v, sem).wait()
        pltpu.sync_copy(rows_v, out_hbm.at[pl.ds(base, _PER_W)])

    return _sc_gather


@jax.jit
def kernel(x, logits):
    idx = _tc_score_topk(logits)
    flat_idx = idx.reshape(B * NSEL)
    table = x.reshape(B * S, C)
    out = _make_sc_gather()(table, flat_idx)
    return out.reshape(B, NSEL, C)

# --- scband reference (transcript-rebuilt; emitter-appended) ---
"""Pipeline reference for scband-weakly-selector-61675730370890 (READ-ONLY COPY).

The authoritative reference and input builder live on the scoring server;
editing this copy changes nothing except your own understanding.
"""

import jax, jax.numpy as jnp
import numpy as np

NUM_SELECT = 256


def setup_inputs(seed: int = 0) -> dict:
    key = jax.random.key(seed)
    k1, k2 = jax.random.split(key)
    x = jax.random.normal(k1, (32, 1024, 384), dtype=jnp.float32)
    logits = jax.random.normal(k2, (32, 1024, 1000), dtype=jnp.float32)
    return {"x": x, "logits": logits}


def reference(x, logits):
    # WeaklySelector with fpn_size set (logits provided externally).
    # Single feature map named 'layer1'. x: [B, S, C], logits: [B, S, num_classes].
    probs = jax.nn.softmax(logits, axis=-1)                      # softmax over classes
    max_ids = jnp.max(probs, axis=-1)                            # [B, S] per-token max confidence
    # torch.sort(max_ids, descending=True) -> ranks; take top num_select tokens
    ranks = jnp.argsort(-max_ids, axis=-1)                       # [B, S] descending order
    top = ranks[:, :NUM_SELECT]                                  # [B, num_select]
    # gather selected feature vectors per batch element (selections['layer1'])
    sf = jnp.take_along_axis(x, top[:, :, None], axis=1)         # [B, num_select, C]
    return sf

if __name__ == "__main__":
    import jax
    _d = setup_inputs()
    print(jax.jit(kernel)(*tuple(_d.values())))

</pallas_src>

<mosaic_0001>
#map = affine_map<(d0, d1) -> (0, 0)>
#map1 = affine_map<(d0, d1) -> (0)>
module attributes {stable_mosaic.version = 14 : i64} {
  func.func @_sc_gather(%arg0: i32, %arg1: i32, %arg2: memref<32768x384xf32, #tpu.memory_space<hbm>>, %arg3: memref<8192xi32, #tpu.memory_space<hbm>>, %arg4: memref<8192x384xf32, #tpu.memory_space<hbm>>, %arg5: memref<256xi32, #tpu.memory_space<vmem>>, %arg6: memref<256x384xf32, #tpu.memory_space<vmem>>, %arg7: memref<!tpu.dma_semaphore, #tpu.memory_space<semaphore_mem>>) attributes {dimension_semantics = [#tpu.dimension_semantics<core_parallel>, #tpu.dimension_semantics<subcore_parallel>], iteration_bounds = array<i64: 2, 16>, scalar_prefetch = 0 : i64, scratch_operands = 3 : i64, tpu.core_type = #tpu.core_type<sc_vector_subcore>, window_params = [{transform_indices = #map}, {transform_indices = #map1}, {transform_indices = #map}]} {
    %mul3A = arith.constant 2 : i32
    %mul3A_0 = arith.muli %arg1, %mul3A : i32
    %add3A = arith.addi %mul3A_0, %arg0 : i32
    %mul3A_1 = arith.constant 256 : i32
    %mul3A_2 = arith.muli %add3A, %mul3A_1 : i32
    "tpu.region"() ({
      %run_scoped3A = tpu.sem_alloc : memref<!tpu.dma_semaphore, #tpu.memory_space<semaphore_mem>>
      %dma_start3A_7 = tpu.memref_slice %arg3[%mul3A_2] : memref<8192xi32, #tpu.memory_space<hbm>> -> memref<256xi32, #tpu.memory_space<hbm>>
      %dma_start3A_8 = tpu.memref_slice %arg3[%mul3A_2] : memref<8192xi32, #tpu.memory_space<hbm>> -> memref<256xi32, #tpu.memory_space<hbm>>
      tpu.enqueue_dma source(%dma_start3A_8 : memref<256xi32, #tpu.memory_space<hbm>>) target(%arg5 : memref<256xi32, #tpu.memory_space<vmem>>) target_semaphore(%run_scoped3A : memref<!tpu.dma_semaphore, #tpu.memory_space<semaphore_mem>>)
      %dma_wait3A_9 = tpu.memref_slice %arg3[%mul3A_2] : memref<8192xi32, #tpu.memory_space<hbm>> -> memref<256xi32, #tpu.memory_space<hbm>>
      %dma_wait3A_10 = tpu.memref_slice %arg3[%mul3A_2] : memref<8192xi32, #tpu.memory_space<hbm>> -> memref<256xi32, #tpu.memory_space<hbm>>
      tpu.wait_dma2 semaphore(%run_scoped3A : memref<!tpu.dma_semaphore, #tpu.memory_space<semaphore_mem>>) src(%dma_wait3A_10 : memref<256xi32, #tpu.memory_space<hbm>>) dst(%arg5 : memref<256xi32, #tpu.memory_space<vmem>>)
      tpu.yield
    }) : () -> ()
    %dma_start3A = arith.constant 0 : i32
    %dma_start3A_3 = arith.constant 0 : i32
    %dma_start3A_4 = tpu.memref_slice %arg2[%dma_start3A, %dma_start3A_3] : memref<32768x384xf32, #tpu.memory_space<hbm>> -> memref<32768x384xf32, #tpu.memory_space<hbm>>
    tpu.enqueue_indirect_dma source(%dma_start3A_4 : memref<32768x384xf32, #tpu.memory_space<hbm>>) target(%arg6 : memref<256x384xf32, #tpu.memory_space<vmem>>) offsets(%arg5 : memref<256xi32, #tpu.memory_space<vmem>>) semaphore(%arg7 : memref<!tpu.dma_semaphore, #tpu.memory_space<semaphore_mem>>)
    %dma_wait3A = arith.constant 0 : i32
    %dma_wait3A_5 = arith.constant 0 : i32
    %dma_wait3A_6 = tpu.memref_slice %arg2[%dma_wait3A, %dma_wait3A_5] : memref<32768x384xf32, #tpu.memory_space<hbm>> -> memref<32768x384xf32, #tpu.memory_space<hbm>>
    tpu.wait_indirect_dma semaphore(%arg7 : memref<!tpu.dma_semaphore, #tpu.memory_space<semaphore_mem>>) src(%dma_wait3A_6 : memref<32768x384xf32, #tpu.memory_space<hbm>>) dst(%arg6 : memref<256x384xf32, #tpu.memory_space<vmem>>)
    "tpu.region"() ({
      %run_scoped3A = tpu.sem_alloc : memref<!tpu.dma_semaphore, #tpu.memory_space<semaphore_mem>>
      %dma_start3A_7 = arith.constant 0 : i32
      %dma_start3A_8 = tpu.memref_slice %arg4[%mul3A_2, %dma_start3A_7] : memref<8192x384xf32, #tpu.memory_space<hbm>> -> memref<256x384xf32, #tpu.memory_space<hbm>>
      %dma_start3A_9 = arith.constant 0 : i32
      %dma_start3A_10 = tpu.memref_slice %arg4[%mul3A_2, %dma_start3A_9] : memref<8192x384xf32, #tpu.memory_space<hbm>> -> memref<256x384xf32, #tpu.memory_space<hbm>>
      tpu.enqueue_dma source(%arg6 : memref<256x384xf32, #tpu.memory_space<vmem>>) target(%dma_start3A_10 : memref<256x384xf32, #tpu.memory_space<hbm>>) target_semaphore(%run_scoped3A : memref<!tpu.dma_semaphore, #tpu.memory_space<semaphore_mem>>)
      %dma_wait3A_11 = arith.constant 0 : i32
      %dma_wait3A_12 = tpu.memref_slice %arg4[%mul3A_2, %dma_wait3A_11] : memref<8192x384xf32, #tpu.memory_space<hbm>> -> memref<256x384xf32, #tpu.memory_space<hbm>>
      %dma_wait3A_13 = arith.constant 0 : i32
      %dma_wait3A_14 = tpu.memref_slice %arg4[%mul3A_2, %dma_wait3A_13] : memref<8192x384xf32, #tpu.memory_space<hbm>> -> memref<256x384xf32, #tpu.memory_space<hbm>>
      tpu.wait_dma2 semaphore(%run_scoped3A : memref<!tpu.dma_semaphore, #tpu.memory_space<semaphore_mem>>) src(%arg6 : memref<256x384xf32, #tpu.memory_space<vmem>>) dst(%dma_wait3A_14 : memref<256x384xf32, #tpu.memory_space<hbm>>)
      tpu.yield
    }) : () -> ()
    return
  }
}

module attributes {stable_mosaic.version = 14 : i64} {
  func.func @_score_sort_body(%arg0: i32, %arg1: memref<1x1024x1000xf32, #tpu.memory_space<vmem>>, %arg2: memref<32x2x128xi32, #tpu.memory_space<vmem>>, %arg3: memref<32x8x128xf32, #tpu.memory_space<vmem>>) attributes {dimension_semantics = [#tpu.dimension_semantics<arbitrary>], iteration_bounds = array<i64: 32>, scalar_prefetch = 0 : i64, scratch_operands = 1 : i64, tpu.core_type = #tpu.core_type<tc>, window_params = [{transform_indices = @transform_0, window_bounds = array<i64: 1, 1024, 1000>}, {pipeline_mode = #tpu.pipeline_mode<synchronous>, transform_indices = @transform_1, window_bounds = array<i64: 32, 2, 128>}]} {
    %get3A = arith.constant 0 : index
    %get3A_0 = arith.constant 0 : index
    %get3A_1 = arith.constant 0 : index
    %get3A_2 = vector.load %arg1[%get3A, %get3A_0, %get3A_1] : memref<1x1024x1000xf32, #tpu.memory_space<vmem>>, vector<1x1024x1000xf32>
    %get3A_3 = vector.shape_cast %get3A_2 : vector<1x1024x1000xf32> to vector<1024x1000xf32>
    %reduce_max3A = arith.constant dense<0xFF800000> : vector<1024xf32>
    %reduce_max3A_4 = vector.multi_reduction <maximumf>, %get3A_3, %reduce_max3A [1] : vector<1024x1000xf32> to vector<1024xf32>
    %broadcast_in_dim3A = vector.shape_cast %reduce_max3A_4 : vector<1024xf32> to vector<1024x1xf32>
    %sub3A = vector.broadcast %broadcast_in_dim3A : vector<1024x1xf32> to vector<1024x1000xf32>
    %sub3A_5 = arith.subf %get3A_3, %sub3A : vector<1024x1000xf32>
    %exp3A = math.exp %sub3A_5 : vector<1024x1000xf32>
    %reduce_sum3A = arith.constant dense<0.000000e+00> : vector<1024xf32>
    %reduce_sum3A_6 = vector.multi_reduction <add>, %exp3A, %reduce_sum3A [1] : vector<1024x1000xf32> to vector<1024xf32>
    %div3A = arith.constant 1.000000e+00 : f32
    %div3A_7 = vector.broadcast %div3A : f32 to vector<1024xf32>
    %div3A_8 = arith.divf %div3A_7, %reduce_sum3A_6 : vector<1024xf32>
    %reshape3A = vector.shape_cast %div3A_8 : vector<1024xf32> to vector<8x128xf32>
    %swap3A = arith.index_cast %arg0 : i32 to index
    %swap3A_9 = arith.constant 0 : index
    %swap3A_10 = arith.constant 0 : index
    %swap3A_11 = vector.load %arg3[%swap3A, %swap3A_9, %swap3A_10] : memref<32x8x128xf32, #tpu.memory_space<vmem>>, vector<1x8x128xf32>
    %swap3A_12 = vector.shape_cast %swap3A_11 : vector<1x8x128xf32> to vector<8x128xf32>
    %swap3A_13 = vector.shape_cast %reshape3A : vector<8x128xf32> to vector<1x8x128xf32>
    tpu.vector_store %arg3[%swap3A, %swap3A_9, %swap3A_10], %swap3A_13 {strides = array<i32>} : memref<32x8x128xf32, #tpu.memory_space<vmem>>, vector<1x8x128xf32>,
    %eq3A = arith.constant 31 : i32
    %eq3A_14 = arith.cmpi eq, %arg0, %eq3A : i32
    %convert_element_type3A = arith.extui %eq3A_14 : i1 to i32
    %cond3A = arith.constant 0 : i32
    %cond3A_15 = arith.cmpi ne, %convert_element_type3A, %cond3A : i32
    scf.if %cond3A_15 {
      %get3A_16 = arith.constant 0 : index
      %get3A_17 = arith.constant 0 : index
      %get3A_18 = arith.constant 0 : index
      %get3A_19 = vector.load %arg3[%get3A_16, %get3A_17, %get3A_18] : memref<32x8x128xf32, #tpu.memory_space<vmem>>, vector<32x8x128xf32>
      %bitcast_convert_type3A = tpu.bitcast %get3A_19 : vector<32x8x128xf32> -> vector<32x8x128xi32>
      %neg3A = arith.constant 0 : i32
      %neg3A_20 = vector.broadcast %neg3A : i32 to vector<32x8x128xi32>
      %neg3A_21 = arith.subi %neg3A_20, %bitcast_convert_type3A : vector<32x8x128xi32>
      %iota3A = tpu.iota {dimensions = array<i32: 1>} : vector<32x8x128xi32>
      %iota3A_22 = tpu.iota {dimensions = array<i32: 2>} : vector<32x8x128xi32>
      %mul3A = arith.constant 128 : i32
      %mul3A_23 = vector.broadcast %mul3A : i32 to vector<32x8x128xi32>
      %mul3A_24 = arith.muli %iota3A, %mul3A_23 : vector<32x8x128xi32>
      %add3A = arith.addi %mul3A_24, %iota3A_22 : vector<32x8x128xi32>
      %and3A = arith.constant 1 : i32
      %and3A_25 = vector.broadcast %and3A : i32 to vector<32x8x128xi32>
      %and3A_26 = arith.andi %add3A, %and3A_25 : vector<32x8x128xi32>
      %eq3A_27 = arith.constant 0 : i32
      %eq3A_28 = vector.broadcast %eq3A_27 : i32 to vector<32x8x128xi32>
      %eq3A_29 = arith.cmpi eq, %and3A_26, %eq3A_28 : vector<32x8x128xi32>
      %and3A_30 = arith.constant 2 : i32
      %and3A_31 = vector.broadcast %and3A_30 : i32 to vector<32x8x128xi32>
      %and3A_32 = arith.andi %add3A, %and3A_31 : vector<32x8x128xi32>
      %eq3A_33 = arith.constant 0 : i32
      %eq3A_34 = vector.broadcast %eq3A_33 : i32 to vector<32x8x128xi32>
      %eq3A_35 = arith.cmpi eq, %and3A_32, %eq3A_34 : vector<32x8x128xi32>
      %slice3A = vector.extract_strided_slice %neg3A_21 {offsets = [0, 0, 1], sizes = [32, 8, 127], strides = [1, 1, 1]} : vector<32x8x128xi32> to vector<32x8x127xi32>
      %slice3A_36 = vector.extract_strided_slice %neg3A_21 {offsets = [0, 0, 0], sizes = [32, 8, 1], strides = [1, 1, 1]} : vector<32x8x128xi32> to vector<32x8x1xi32>
      %concatenate3A = tpu.concatenate %slice3A, %slice3A_36 in 2 : vector<32x8x127xi32>, vector<32x8x1xi32> -> vector<32x8x128xi32>
      %slice3A_37 = vector.extract_strided_slice %neg3A_21 {offsets = [0, 0, 127], sizes = [32, 8, 1], strides = [1, 1, 1]} : vector<32x8x128xi32> to vector<32x8x1xi32>
      %slice3A_38 = vector.extract_strided_slice %neg3A_21 {offsets = [0, 0, 0], sizes = [32, 8, 127], strides = [1, 1, 1]} : vector<32x8x128xi32> to vector<32x8x127xi32>
      %concatenate3A_39 = tpu.concatenate %slice3A_37, %slice3A_38 in 2 : vector<32x8x1xi32>, vector<32x8x127xi32> -> vector<32x8x128xi32>
      %select_n3A = arith.select %eq3A_29, %concatenate3A, %concatenate3A_39 : vector<32x8x128xi1>, vector<32x8x128xi32>
      %slice3A_40 = vector.extract_strided_slice %add3A {offsets = [0, 0, 1], sizes = [32, 8, 127], strides = [1, 1, 1]} : vector<32x8x128xi32> to vector<32x8x127xi32>
      %slice3A_41 = vector.extract_strided_slice %add3A {offsets = [0, 0, 0], sizes = [32, 8, 1], strides = [1, 1, 1]} : vector<32x8x128xi32> to vector<32x8x1xi32>
      %concatenate3A_42 = tpu.concatenate %slice3A_40, %slice3A_41 in 2 : vector<32x8x127xi32>, vector<32x8x1xi32> -> vector<32x8x128xi32>
      %slice3A_43 = vector.extract_strided_slice %add3A {offsets = [0, 0, 127], sizes = [32, 8, 1], strides = [1, 1, 1]} : vector<32x8x128xi32> to vector<32x8x1xi32>
      %slice3A_44 = vector.extract_strided_slice %add3A {offsets = [0, 0, 0], sizes = [32, 8, 127], strides = [1, 1, 1]} : vector<32x8x128xi32> to vector<32x8x127xi32>
      %concatenate3A_45 = tpu.concatenate %slice3A_43, %slice3A_44 in 2 : vector<32x8x1xi32>, vector<32x8x127xi32> -> vector<32x8x128xi32>
      %select_n3A_46 = arith.select %eq3A_29, %concatenate3A_42, %concatenate3A_45 : vector<32x8x128xi1>, vector<32x8x128xi32>
      %lt3A = arith.cmpi slt, %neg3A_21, %select_n3A : vector<32x8x128xi32>
      %eq3A_47 = arith.cmpi eq, %neg3A_21, %select_n3A : vector<32x8x128xi32>
      %lt3A_48 = arith.cmpi slt, %add3A, %select_n3A_46 : vector<32x8x128xi32>
      %and3A_49 = arith.andi %eq3A_47, %lt3A_48 : vector<32x8x128xi1>
      %or3A = arith.ori %lt3A, %and3A_49 : vector<32x8x128xi1>
      %eq3A_50 = arith.xori %eq3A_29, %eq3A_35 : vector<32x8x128xi1>
      %eq3A_51 = arith.constant dense<true> : vector<32x8x128xi1>
      %eq3A_52 = arith.xori %eq3A_50, %eq3A_51 : vector<32x8x128xi1>
      %eq3A_53 = arith.xori %eq3A_52, %or3A : vector<32x8x128xi1>
      %eq3A_54 = arith.constant dense<true> : vector<32x8x128xi1>
      %eq3A_55 = arith.xori %eq3A_53, %eq3A_54 : vector<32x8x128xi1>
      %select_n3A_56 = arith.select %eq3A_55, %neg3A_21, %select_n3A : vector<32x8x128xi1>, vector<32x8x128xi32>
      %select_n3A_57 = arith.select %eq3A_55, %add3A, %select_n3A_46 : vector<32x8x128xi1>, vector<32x8x128xi32>
      %and3A_58 = arith.constant 2 : i32
      %and3A_59 = vector.broadcast %and3A_58 : i32 to vector<32x8x128xi32>
      %and3A_60 = arith.andi %add3A, %and3A_59 : vector<32x8x128xi32>
      %eq3A_61 = arith.constant 0 : i32
      %eq3A_62 = vector.broadcast %eq3A_61 : i32 to vector<32x8x128xi32>
      %eq3A_63 = arith.cmpi eq, %and3A_60, %eq3A_62 : vector<32x8x128xi32>
      %and3A_64 = arith.constant 4 : i32
      %and3A_65 = vector.broadcast %and3A_64 : i32 to vector<32x8x128xi32>
      %and3A_66 = arith.andi %add3A, %and3A_65 : vector<32x8x128xi32>
      %eq3A_67 = arith.constant 0 : i32
      %eq3A_68 = vector.broadcast %eq3A_67 : i32 to vector<32x8x128xi32>
      %eq3A_69 = arith.cmpi eq, %and3A_66, %eq3A_68 : vector<32x8x128xi32>
      %slice3A_70 = vector.extract_strided_slice %select_n3A_56 {offsets = [0, 0, 2], sizes = [32, 8, 126], strides = [1, 1, 1]} : vector<32x8x128xi32> to vector<32x8x126xi32>
      %slice3A_71 = vector.extract_strided_slice %select_n3A_56 {offsets = [0, 0, 0], sizes = [32, 8, 2], strides = [1, 1, 1]} : vector<32x8x128xi32> to vector<32x8x2xi32>
      %concatenate3A_72 = tpu.concatenate %slice3A_70, %slice3A_71 in 2 : vector<32x8x126xi32>, vector<32x8x2xi32> -> vector<32x8x128xi32>
      %slice3A_73 = vector.extract_strided_slice %select_n3A_56 {offsets = [0, 0, 126], sizes = [32, 8, 2], strides = [1, 1, 1]} : vector<32x8x128xi32> to vector<32x8x2xi32>
      %slice3A_74 = vector.extract_strided_slice %select_n3A_56 {offsets = [0, 0, 0], sizes = [32, 8, 126], strides = [1, 1, 1]} : vector<32x8x128xi32> to vector<32x8x126xi32>
      %concatenate3A_75 = tpu.concatenate %slice3A_73, %slice3A_74 in 2 : vector<32x8x2xi32>, vector<32x8x126xi32> -> vector<32x8x128xi32>
      %select_n3A_76 = arith.select %eq3A_63, %concatenate3A_72, %concatenate3A_75 : vector<32x8x128xi1>, vector<32x8x128xi32>
      %slice3A_77 = vector.extract_strided_slice %select_n3A_57 {offsets = [0, 0, 2], sizes = [32, 8, 126], strides = [1, 1, 1]} : vector<32x8x128xi32> to vector<32x8x126xi32>
      %slice3A_78 = vector.extract_strided_slice %select_n3A_57 {offsets = [0, 0, 0], sizes = [32, 8, 2], strides = [1, 1, 1]} : vector<32x8x128xi32> to vector<32x8x2xi32>
      %concatenate3A_79 = tpu.concatenate %slice3A_77, %slice3A_78 in 2 : vector<32x8x126xi32>, vector<32x8x2xi32> -> vector<32x8x128xi32>
      %slice3A_80 = vector.extract_strided_slice %select_n3A_57 {offsets = [0, 0, 126], sizes = [32, 8, 2], strides = [1, 1, 1]} : vector<32x8x128xi32> to vector<32x8x2xi32>
      %slice3A_81 = vector.extract_strided_slice %select_n3A_57 {offsets = [0, 0, 0], sizes = [32, 8, 126], strides = [1, 1, 1]} : vector<32x8x128xi32> to vector<32x8x126xi32>
      %concatenate3A_82 = tpu.concatenate %slice3A_80, %slice3A_81 in 2 : vector<32x8x2xi32>, vector<32x8x126xi32> -> vector<32x8x128xi32>
      %select_n3A_83 = arith.select %eq3A_63, %concatenate3A_79, %concatenate3A_82 : vector<32x8x128xi1>, vector<32x8x128xi32>
      %lt3A_84 = arith.cmpi slt, %select_n3A_56, %select_n3A_76 : vector<32x8x128xi32>
      %eq3A_85 = arith.cmpi eq, %select_n3A_56, %select_n3A_76 : vector<32x8x128xi32>
      %lt3A_86 = arith.cmpi slt, %select_n3A_57, %select_n3A_83 : vector<32x8x128xi32>
      %and3A_87 = arith.andi %eq3A_85, %lt3A_86 : vector<32x8x128xi1>
      %or3A_88 = arith.ori %lt3A_84, %and3A_87 : vector<32x8x128xi1>
      %eq3A_89 = arith.xori %eq3A_63, %eq3A_69 : vector<32x8x128xi1>
      %eq3A_90 = arith.constant dense<true> : vector<32x8x128xi1>
      %eq3A_91 = arith.xori %eq3A_89, %eq3A_90 : vector<32x8x128xi1>
      %eq3A_92 = arith.xori %eq3A_91, %or3A_88 : vector<32x8x128xi1>
      %eq3A_93 = arith.constant dense<true> : vector<32x8x128xi1>
      %eq3A_94 = arith.xori %eq3A_92, %eq3A_93 : vector<32x8x128xi1>
      %select_n3A_95 = arith.select %eq3A_94, %select_n3A_56, %select_n3A_76 : vector<32x8x128xi1>, vector<32x8x128xi32>
      %select_n3A_96 = arith.select %eq3A_94, %select_n3A_57, %select_n3A_83 : vector<32x8x128xi1>, vector<32x8x128xi32>
      %and3A_97 = arith.constant 1 : i32
      %and3A_98 = vector.broadcast %and3A_97 : i32 to vector<32x8x128xi32>
      %and3A_99 = arith.andi %add3A, %and3A_98 : vector<32x8x128xi32>
      %eq3A_100 = arith.constant 0 : i32
      %eq3A_101 = vector.broadcast %eq3A_100 : i32 to vector<32x8x128xi32>
      %eq3A_102 = arith.cmpi eq, %and3A_99, %eq3A_101 : vector<32x8x128xi32>
      %and3A_103 = arith.constant 4 : i32
      %and3A_104 = vector.broadcast %and3A_103 : i32 to vector<32x8x128xi32>
      %and3A_105 = arith.andi %add3A, %and3A_104 : vector<32x8x128xi32>
      %eq3A_106 = arith.constant 0 : i32
      %eq3A_107 = vector.broadcast %eq3A_106 : i32 to vector<32x8x128xi32>
      %eq3A_108 = arith.cmpi eq, %and3A_105, %eq3A_107 : vector<32x8x128xi32>
      %slice3A_109 = vector.extract_strided_slice %select_n3A_95 {offsets = [0, 0, 1], sizes = [32, 8, 127], strides = [1, 1, 1]} : vector<32x8x128xi32> to vector<32x8x127xi32>
      %slice3A_110 = vector.extract_strided_slice %select_n3A_95 {offsets = [0, 0, 0], sizes = [32, 8, 1], strides = [1, 1, 1]} : vector<32x8x128xi32> to vector<32x8x1xi32>
      %concatenate3A_111 = tpu.concatenate %slice3A_109, %slice3A_110 in 2 : vector<32x8x127xi32>, vector<32x8x1xi32> -> vector<32x8x128xi32>
      %slice3A_112 = vector.extract_strided_slice %select_n3A_95 {offsets = [0, 0, 127], sizes = [32, 8, 1], strides = [1, 1, 1]} : vector<32x8x128xi32> to vector<32x8x1xi32>
      %slice3A_113 = vector.extract_strided_slice %select_n3A_95 {offsets = [0, 0, 0], sizes = [32, 8, 127], strides = [1, 1, 1]} : vector<32x8x128xi32> to vector<32x8x127xi32>
      %concatenate3A_114 = tpu.concatenate %slice3A_112, %slice3A_113 in 2 : vector<32x8x1xi32>, vector<32x8x127xi32> -> vector<32x8x128xi32>
      %select_n3A_115 = arith.select %eq3A_102, %concatenate3A_111, %concatenate3A_114 : vector<32x8x128xi1>, vector<32x8x128xi32>
      %slice3A_116 = vector.extract_strided_slice %select_n3A_96 {offsets = [0, 0, 1], sizes = [32, 8, 127], strides = [1, 1, 1]} : vector<32x8x128xi32> to vector<32x8x127xi32>
      %slice3A_117 = vector.extract_strided_slice %select_n3A_96 {offsets = [0, 0, 0], sizes = [32, 8, 1], strides = [1, 1, 1]} : vector<32x8x128xi32> to vector<32x8x1xi32>
      %concatenate3A_118 = tpu.concatenate %slice3A_116, %slice3A_117 in 2 : vector<32x8x127xi32>, vector<32x8x1xi32> -> vector<32x8x128xi32>
      %slice3A_119 = vector.extract_strided_slice %select_n3A_96 {offsets = [0, 0, 127], sizes = [32, 8, 1], strides = [1, 1, 1]} : vector<32x8x128xi32> to vector<32x8x1xi32>
      %slice3A_120 = vector.extract_strided_slice %select_n3A_96 {offsets = [0, 0, 0], sizes = [32, 8, 127], strides = [1, 1, 1]} : vector<32x8x128xi32> to vector<32x8x127xi32>
      %concatenate3A_121 = tpu.concatenate %slice3A_119, %slice3A_120 in 2 : vector<32x8x1xi32>, vector<32x8x127xi32> -> vector<32x8x128xi32>
      %select_n3A_122 = arith.select %eq3A_102, %concatenate3A_118, %concatenate3A_121 : vector<32x8x128xi1>, vector<32x8x128xi32>
      %lt3A_123 = arith.cmpi slt, %select_n3A_95, %select_n3A_115 : vector<32x8x128xi32>
      %eq3A_124 = arith.cmpi eq, %select_n3A_95, %select_n3A_115 : vector<32x8x128xi32>
      %lt3A_125 = arith.cmpi slt, %select_n3A_96, %select_n3A_122 : vector<32x8x128xi32>
      %and3A_126 = arith.andi %eq3A_124, %lt3A_125 : vector<32x8x128xi1>
      %or3A_127 = arith.ori %lt3A_123, %and3A_126 : vector<32x8x128xi1>
      %eq3A_128 = arith.xori %eq3A_102, %eq3A_108 : vector<32x8x128xi1>
      %eq3A_129 = arith.constant dense<true> : vector<32x8x128xi1>
      %eq3A_130 = arith.xori %eq3A_128, %eq3A_129 : vector<32x8x128xi1>
      %eq3A_131 = arith.xori %eq3A_130, %or3A_127 : vector<32x8x128xi1>
      %eq3A_132 = arith.constant dense<true> : vector<32x8x128xi1>
      %eq3A_133 = arith.xori %eq3A_131, %eq3A_132 : vector<32x8x128xi1>
      %select_n3A_134 = arith.select %eq3A_133, %select_n3A_95, %select_n3A_115 : vector<32x8x128xi1>, vector<32x8x128xi32>
      %select_n3A_135 = arith.select %eq3A_133, %select_n3A_96, %select_n3A_122 : vector<32x8x128xi1>, vector<32x8x128xi32>
      %and3A_136 = arith.constant 4 : i32
      %and3A_137 = vector.broadcast %and3A_136 : i32 to vector<32x8x128xi32>
      %and3A_138 = arith.andi %add3A, %and3A_137 : vector<32x8x128xi32>
      %eq3A_139 = arith.constant 0 : i32
      %eq3A_140 = vector.broadcast %eq3A_139 : i32 to vector<32x8x128xi32>
      %eq3A_141 = arith.cmpi eq, %and3A_138, %eq3A_140 : vector<32x8x128xi32>
      %and3A_142 = arith.constant 8 : i32
      %and3A_143 = vector.broadcast %and3A_142 : i32 to vector<32x8x128xi32>
      %and3A_144 = arith.andi %add3A, %and3A_143 : vector<32x8x128xi32>
      %eq3A_145 = arith.constant 0 : i32
      %eq3A_146 = vector.broadcast %eq3A_145 : i32 to vector<32x8x128xi32>
      %eq3A_147 = arith.cmpi eq, %and3A_144, %eq3A_146 : vector<32x8x128xi32>
      %slice3A_148 = vector.extract_strided_slice %select_n3A_134 {offsets = [0, 0, 4], sizes = [32, 8, 124], strides = [1, 1, 1]} : vector<32x8x128xi32> to vector<32x8x124xi32>
      %slice3A_149 = vector.extract_strided_slice %select_n3A_134 {offsets = [0, 0, 0], sizes = [32, 8, 4], strides = [1, 1, 1]} : vector<32x8x128xi32> to vector<32x8x4xi32>
      %concatenate3A_150 = tpu.concatenate %slice3A_148, %slice3A_149 in 2 : vector<32x8x124xi32>, vector<32x8x4xi32> -> vector<32x8x128xi32>
      %slice3A_151 = vector.extract_strided_slice %select_n3A_134 {offsets = [0, 0, 124], sizes = [32, 8, 4], strides = [1, 1, 1]} : vector<32x8x128xi32> to vector<32x8x4xi32>
      %slice3A_152 = vector.extract_strided_slice %select_n3A_134 {offsets = [0, 0, 0], sizes = [32, 8, 124], strides = [1, 1, 1]} : vector<32x8x128xi32> to vector<32x8x124xi32>
      %concatenate3A_153 = tpu.concatenate %slice3A_151, %slice3A_152 in 2 : vector<32x8x4xi32>, vector<32x8x124xi32> -> vector<32x8x128xi32>
      %select_n3A_154 = arith.select %eq3A_141, %concatenate3A_150, %concatenate3A_153 : vector<32x8x128xi1>, vector<32x8x128xi32>
      %slice3A_155 = vector.extract_strided_slice %select_n3A_135 {offsets = [0, 0, 4], sizes = [32, 8, 124], strides = [1, 1, 1]} : vector<32x8x128xi32> to vector<32x8x124xi32>
      %slice3A_156 = vector.extract_strided_slice %select_n3A_135 {offsets = [0, 0, 0], sizes = [32, 8, 4], strides = [1, 1, 1]} : vector<32x8x128xi32> to vector<32x8x4xi32>
      %concatenate3A_157 = tpu.concatenate %slice3A_155, %slice3A_156 in 2 : vector<32x8x124xi32>, vector<32x8x4xi32> -> vector<32x8x128xi32>
      %slice3A_158 = vector.extract_strided_slice %select_n3A_135 {offsets = [0, 0, 124], sizes = [32, 8, 4], strides = [1, 1, 1]} : vector<32x8x128xi32> to vector<32x8x4xi32>
      %slice3A_159 = vector.extract_strided_slice %select_n3A_135 {offsets = [0, 0, 0], sizes = [32, 8, 124], strides = [1, 1, 1]} : vector<32x8x128xi32> to vector<32x8x124xi32>
      %concatenate3A_160 = tpu.concatenate %slice3A_158, %slice3A_159 in 2 : vector<32x8x4xi32>, vector<32x8x124xi32> -> vector<32x8x128xi32>
      %select_n3A_161 = arith.select %eq3A_141, %concatenate3A_157, %concatenate3A_160 : vector<32x8x128xi1>, vector<32x8x128xi32>
      %lt3A_162 = arith.cmpi slt, %select_n3A_134, %select_n3A_154 : vector<32x8x128xi32>
      %eq3A_163 = arith.cmpi eq, %select_n3A_134, %select_n3A_154 : vector<32x8x128xi32>
      %lt3A_164 = arith.cmpi slt, %select_n3A_135, %select_n3A_161 : vector<32x8x128xi32>
      %and3A_165 = arith.andi %eq3A_163, %lt3A_164 : vector<32x8x128xi1>
      %or3A_166 = arith.ori %lt3A_162, %and3A_165 : vector<32x8x128xi1>
      %eq3A_167 = arith.xori %eq3A_141, %eq3A_147 : vector<32x8x128xi1>
      %eq3A_168 = arith.constant dense<true> : vector<32x8x128xi1>
      %eq3A_169 = arith.xori %eq3A_167, %eq3A_168 : vector<32x8x128xi1>
      %eq3A_170 = arith.xori %eq3A_169, %or3A_166 : vector<32x8x128xi1>
      %eq3A_171 = arith.constant dense<true> : vector<32x8x128xi1>
      %eq3A_172 = arith.xori %eq3A_170, %eq3A_171 : vector<32x8x128xi1>
      %select_n3A_173 = arith.select %eq3A_172, %select_n3A_134, %select_n3A_154 : vector<32x8x128xi1>, vector<32x8x128xi32>
      %select_n3A_174 = arith.select %eq3A_172, %select_n3A_135, %select_n3A_161 : vector<32x8x128xi1>, vector<32x8x128xi32>
      %and3A_175 = arith.constant 2 : i32
      %and3A_176 = vector.broadcast %and3A_175 : i32 to vector<32x8x128xi32>
      %and3A_177 = arith.andi %add3A, %and3A_176 : vector<32x8x128xi32>
      %eq3A_178 = arith.constant 0 : i32
      %eq3A_179 = vector.broadcast %eq3A_178 : i32 to vector<32x8x128xi32>
      %eq3A_180 = arith.cmpi eq, %and3A_177, %eq3A_179 : vector<32x8x128xi32>
      %and3A_181 = arith.constant 8 : i32
      %and3A_182 = vector.broadcast %and3A_181 : i32 to vector<32x8x128xi32>
      %and3A_183 = arith.andi %add3A, %and3A_182 : vector<32x8x128xi32>
      %eq3A_184 = arith.constant 0 : i32
      %eq3A_185 = vector.broadcast %eq3A_184 : i32 to vector<32x8x128xi32>
      %eq3A_186 = arith.cmpi eq, %and3A_183, %eq3A_185 : vector<32x8x128xi32>
      %slice3A_187 = vector.extract_strided_slice %select_n3A_173 {offsets = [0, 0, 2], sizes = [32, 8, 126], strides = [1, 1, 1]} : vector<32x8x128xi32> to vector<32x8x126xi32>
      %slice3A_188 = vector.extract_strided_slice %select_n3A_173 {offsets = [0, 0, 0], sizes = [32, 8, 2], strides = [1, 1, 1]} : vector<32x8x128xi32> to vector<32x8x2xi32>
      %concatenate3A_189 = tpu.concatenate %slice3A_187, %slice3A_188 in 2 : vector<32x8x126xi32>, vector<32x8x2xi32> -> vector<32x8x128xi32>
      %slice3A_190 = vector.extract_strided_slice %select_n3A_173 {offsets = [0, 0, 126], sizes = [32, 8, 2], strides = [1, 1, 1]} : vector<32x8x128xi32> to vector<32x8x2xi32>
      %slice3A_191 = vector.extract_strided_slice %select_n3A_173 {offsets = [0, 0, 0], sizes = [32, 8, 126], strides = [1, 1, 1]} : vector<32x8x128xi32> to vector<32x8x126xi32>
      %concatenate3A_192 = tpu.concatenate %slice3A_190, %slice3A_191 in 2 : vector<32x8x2xi32>, vector<32x8x126xi32> -> vector<32x8x128xi32>
      %select_n3A_193 = arith.select %eq3A_180, %concatenate3A_189, %concatenate3A_192 : vector<32x8x128xi1>, vector<32x8x128xi32>
      %slice3A_194 = vector.extract_strided_slice %select_n3A_174 {offsets = [0, 0, 2], sizes = [32, 8, 126], strides = [1, 1, 1]} : vector<32x8x128xi32> to vector<32x8x126xi32>
      %slice3A_195 = vector.extract_strided_slice %select_n3A_174 {offsets = [0, 0, 0], sizes = [32, 8, 2], strides = [1, 1, 1]} : vector<32x8x128xi32> to vector<32x8x2xi32>
      %concatenate3A_196 = tpu.concatenate %slice3A_194, %slice3A_195 in 2 : vector<32x8x126xi32>, vector<32x8x2xi32> -> vector<32x8x128xi32>
      %slice3A_197 = vector.extract_strided_slice %select_n3A_174 {offsets = [0, 0, 126], sizes = [32, 8, 2], strides = [1, 1, 1]} : vector<32x8x128xi32> to vector<32x8x2xi32>
      %slice3A_198 = vector.extract_strided_slice %select_n3A_174 {offsets = [0, 0, 0], sizes = [32, 8, 126], strides = [1, 1, 1]} : vector<32x8x128xi32> to vector<32x8x126xi32>
      %concatenate3A_199 = tpu.concatenate %slice3A_197, %slice3A_198 in 2 : vector<32x8x2xi32>, vector<32x8x126xi32> -> vector<32x8x128xi32>
      %select_n3A_200 = arith.select %eq3A_180, %concatenate3A_196, %concatenate3A_199 : vector<32x8x128xi1>, vector<32x8x128xi32>
      %lt3A_201 = arith.cmpi slt, %select_n3A_173, %select_n3A_193 : vector<32x8x128xi32>
      %eq3A_202 = arith.cmpi eq, %select_n3A_173, %select_n3A_193 : vector<32x8x128xi32>
      %lt3A_203 = arith.cmpi slt, %select_n3A_174, %select_n3A_200 : vector<32x8x128xi32>
      %and3A_204 = arith.andi %eq3A_202, %lt3A_203 : vector<32x8x128xi1>
      %or3A_205 = arith.ori %lt3A_201, %and3A_204 : vector<32x8x128xi1>
      %eq3A_206 = arith.xori %eq3A_180, %eq3A_186 : vector<32x8x128xi1>
      %eq3A_207 = arith.constant dense<true> : vector<32x8x128xi1>
      %eq3A_208 = arith.xori %eq3A_206, %eq3A_207 : vector<32x8x128xi1>
      %eq3A_209 = arith.xori %eq3A_208, %or3A_205 : vector<32x8x128xi1>
      %eq3A_210 = arith.constant dense<true> : vector<32x8x128xi1>
      %eq3A_211 = arith.xori %eq3A_209, %eq3A_210 : vector<32x8x128xi1>
      %select_n3A_212 = arith.select %eq3A_211, %select_n3A_173, %select_n3A_193 : vector<32x8x128xi1>, vector<32x8x128xi32>
      %select_n3A_213 = arith.select %eq3A_211, %select_n3A_174, %select_n3A_200 : vector<32x8x128xi1>, vector<32x8x128xi32>
      %and3A_214 = arith.constant 1 : i32
      %and3A_215 = vector.broadcast %and3A_214 : i32 to vector<32x8x128xi32>
      %and3A_216 = arith.andi %add3A, %and3A_215 : vector<32x8x128xi32>
      %eq3A_217 = arith.constant 0 : i32
      %eq3A_218 = vector.broadcast %eq3A_217 : i32 to vector<32x8x128xi32>
      %eq3A_219 = arith.cmpi eq, %and3A_216, %eq3A_218 : vector<32x8x128xi32>
      %and3A_220 = arith.constant 8 : i32
      %and3A_221 = vector.broadcast %and3A_220 : i32 to vector<32x8x128xi32>
      %and3A_222 = arith.andi %add3A, %and3A_221 : vector<32x8x128xi32>
      %eq3A_223 = arith.constant 0 : i32
      %eq3A_224 = vector.broadcast %eq3A_223 : i32 to vector<32x8x128xi32>
      %eq3A_225 = arith.cmpi eq, %and3A_222, %eq3A_224 : vector<32x8x128xi32>
      %slice3A_226 = vector.extract_strided_slice %select_n3A_212 {offsets = [0, 0, 1], sizes = [32, 8, 127], strides = [1, 1, 1]} : vector<32x8x128xi32> to vector<32x8x127xi32>
      %slice3A_227 = vector.extract_strided_slice %select_n3A_212 {offsets = [0, 0, 0], sizes = [32, 8, 1], strides = [1, 1, 1]} : vector<32x8x128xi32> to vector<32x8x1xi32>
      %concatenate3A_228 = tpu.concatenate %slice3A_226, %slice3A_227 in 2 : vector<32x8x127xi32>, vector<32x8x1xi32> -> vector<32x8x128xi32>
      %slice3A_229 = vector.extract_strided_slice %select_n3A_212 {offsets = [0, 0, 127], sizes = [32, 8, 1], strides = [1, 1, 1]} : vector<32x8x128xi32> to vector<32x8x1xi32>
      %slice3A_230 = vector.extract_strided_slice %select_n3A_212 {offsets = [0, 0, 0], sizes = [32, 8, 127], strides = [1, 1, 1]} : vector<32x8x128xi32> to vector<32x8x127xi32>
      %concatenate3A_231 = tpu.concatenate %slice3A_229, %slice3A_230 in 2 : vector<32x8x1xi32>, vector<32x8x127xi32> -> vector<32x8x128xi32>
      %select_n3A_232 = arith.select %eq3A_219, %concatenate3A_228, %concatenate3A_231 : vector<32x8x128xi1>, vector<32x8x128xi32>
      %slice3A_233 = vector.extract_strided_slice %select_n3A_213 {offsets = [0, 0, 1], sizes = [32, 8, 127], strides = [1, 1, 1]} : vector<32x8x128xi32> to vector<32x8x127xi32>
      %slice3A_234 = vector.extract_strided_slice %select_n3A_213 {offsets = [0, 0, 0], sizes = [32, 8, 1], strides = [1, 1, 1]} : vector<32x8x128xi32> to vector<32x8x1xi32>
      %concatenate3A_235 = tpu.concatenate %slice3A_233, %slice3A_234 in 2 : vector<32x8x127xi32>, vector<32x8x1xi32> -> vector<32x8x128xi32>
      %slice3A_236 = vector.extract_strided_slice %select_n3A_213 {offsets = [0, 0, 127], sizes = [32, 8, 1], strides = [1, 1, 1]} : vector<32x8x128xi32> to vector<32x8x1xi32>
      %slice3A_237 = vector.extract_strided_slice %select_n3A_213 {offsets = [0, 0, 0], sizes = [32, 8, 127], strides = [1, 1, 1]} : vector<32x8x128xi32> to vector<32x8x127xi32>
      %concatenate3A_238 = tpu.concatenate %slice3A_236, %slice3A_237 in 2 : vector<32x8x1xi32>, vector<32x8x127xi32> -> vector<32x8x128xi32>
      %select_n3A_239 = arith.select %eq3A_219, %concatenate3A_235, %concatenate3A_238 : vector<32x8x128xi1>, vector<32x8x128xi32>
      %lt3A_240 = arith.cmpi slt, %select_n3A_212, %select_n3A_232 : vector<32x8x128xi32>
      %eq3A_241 = arith.cmpi eq, %select_n3A_212, %select_n3A_232 : vector<32x8x128xi32>
      %lt3A_242 = arith.cmpi slt, %select_n3A_213, %select_n3A_239 : vector<32x8x128xi32>
      %and3A_243 = arith.andi %eq3A_241, %lt3A_242 : vector<32x8x128xi1>
      %or3A_244 = arith.ori %lt3A_240, %and3A_243 : vector<32x8x128xi1>
      %eq3A_245 = arith.xori %eq3A_219, %eq3A_225 : vector<32x8x128xi1>
      %eq3A_246 = arith.constant dense<true> : vector<32x8x128xi1>
      %eq3A_247 = arith.xori %eq3A_245, %eq3A_246 : vector<32x8x128xi1>
      %eq3A_248 = arith.xori %eq3A_247, %or3A_244 : vector<32x8x128xi1>
      %eq3A_249 = arith.constant dense<true> : vector<32x8x128xi1>
      %eq3A_250 = arith.xori %eq3A_248, %eq3A_249 : vector<32x8x128xi1>
      %select_n3A_251 = arith.select %eq3A_250, %select_n3A_212, %select_n3A_232 : vector<32x8x128xi1>, vector<32x8x128xi32>
      %select_n3A_252 = arith.select %eq3A_250, %select_n3A_213, %select_n3A_239 : vector<32x8x128xi1>, vector<32x8x128xi32>
      %and3A_253 = arith.constant 8 : i32
      %and3A_254 = vector.broadcast %and3A_253 : i32 to vector<32x8x128xi32>
      %and3A_255 = arith.andi %add3A, %and3A_254 : vector<32x8x128xi32>
      %eq3A_256 = arith.constant 0 : i32
      %eq3A_257 = vector.broadcast %eq3A_256 : i32 to vector<32x8x128xi32>
      %eq3A_258 = arith.cmpi eq, %and3A_255, %eq3A_257 : vector<32x8x128xi32>
      %and3A_259 = arith.constant 16 : i32
      %and3A_260 = vector.broadcast %and3A_259 : i32 to vector<32x8x128xi32>
      %and3A_261 = arith.andi %add3A, %and3A_260 : vector<32x8x128xi32>
      %eq3A_262 = arith.constant 0 : i32
      %eq3A_263 = vector.broadcast %eq3A_262 : i32 to vector<32x8x128xi32>
      %eq3A_264 = arith.cmpi eq, %and3A_261, %eq3A_263 : vector<32x8x128xi32>
      %slice3A_265 = vector.extract_strided_slice %select_n3A_251 {offsets = [0, 0, 8], sizes = [32, 8, 120], strides = [1, 1, 1]} : vector<32x8x128xi32> to vector<32x8x120xi32>
      %slice3A_266 = vector.extract_strided_slice %select_n3A_251 {offsets = [0, 0, 0], sizes = [32, 8, 8], strides = [1, 1, 1]} : vector<32x8x128xi32> to vector<32x8x8xi32>
      %concatenate3A_267 = tpu.concatenate %slice3A_265, %slice3A_266 in 2 : vector<32x8x120xi32>, vector<32x8x8xi32> -> vector<32x8x128xi32>
      %slice3A_268 = vector.extract_strided_slice %select_n3A_251 {offsets = [0, 0, 120], sizes = [32, 8, 8], strides = [1, 1, 1]} : vector<32x8x128xi32> to vector<32x8x8xi32>
      %slice3A_269 = vector.extract_strided_slice %select_n3A_251 {offsets = [0, 0, 0], sizes = [32, 8, 120], strides = [1, 1, 1]} : vector<32x8x128xi32> to vector<32x8x120xi32>
      %concatenate3A_270 = tpu.concatenate %slice3A_268, %slice3A_269 in 2 : vector<32x8x8xi32>, vector<32x8x120xi32> -> vector<32x8x128xi32>
      %select_n3A_271 = arith.select %eq3A_258, %concatenate3A_267, %concatenate3A_270 : vector<32x8x128xi1>, vector<32x8x128xi32>
      %slice3A_272 = vector.extract_strided_slice %select_n3A_252 {offsets = [0, 0, 8], sizes = [32, 8, 120], strides = [1, 1, 1]} : vector<32x8x128xi32> to vector<32x8x120xi32>
      %slice3A_273 = vector.extract_strided_slice %select_n3A_252 {offsets = [0, 0, 0], sizes = [32, 8, 8], strides = [1, 1, 1]} : vector<32x8x128xi32> to vector<32x8x8xi32>
      %concatenate3A_274 = tpu.concatenate %slice3A_272, %slice3A_273 in 2 : vector<32x8x120xi32>, vector<32x8x8xi32> -> vector<32x8x128xi32>
      %slice3A_275 = vector.extract_strided_slice %select_n3A_252 {offsets = [0, 0, 120], sizes = [32, 8, 8], strides = [1, 1, 1]} : vector<32x8x128xi32> to vector<32x8x8xi32>
      %slice3A_276 = vector.extract_strided_slice %select_n3A_252 {offsets = [0, 0, 0], sizes = [32, 8, 120], strides = [1, 1, 1]} : vector<32x8x128xi32> to vector<32x8x120xi32>
      %concatenate3A_277 = tpu.concatenate %slice3A_275, %slice3A_276 in 2 : vector<32x8x8xi32>, vector<32x8x120xi32> -> vector<32x8x128xi32>
      %select_n3A_278 = arith.select %eq3A_258, %concatenate3A_274, %concatenate3A_277 : vector<32x8x128xi1>, vector<32x8x128xi32>
      %lt3A_279 = arith.cmpi slt, %select_n3A_251, %select_n3A_271 : vector<32x8x128xi32>
      %eq3A_280 = arith.cmpi eq, %select_n3A_251, %select_n3A_271 : vector<32x8x128xi32>
      %lt3A_281 = arith.cmpi slt, %select_n3A_252, %select_n3A_278 : vector<32x8x128xi32>
      %and3A_282 = arith.andi %eq3A_280, %lt3A_281 : vector<32x8x128xi1>
      %or3A_283 = arith.ori %lt3A_279, %and3A_282 : vector<32x8x128xi1>
      %eq3A_284 = arith.xori %eq3A_258, %eq3A_264 : vector<32x8x128xi1>
      %eq3A_285 = arith.constant dense<true> : vector<32x8x128xi1>
      %eq3A_286 = arith.xori %eq3A_284, %eq3A_285 : vector<32x8x128xi1>
      %eq3A_287 = arith.xori %eq3A_286, %or3A_283 : vector<32x8x128xi1>
      %eq3A_288 = arith.constant dense<true> : vector<32x8x128xi1>
      %eq3A_289 = arith.xori %eq3A_287, %eq3A_288 : vector<32x8x128xi1>
      %select_n3A_290 = arith.select %eq3A_289, %select_n3A_251, %select_n3A_271 : vector<32x8x128xi1>, vector<32x8x128xi32>
      %select_n3A_291 = arith.select %eq3A_289, %select_n3A_252, %select_n3A_278 : vector<32x8x128xi1>, vector<32x8x128xi32>
      %and3A_292 = arith.constant 4 : i32
      %and3A_293 = vector.broadcast %and3A_292 : i32 to vector<32x8x128xi32>
      %and3A_294 = arith.andi %add3A, %and3A_293 : vector<32x8x128xi32>
      %eq3A_295 = arith.constant 0 : i32
      %eq3A_296 = vector.broadcast %eq3A_295 : i32 to vector<32x8x128xi32>
      %eq3A_297 = arith.cmpi eq, %and3A_294, %eq3A_296 : vector<32x8x128xi32>
      %and3A_298 = arith.constant 16 : i32
      %and3A_299 = vector.broadcast %and3A_298 : i32 to vector<32x8x128xi32>
      %and3A_300 = arith.andi %add3A, %and3A_299 : vector<32x8x128xi32>
      %eq3A_301 = arith.constant 0 : i32
      %eq3A_302 = vector.broadcast %eq3A_301 : i32 to vector<32x8x128xi32>
      %eq3A_303 = arith.cmpi eq, %and3A_300, %eq3A_302 : vector<32x8x128xi32>
      %slice3A_304 = vector.extract_strided_slice %select_n3A_290 {offsets = [0, 0, 4], sizes = [32, 8, 124], strides = [1, 1, 1]} : vector<32x8x128xi32> to vector<32x8x124xi32>
      %slice3A_305 = vector.extract_strided_slice %select_n3A_290 {offsets = [0, 0, 0], sizes = [32, 8, 4], strides = [1, 1, 1]} : vector<32x8x128xi32> to vector<32x8x4xi32>
      %concatenate3A_306 = tpu.concatenate %slice3A_304, %slice3A_305 in 2 : vector<32x8x124xi32>, vector<32x8x4xi32> -> vector<32x8x128xi32>
      %slice3A_307 = vector.extract_strided_slice %select_n3A_290 {offsets = [0, 0, 124], sizes = [32, 8, 4], strides = [1, 1, 1]} : vector<32x8x128xi32> to vector<32x8x4xi32>
      %slice3A_308 = vector.extract_strided_slice %select_n3A_290 {offsets = [0, 0, 0], sizes = [32, 8, 124], strides = [1, 1, 1]} : vector<32x8x128xi32> to vector<32x8x124xi32>
      %concatenate3A_309 = tpu.concatenate %slice3A_307, %slice3A_308 in 2 : vector<32x8x4xi32>, vector<32x8x124xi32> -> vector<32x8x128xi32>
      %select_n3A_310 = arith.select %eq3A_297, %concatenate3A_306, %concatenate3A_309 : vector<32x8x128xi1>, vector<32x8x128xi32>
      %slice3A_311 = vector.extract_strided_slice %select_n3A_291 {offsets = [0, 0, 4], sizes = [32, 8, 124], strides = [1, 1, 1]} : vector<32x8x128xi32> to vector<32x8x124xi32>
      %slice3A_312 = vector.extract_strided_slice %select_n3A_291 {offsets = [0, 0, 0], sizes = [32, 8, 4], strides = [1, 1, 1]} : vector<32x8x128xi32> to vector<32x8x4xi32>
      %concatenate3A_313 = tpu.concatenate %slice3A_311, %slice3A_312 in 2 : vector<32x8x124xi32>, vector<32x8x4xi32> -> vector<32x8x128xi32>
      %slice3A_314 = vector.extract_strided_slice %select_n3A_291 {offsets = [0, 0, 124], sizes = [32, 8, 4], strides = [1, 1, 1]} : vector<32x8x128xi32> to vector<32x8x4xi32>
      %slice3A_315 = vector.extract_strided_slice %select_n3A_291 {offsets = [0, 0, 0], sizes = [32, 8, 124], strides = [1, 1, 1]} : vector<32x8x128xi32> to vector<32x8x124xi32>
      %concatenate3A_316 = tpu.concatenate %slice3A_314, %slice3A_315 in 2 : vector<32x8x4xi32>, vector<32x8x124xi32> -> vector<32x8x128xi32>
      %select_n3A_317 = arith.select %eq3A_297, %concatenate3A_313, %concatenate3A_316 : vector<32x8x128xi1>, vector<32x8x128xi32>
      %lt3A_318 = arith.cmpi slt, %select_n3A_290, %select_n3A_310 : vector<32x8x128xi32>
      %eq3A_319 = arith.cmpi eq, %select_n3A_290, %select_n3A_310 : vector<32x8x128xi32>
      %lt3A_320 = arith.cmpi slt, %select_n3A_291, %select_n3A_317 : vector<32x8x128xi32>
      %and3A_321 = arith.andi %eq3A_319, %lt3A_320 : vector<32x8x128xi1>
      %or3A_322 = arith.ori %lt3A_318, %and3A_321 : vector<32x8x128xi1>
      %eq3A_323 = arith.xori %eq3A_297, %eq3A_303 : vector<32x8x128xi1>
      %eq3A_324 = arith.constant dense<true> : vector<32x8x128xi1>
      %eq3A_325 = arith.xori %eq3A_323, %eq3A_324 : vector<32x8x128xi1>
      %eq3A_326 = arith.xori %eq3A_325, %or3A_322 : vector<32x8x128xi1>
      %eq3A_327 = arith.constant dense<true> : vector<32x8x128xi1>
      %eq3A_328 = arith.xori %eq3A_326, %eq3A_327 : vector<32x8x128xi1>
      %select_n3A_329 = arith.select %eq3A_328, %select_n3A_290, %select_n3A_310 : vector<32x8x128xi1>, vector<32x8x128xi32>
      %select_n3A_330 = arith.select %eq3A_328, %select_n3A_291, %select_n3A_317 : vector<32x8x128xi1>, vector<32x8x128xi32>
      %and3A_331 = arith.constant 2 : i32
      %and3A_332 = vector.broadcast %and3A_331 : i32 to vector<32x8x128xi32>
      %and3A_333 = arith.andi %add3A, %and3A_332 : vector<32x8x128xi32>
      %eq3A_334 = arith.constant 0 : i32
      %eq3A_335 = vector.broadcast %eq3A_334 : i32 to vector<32x8x128xi32>
      %eq3A_336 = arith.cmpi eq, %and3A_333, %eq3A_335 : vector<32x8x128xi32>
      %and3A_337 = arith.constant 16 : i32
      %and3A_338 = vector.broadcast %and3A_337 : i32 to vector<32x8x128xi32>
      %and3A_339 = arith.andi %add3A, %and3A_338 : vector<32x8x128xi32>
      %eq3A_340 = arith.constant 0 : i32
      %eq3A_341 = vector.broadcast %eq3A_340 : i32 to vector<32x8x128xi32>
      %eq3A_342 = arith.cmpi eq, %and3A_339, %eq3A_341 : vector<32x8x128xi32>
      %slice3A_343 = vector.extract_strided_slice %select_n3A_329 {offsets = [0, 0, 2], sizes = [32, 8, 126], strides = [1, 1, 1]} : vector<32x8x128xi32> to vector<32x8x126xi32>
      %slice3A_344 = vector.extract_strided_slice %select_n3A_329 {offsets = [0, 0, 0], sizes = [32, 8, 2], strides = [1, 1, 1]} : vector<32x8x128xi32> to vector<32x8x2xi32>
      %concatenate3A_345 = tpu.concatenate %slice3A_343, %slice3A_344 in 2 : vector<32x8x126xi32>, vector<32x8x2xi32> -> vector<32x8x128xi32>
      %slice3A_346 = vector.extract_strided_slice %select_n3A_329 {offsets = [0, 0, 126], sizes = [32, 8, 2], strides = [1, 1, 1]} : vector<32x8x128xi32> to vector<32x8x2xi32>
      %slice3A_347 = vector.extract_strided_slice %select_n3A_329 {offsets = [0, 0, 0], sizes = [32, 8, 126], strides = [1, 1, 1]} : vector<32x8x128xi32> to vector<32x8x126xi32>
      %concatenate3A_348 = tpu.concatenate %slice3A_346, %slice3A_347 in 2 : vector<32x8x2xi32>, vector<32x8x126xi32> -> vector<32x8x128xi32>
      %select_n3A_349 = arith.select %eq3A_336, %concatenate3A_345, %concatenate3A_348 : vector<32x8x128xi1>, vector<32x8x128xi32>
      %slice3A_350 = vector.extract_strided_slice %select_n3A_330 {offsets = [0, 0, 2], sizes = [32, 8, 126], strides = [1, 1, 1]} : vector<32x8x128xi32> to vector<32x8x126xi32>
      %slice3A_351 = vector.extract_strided_slice %select_n3A_330 {offsets = [0, 0, 0], sizes = [32, 8, 2], strides = [1, 1, 1]} : vector<32x8x128xi32> to vector<32x8x2xi32>
      %concatenate3A_352 = tpu.concatenate %slice3A_350, %slice3A_351 in 2 : vector<32x8x126xi32>, vector<32x8x2xi32> -> vector<32x8x128xi32>
      %slice3A_353 = vector.extract_strided_slice %select_n3A_330 {offsets = [0, 0, 126], sizes = [32, 8, 2], strides = [1, 1, 1]} : vector<32x8x128xi32> to vector<32x8x2xi32>
      %slice3A_354 = vector.extract_strided_slice %select_n3A_330 {offsets = [0, 0, 0], sizes = [32, 8, 126], strides = [1, 1, 1]} : vector<32x8x128xi32> to vector<32x8x126xi32>
      %concatenate3A_355 = tpu.concatenate %slice3A_353, %slice3A_354 in 2 : vector<32x8x2xi32>, vector<32x8x126xi32> -> vector<32x8x128xi32>
      %select_n3A_356 = arith.select %eq3A_336, %concatenate3A_352, %concatenate3A_355 : vector<32x8x128xi1>, vector<32x8x128xi32>
      %lt3A_357 = arith.cmpi slt, %select_n3A_329, %select_n3A_349 : vector<32x8x128xi32>
      %eq3A_358 = arith.cmpi eq, %select_n3A_329, %select_n3A_349 : vector<32x8x128xi32>
      %lt3A_359 = arith.cmpi slt, %select_n3A_330, %select_n3A_356 : vector<32x8x128xi32>
      %and3A_360 = arith.andi %eq3A_358, %lt3A_359 : vector<32x8x128xi1>
      %or3A_361 = arith.ori %lt3A_357, %and3A_360 : vector<32x8x128xi1>
      %eq3A_362 = arith.xori %eq3A_336, %eq3A_342 : vector<32x8x128xi1>
      %eq3A_363 = arith.constant dense<true> : vector<32x8x128xi1>
      %eq3A_364 = arith.xori %eq3A_362, %eq3A_363 : vector<32x8x128xi1>
      %eq3A_365 = arith.xori %eq3A_364, %or3A_361 : vector<32x8x128xi1>
      %eq3A_366 = arith.constant dense<true> : vector<32x8x128xi1>
      %eq3A_367 = arith.xori %eq3A_365, %eq3A_366 : vector<32x8x128xi1>
      %select_n3A_368 = arith.select %eq3A_367, %select_n3A_329, %select_n3A_349 : vector<32x8x128xi1>, vector<32x8x128xi32>
      %select_n3A_369 = arith.select %eq3A_367, %select_n3A_330, %select_n3A_356 : vector<32x8x128xi1>, vector<32x8x128xi32>
      %and3A_370 = arith.constant 1 : i32
      %and3A_371 = vector.broadcast %and3A_370 : i32 to vector<32x8x128xi32>
      %and3A_372 = arith.andi %add3A, %and3A_371 : vector<32x8x128xi32>
      %eq3A_373 = arith.constant 0 : i32
      %eq3A_374 = vector.broadcast %eq3A_373 : i32 to vector<32x8x128xi32>
      %eq3A_375 = arith.cmpi eq, %and3A_372, %eq3A_374 : vector<32x8x128xi32>
      %and3A_376 = arith.constant 16 : i32
      %and3A_377 = vector.broadcast %and3A_376 : i32 to vector<32x8x128xi32>
      %and3A_378 = arith.andi %add3A, %and3A_377 : vector<32x8x128xi32>
      %eq3A_379 = arith.constant 0 : i32
      %eq3A_380 = vector.broadcast %eq3A_379 : i32 to vector<32x8x128xi32>
      %eq3A_381 = arith.cmpi eq, %and3A_378, %eq3A_380 : vector<32x8x128xi32>
      %slice3A_382 = vector.extract_strided_slice %select_n3A_368 {offsets = [0, 0, 1], sizes = [32, 8, 127], strides = [1, 1, 1]} : vector<32x8x128xi32> to vector<32x8x127xi32>
      %slice3A_383 = vector.extract_strided_slice %select_n3A_368 {offsets = [0, 0, 0], sizes = [32, 8, 1], strides = [1, 1, 1]} : vector<32x8x128xi32> to vector<32x8x1xi32>
      %concatenate3A_384 = tpu.concatenate %slice3A_382, %slice3A_383 in 2 : vector<32x8x127xi32>, vector<32x8x1xi32> -> vector<32x8x128xi32>
      %slice3A_385 = vector.extract_strided_slice %select_n3A_368 {offsets = [0, 0, 127], sizes = [32, 8, 1], strides = [1, 1, 1]} : vector<32x8x128xi32> to vector<32x8x1xi32>
      %slice3A_386 = vector.extract_strided_slice %select_n3A_368 {offsets = [0, 0, 0], sizes = [32, 8, 127], strides = [1, 1, 1]} : vector<32x8x128xi32> to vector<32x8x127xi32>
      %concatenate3A_387 = tpu.concatenate %slice3A_385, %slice3A_386 in 2 : vector<32x8x1xi32>, vector<32x8x127xi32> -> vector<32x8x128xi32>
      %select_n3A_388 = arith.select %eq3A_375, %concatenate3A_384, %concatenate3A_387 : vector<32x8x128xi1>, vector<32x8x128xi32>
      %slice3A_389 = vector.extract_strided_slice %select_n3A_369 {offsets = [0, 0, 1], sizes = [32, 8, 127], strides = [1, 1, 1]} : vector<32x8x128xi32> to vector<32x8x127xi32>
      %slice3A_390 = vector.extract_strided_slice %select_n3A_369 {offsets = [0, 0, 0], sizes = [32, 8, 1], strides = [1, 1, 1]} : vector<32x8x128xi32> to vector<32x8x1xi32>
      %concatenate3A_391 = tpu.concatenate %slice3A_389, %slice3A_390 in 2 : vector<32x8x127xi32>, vector<32x8x1xi32> -> vector<32x8x128xi32>
      %slice3A_392 = vector.extract_strided_slice %select_n3A_369 {offsets = [0, 0, 127], sizes = [32, 8, 1], strides = [1, 1, 1]} : vector<32x8x128xi32> to vector<32x8x1xi32>
      %slice3A_393 = vector.extract_strided_slice %select_n3A_369 {offsets = [0, 0, 0], sizes = [32, 8, 127], strides = [1, 1, 1]} : vector<32x8x128xi32> to vector<32x8x127xi32>
      %concatenate3A_394 = tpu.concatenate %slice3A_392, %slice3A_393 in 2 : vector<32x8x1xi32>, vector<32x8x127xi32> -> vector<32x8x128xi32>
      %select_n3A_395 = arith.select %eq3A_375, %concatenate3A_391, %concatenate3A_394 : vector<32x8x128xi1>, vector<32x8x128xi32>
      %lt3A_396 = arith.cmpi slt, %select_n3A_368, %select_n3A_388 : vector<32x8x128xi32>
      %eq3A_397 = arith.cmpi eq, %select_n3A_368, %select_n3A_388 : vector<32x8x128xi32>
      %lt3A_398 = arith.cmpi slt, %select_n3A_369, %select_n3A_395 : vector<32x8x128xi32>
      %and3A_399 = arith.andi %eq3A_397, %lt3A_398 : vector<32x8x128xi1>
      %or3A_400 = arith.ori %lt3A_396, %and3A_399 : vector<32x8x128xi1>
      %eq3A_401 = arith.xori %eq3A_375, %eq3A_381 : vector<32x8x128xi1>
      %eq3A_402 = arith.constant dense<true> : vector<32x8x128xi1>
      %eq3A_403 = arith.xori %eq3A_401, %eq3A_402 : vector<32x8x128xi1>
      %eq3A_404 = arith.xori %eq3A_403, %or3A_400 : vector<32x8x128xi1>
      %eq3A_405 = arith.constant dense<true> : vector<32x8x128xi1>
      %eq3A_406 = arith.xori %eq3A_404, %eq3A_405 : vector<32x8x128xi1>
      %select_n3A_407 = arith.select %eq3A_406, %select_n3A_368, %select_n3A_388 : vector<32x8x128xi1>, vector<32x8x128xi32>
      %select_n3A_408 = arith.select %eq3A_406, %select_n3A_369, %select_n3A_395 : vector<32x8x128xi1>, vector<32x8x128xi32>
      %and3A_409 = arith.constant 16 : i32
      %and3A_410 = vector.broadcast %and3A_409 : i32 to vector<32x8x128xi32>
      %and3A_411 = arith.andi %add3A, %and3A_410 : vector<32x8x128xi32>
      %eq3A_412 = arith.constant 0 : i32
      %eq3A_413 = vector.broadcast %eq3A_412 : i32 to vector<32x8x128xi32>
      %eq3A_414 = arith.cmpi eq, %and3A_411, %eq3A_413 : vector<32x8x128xi32>
      %and3A_415 = arith.constant 32 : i32
      %and3A_416 = vector.broadcast %and3A_415 : i32 to vector<32x8x128xi32>
      %and3A_417 = arith.andi %add3A, %and3A_416 : vector<32x8x128xi32>
      %eq3A_418 = arith.constant 0 : i32
      %eq3A_419 = vector.broadcast %eq3A_418 : i32 to vector<32x8x128xi32>
      %eq3A_420 = arith.cmpi eq, %and3A_417, %eq3A_419 : vector<32x8x128xi32>
      %slice3A_421 = vector.extract_strided_slice %select_n3A_407 {offsets = [0, 0, 16], sizes = [32, 8, 112], strides = [1, 1, 1]} : vector<32x8x128xi32> to vector<32x8x112xi32>
      %slice3A_422 = vector.extract_strided_slice %select_n3A_407 {offsets = [0, 0, 0], sizes = [32, 8, 16], strides = [1, 1, 1]} : vector<32x8x128xi32> to vector<32x8x16xi32>
      %concatenate3A_423 = tpu.concatenate %slice3A_421, %slice3A_422 in 2 : vector<32x8x112xi32>, vector<32x8x16xi32> -> vector<32x8x128xi32>
      %slice3A_424 = vector.extract_strided_slice %select_n3A_407 {offsets = [0, 0, 112], sizes = [32, 8, 16], strides = [1, 1, 1]} : vector<32x8x128xi32> to vector<32x8x16xi32>
      %slice3A_425 = vector.extract_strided_slice %select_n3A_407 {offsets = [0, 0, 0], sizes = [32, 8, 112], strides = [1, 1, 1]} : vector<32x8x128xi32> to vector<32x8x112xi32>
      %concatenate3A_426 = tpu.concatenate %slice3A_424, %slice3A_425 in 2 : vector<32x8x16xi32>, vector<32x8x112xi32> -> vector<32x8x128xi32>
      %select_n3A_427 = arith.select %eq3A_414, %concatenate3A_423, %concatenate3A_426 : vector<32x8x128xi1>, vector<32x8x128xi32>
      %slice3A_428 = vector.extract_strided_slice %select_n3A_408 {offsets = [0, 0, 16], sizes = [32, 8, 112], strides = [1, 1, 1]} : vector<32x8x128xi32> to vector<32x8x112xi32>
      %slice3A_429 = vector.extract_strided_slice %select_n3A_408 {offsets = [0, 0, 0], sizes = [32, 8, 16], strides = [1, 1, 1]} : vector<32x8x128xi32> to vector<32x8x16xi32>
      %concatenate3A_430 = tpu.concatenate %slice3A_428, %slice3A_429 in 2 : vector<32x8x112xi32>, vector<32x8x16xi32> -> vector<32x8x128xi32>
      %slice3A_431 = vector.extract_strided_slice %select_n3A_408 {offsets = [0, 0, 112], sizes = [32, 8, 16], strides = [1, 1, 1]} : vector<32x8x128xi32> to vector<32x8x16xi32>
      %slice3A_432 = vector.extract_strided_slice %select_n3A_408 {offsets = [0, 0, 0], sizes = [32, 8, 112], strides = [1, 1, 1]} : vector<32x8x128xi32> to vector<32x8x112xi32>
      %concatenate3A_433 = tpu.concatenate %slice3A_431, %slice3A_432 in 2 : vector<32x8x16xi32>, vector<32x8x112xi32> -> vector<32x8x128xi32>
      %select_n3A_434 = arith.select %eq3A_414, %concatenate3A_430, %concatenate3A_433 : vector<32x8x128xi1>, vector<32x8x128xi32>
      %lt3A_435 = arith.cmpi slt, %select_n3A_407, %select_n3A_427 : vector<32x8x128xi32>
      %eq3A_436 = arith.cmpi eq, %select_n3A_407, %select_n3A_427 : vector<32x8x128xi32>
      %lt3A_437 = arith.cmpi slt, %select_n3A_408, %select_n3A_434 : vector<32x8x128xi32>
      %and3A_438 = arith.andi %eq3A_436, %lt3A_437 : vector<32x8x128xi1>
      %or3A_439 = arith.ori %lt3A_435, %and3A_438 : vector<32x8x128xi1>
      %eq3A_440 = arith.xori %eq3A_414, %eq3A_420 : vector<32x8x128xi1>
      %eq3A_441 = arith.constant dense<true> : vector<32x8x128xi1>
      %eq3A_442 = arith.xori %eq3A_440, %eq3A_441 : vector<32x8x128xi1>
      %eq3A_443 = arith.xori %eq3A_442, %or3A_439 : vector<32x8x128xi1>
      %eq3A_444 = arith.constant dense<true> : vector<32x8x128xi1>
      %eq3A_445 = arith.xori %eq3A_443, %eq3A_444 : vector<32x8x128xi1>
      %select_n3A_446 = arith.select %eq3A_445, %select_n3A_407, %select_n3A_427 : vector<32x8x128xi1>, vector<32x8x128xi32>
      %select_n3A_447 = arith.select %eq3A_445, %select_n3A_408, %select_n3A_434 : vector<32x8x128xi1>, vector<32x8x128xi32>
      %and3A_448 = arith.constant 8 : i32
      %and3A_449 = vector.broadcast %and3A_448 : i32 to vector<32x8x128xi32>
      %and3A_450 = arith.andi %add3A, %and3A_449 : vector<32x8x128xi32>
      %eq3A_451 = arith.constant 0 : i32
      %eq3A_452 = vector.broadcast %eq3A_451 : i32 to vector<32x8x128xi32>
      %eq3A_453 = arith.cmpi eq, %and3A_450, %eq3A_452 : vector<32x8x128xi32>
      %and3A_454 = arith.constant 32 : i32
      %and3A_455 = vector.broadcast %and3A_454 : i32 to vector<32x8x128xi32>
      %and3A_456 = arith.andi %add3A, %and3A_455 : vector<32x8x128xi32>
      %eq3A_457 = arith.constant 0 : i32
      %eq3A_458 = vector.broadcast %eq3A_457 : i32 to vector<32x8x128xi32>
      %eq3A_459 = arith.cmpi eq, %and3A_456, %eq3A_458 : vector<32x8x128xi32>
      %slice3A_460 = vector.extract_strided_slice %select_n3A_446 {offsets = [0, 0, 8], sizes = [32, 8, 120], strides = [1, 1, 1]} : vector<32x8x128xi32> to vector<32x8x120xi32>
      %slice3A_461 = vector.extract_strided_slice %select_n3A_446 {offsets = [0, 0, 0], sizes = [32, 8, 8], strides = [1, 1, 1]} : vector<32x8x128xi32> to vector<32x8x8xi32>
      %concatenate3A_462 = tpu.concatenate %slice3A_460, %slice3A_461 in 2 : vector<32x8x120xi32>, vector<32x8x8xi32> -> vector<32x8x128xi32>
      %slice3A_463 = vector.extract_strided_slice %select_n3A_446 {offsets = [0, 0, 120], sizes = [32, 8, 8], strides = [1, 1, 1]} : vector<32x8x128xi32> to vector<32x8x8xi32>
      %slice3A_464 = vector.extract_strided_slice %select_n3A_446 {offsets = [0, 0, 0], sizes = [32, 8, 120], strides = [1, 1, 1]} : vector<32x8x128xi32> to vector<32x8x120xi32>
      %concatenate3A_465 = tpu.concatenate %slice3A_463, %slice3A_464 in 2 : vector<32x8x8xi32>, vector<32x8x120xi32> -> vector<32x8x128xi32>
      %select_n3A_466 = arith.select %eq3A_453, %concatenate3A_462, %concatenate3A_465 : vector<32x8x128xi1>, vector<32x8x128xi32>
      %slice3A_467 = vector.extract_strided_slice %select_n3A_447 {offsets = [0, 0, 8], sizes = [32, 8, 120], strides = [1, 1, 1]} : vector<32x8x128xi32> to vector<32x8x120xi32>
      %slice3A_468 = vector.extract_strided_slice %select_n3A_447 {offsets = [0, 0, 0], sizes = [32, 8, 8], strides = [1, 1, 1]} : vector<32x8x128xi32> to vector<32x8x8xi32>
      %concatenate3A_469 = tpu.concatenate %slice3A_467, %slice3A_468 in 2 : vector<32x8x120xi32>, vector<32x8x8xi32> -> vector<32x8x128xi32>
      %slice3A_470 = vector.extract_strided_slice %select_n3A_447 {offsets = [0, 0, 120], sizes = [32, 8, 8], strides = [1, 1, 1]} : vector<32x8x128xi32> to vector<32x8x8xi32>
      %slice3A_471 = vector.extract_strided_slice %select_n3A_447 {offsets = [0, 0, 0], sizes = [32, 8, 120], strides = [1, 1, 1]} : vector<32x8x128xi32> to vector<32x8x120xi32>
      %concatenate3A_472 = tpu.concatenate %slice3A_470, %slice3A_471 in 2 : vector<32x8x8xi32>, vector<32x8x120xi32> -> vector<32x8x128xi32>
      %select_n3A_473 = arith.select %eq3A_453, %concatenate3A_469, %concatenate3A_472 : vector<32x8x128xi1>, vector<32x8x128xi32>
      %lt3A_474 = arith.cmpi slt, %select_n3A_446, %select_n3A_466 : vector<32x8x128xi32>
      %eq3A_475 = arith.cmpi eq, %select_n3A_446, %select_n3A_466 : vector<32x8x128xi32>
      %lt3A_476 = arith.cmpi slt, %select_n3A_447, %select_n3A_473 : vector<32x8x128xi32>
      %and3A_477 = arith.andi %eq3A_475, %lt3A_476 : vector<32x8x128xi1>
      %or3A_478 = arith.ori %lt3A_474, %and3A_477 : vector<32x8x128xi1>
      %eq3A_479 = arith.xori %eq3A_453, %eq3A_459 : vector<32x8x128xi1>
      %eq3A_480 = arith.constant dense<true> : vector<32x8x128xi1>
      %eq3A_481 = arith.xori %eq3A_479, %eq3A_480 : vector<32x8x128xi1>
      %eq3A_482 = arith.xori %eq3A_481, %or3A_478 : vector<32x8x128xi1>
      %eq3A_483 = arith.constant dense<true> : vector<32x8x128xi1>
      %eq3A_484 = arith.xori %eq3A_482, %eq3A_483 : vector<32x8x128xi1>
      %select_n3A_485 = arith.select %eq3A_484, %select_n3A_446, %select_n3A_466 : vector<32x8x128xi1>, vector<32x8x128xi32>
      %select_n3A_486 = arith.select %eq3A_484, %select_n3A_447, %select_n3A_473 : vector<32x8x128xi1>, vector<32x8x128xi32>
      %and3A_487 = arith.constant 4 : i32
      %and3A_488 = vector.broadcast %and3A_487 : i32 to vector<32x8x128xi32>
      %and3A_489 = arith.andi %add3A, %and3A_488 : vector<32x8x128xi32>
      %eq3A_490 = arith.constant 0 : i32
      %eq3A_491 = vector.broadcast %eq3A_490 : i32 to vector<32x8x128xi32>
      %eq3A_492 = arith.cmpi eq, %and3A_489, %eq3A_491 : vector<32x8x128xi32>
      %and3A_493 = arith.constant 32 : i32
      %and3A_494 = vector.broadcast %and3A_493 : i32 to vector<32x8x128xi32>
      %and3A_495 = arith.andi %add3A, %and3A_494 : vector<32x8x128xi32>
      %eq3A_496 = arith.constant 0 : i32
      %eq3A_497 = vector.broadcast %eq3A_496 : i32 to vector<32x8x128xi32>
      %eq3A_498 = arith.cmpi eq, %and3A_495, %eq3A_497 : vector<32x8x128xi32>
      %slice3A_499 = vector.extract_strided_slice %select_n3A_485 {offsets = [0, 0, 4], sizes = [32, 8, 124], strides = [1, 1, 1]} : vector<32x8x128xi32> to vector<32x8x124xi32>
      %slice3A_500 = vector.extract_strided_slice %select_n3A_485 {offsets = [0, 0, 0], sizes = [32, 8, 4], strides = [1, 1, 1]} : vector<32x8x128xi32> to vector<32x8x4xi32>
      %concatenate3A_501 = tpu.concatenate %slice3A_499, %slice3A_500 in 2 : vector<32x8x124xi32>, vector<32x8x4xi32> -> vector<32x8x128xi32>
      %slice3A_502 = vector.extract_strided_slice %select_n3A_485 {offsets = [0, 0, 124], sizes = [32, 8, 4], strides = [1, 1, 1]} : vector<32x8x128xi32> to vector<32x8x4xi32>
      %slice3A_503 = vector.extract_strided_slice %select_n3A_485 {offsets = [0, 0, 0], sizes = [32, 8, 124], strides = [1, 1, 1]} : vector<32x8x128xi32> to vector<32x8x124xi32>
      %concatenate3A_504 = tpu.concatenate %slice3A_502, %slice3A_503 in 2 : vector<32x8x4xi32>, vector<32x8x124xi32> -> vector<32x8x128xi32>
      %select_n3A_505 = arith.select %eq3A_492, %concatenate3A_501, %concatenate3A_504 : vector<32x8x128xi1>, vector<32x8x128xi32>
      %slice3A_506 = vector.extract_strided_slice %select_n3A_486 {offsets = [0, 0, 4], sizes = [32, 8, 124], strides = [1, 1, 1]} : vector<32x8x128xi32> to vector<32x8x124xi32>
      %slice3A_507 = vector.extract_strided_slice %select_n3A_486 {offsets = [0, 0, 0], sizes = [32, 8, 4], strides = [1, 1, 1]} : vector<32x8x128xi32> to vector<32x8x4xi32>
      %concatenate3A_508 = tpu.concatenate %slice3A_506, %slice3A_507 in 2 : vector<32x8x124xi32>, vector<32x8x4xi32> -> vector<32x8x128xi32>
      %slice3A_509 = vector.extract_strided_slice %select_n3A_486 {offsets = [0, 0, 124], sizes = [32, 8, 4], strides = [1, 1, 1]} : vector<32x8x128xi32> to vector<32x8x4xi32>
      %slice3A_510 = vector.extract_strided_slice %select_n3A_486 {offsets = [0, 0, 0], sizes = [32, 8, 124], strides = [1, 1, 1]} : vector<32x8x128xi32> to vector<32x8x124xi32>
      %concatenate3A_511 = tpu.concatenate %slice3A_509, %slice3A_510 in 2 : vector<32x8x4xi32>, vector<32x8x124xi32> -> vector<32x8x128xi32>
      %select_n3A_512 = arith.select %eq3A_492, %concatenate3A_508, %concatenate3A_511 : vector<32x8x128xi1>, vector<32x8x128xi32>
      %lt3A_513 = arith.cmpi slt, %select_n3A_485, %select_n3A_505 : vector<32x8x128xi32>
      %eq3A_514 = arith.cmpi eq, %select_n3A_485, %select_n3A_505 : vector<32x8x128xi32>
      %lt3A_515 = arith.cmpi slt, %select_n3A_486, %select_n3A_512 : vector<32x8x128xi32>
      %and3A_516 = arith.andi %eq3A_514, %lt3A_515 : vector<32x8x128xi1>
      %or3A_517 = arith.ori %lt3A_513, %and3A_516 : vector<32x8x128xi1>
      %eq3A_518 = arith.xori %eq3A_492, %eq3A_498 : vector<32x8x128xi1>
      %eq3A_519 = arith.constant dense<true> : vector<32x8x128xi1>
      %eq3A_520 = arith.xori %eq3A_518, %eq3A_519 : vector<32x8x128xi1>
      %eq3A_521 = arith.xori %eq3A_520, %or3A_517 : vector<32x8x128xi1>
      %eq3A_522 = arith.constant dense<true> : vector<32x8x128xi1>
      %eq3A_523 = arith.xori %eq3A_521, %eq3A_522 : vector<32x8x128xi1>
      %select_n3A_524 = arith.select %eq3A_523, %select_n3A_485, %select_n3A_505 : vector<32x8x128xi1>, vector<32x8x128xi32>
      %select_n3A_525 = arith.select %eq3A_523, %select_n3A_486, %select_n3A_512 : vector<32x8x128xi1>, vector<32x8x128xi32>
      %and3A_526 = arith.constant 2 : i32
      %and3A_527 = vector.broadcast %and3A_526 : i32 to vector<32x8x128xi32>
      %and3A_528 = arith.andi %add3A, %and3A_527 : vector<32x8x128xi32>
      %eq3A_529 = arith.constant 0 : i32
      %eq3A_530 = vector.broadcast %eq3A_529 : i32 to vector<32x8x128xi32>
      %eq3A_531 = arith.cmpi eq, %and3A_528, %eq3A_530 : vector<32x8x128xi32>
      %and3A_532 = arith.constant 32 : i32
      %and3A_533 = vector.broadcast %and3A_532 : i32 to vector<32x8x128xi32>
      %and3A_534 = arith.andi %add3A, %and3A_533 : vector<32x8x128xi32>
      %eq3A_535 = arith.constant 0 : i32
      %eq3A_536 = vector.broadcast %eq3A_535 : i32 to vector<32x8x128xi32>
      %eq3A_537 = arith.cmpi eq, %and3A_534, %eq3A_536 : vector<32x8x128xi32>
      %slice3A_538 = vector.extract_strided_slice %select_n3A_524 {offsets = [0, 0, 2], sizes = [32, 8, 126], strides = [1, 1, 1]} : vector<32x8x128xi32> to vector<32x8x126xi32>
      %slice3A_539 = vector.extract_strided_slice %select_n3A_524 {offsets = [0, 0, 0], sizes = [32, 8, 2], strides = [1, 1, 1]} : vector<32x8x128xi32> to vector<32x8x2xi32>
      %concatenate3A_540 = tpu.concatenate %slice3A_538, %slice3A_539 in 2 : vector<32x8x126xi32>, vector<32x8x2xi32> -> vector<32x8x128xi32>
      %slice3A_541 = vector.extract_strided_slice %select_n3A_524 {offsets = [0, 0, 126], sizes = [32, 8, 2], strides = [1, 1, 1]} : vector<32x8x128xi32> to vector<32x8x2xi32>
      %slice3A_542 = vector.extract_strided_slice %select_n3A_524 {offsets = [0, 0, 0], sizes = [32, 8, 126], strides = [1, 1, 1]} : vector<32x8x128xi32> to vector<32x8x126xi32>
      %concatenate3A_543 = tpu.concatenate %slice3A_541, %slice3A_542 in 2 : vector<32x8x2xi32>, vector<32x8x126xi32> -> vector<32x8x128xi32>
      %select_n3A_544 = arith.select %eq3A_531, %concatenate3A_540, %concatenate3A_543 : vector<32x8x128xi1>, vector<32x8x128xi32>
      %slice3A_545 = vector.extract_strided_slice %select_n3A_525 {offsets = [0, 0, 2], sizes = [32, 8, 126], strides = [1, 1, 1]} : vector<32x8x128xi32> to vector<32x8x126xi32>
      %slice3A_546 = vector.extract_strided_slice %select_n3A_525 {offsets = [0, 0, 0], sizes = [32, 8, 2], strides = [1, 1, 1]} : vector<32x8x128xi32> to vector<32x8x2xi32>
      %concatenate3A_547 = tpu.concatenate %slice3A_545, %slice3A_546 in 2 : vector<32x8x126xi32>, vector<32x8x2xi32> -> vector<32x8x128xi32>
      %slice3A_548 = vector.extract_strided_slice %select_n3A_525 {offsets = [0, 0, 126], sizes = [32, 8, 2], strides = [1, 1, 1]} : vector<32x8x128xi32> to vector<32x8x2xi32>
      %slice3A_549 = vector.extract_strided_slice %select_n3A_525 {offsets = [0, 0, 0], sizes = [32, 8, 126], strides = [1, 1, 1]} : vector<32x8x128xi32> to vector<32x8x126xi32>
      %concatenate3A_550 = tpu.concatenate %slice3A_548, %slice3A_549 in 2 : vector<32x8x2xi32>, vector<32x8x126xi32> -> vector<32x8x128xi32>
      %select_n3A_551 = arith.select %eq3A_531, %concatenate3A_547, %concatenate3A_550 : vector<32x8x128xi1>, vector<32x8x128xi32>
      %lt3A_552 = arith.cmpi slt, %select_n3A_524, %select_n3A_544 : vector<32x8x128xi32>
      %eq3A_553 = arith.cmpi eq, %select_n3A_524, %select_n3A_544 : vector<32x8x128xi32>
      %lt3A_554 = arith.cmpi slt, %select_n3A_525, %select_n3A_551 : vector<32x8x128xi32>
      %and3A_555 = arith.andi %eq3A_553, %lt3A_554 : vector<32x8x128xi1>
      %or3A_556 = arith.ori %lt3A_552, %and3A_555 : vector<32x8x128xi1>
      %eq3A_557 = arith.xori %eq3A_531, %eq3A_537 : vector<32x8x128xi1>
      %eq3A_558 = arith.constant dense<true> : vector<32x8x128xi1>
      %eq3A_559 = arith.xori %eq3A_557, %eq3A_558 : vector<32x8x128xi1>
      %eq3A_560 = arith.xori %eq3A_559, %or3A_556 : vector<32x8x128xi1>
      %eq3A_561 = arith.constant dense<true> : vector<32x8x128xi1>
      %eq3A_562 = arith.xori %eq3A_560, %eq3A_561 : vector<32x8x128xi1>
      %select_n3A_563 = arith.select %eq3A_562, %select_n3A_524, %select_n3A_544 : vector<32x8x128xi1>, vector<32x8x128xi32>
      %select_n3A_564 = arith.select %eq3A_562, %select_n3A_525, %select_n3A_551 : vector<32x8x128xi1>, vector<32x8x128xi32>
      %and3A_565 = arith.constant 1 : i32
      %and3A_566 = vector.broadcast %and3A_565 : i32 to vector<32x8x128xi32>
      %and3A_567 = arith.andi %add3A, %and3A_566 : vector<32x8x128xi32>
      %eq3A_568 = arith.constant 0 : i32
      %eq3A_569 = vector.broadcast %eq3A_568 : i32 to vector<32x8x128xi32>
      %eq3A_570 = arith.cmpi eq, %and3A_567, %eq3A_569 : vector<32x8x128xi32>
      %and3A_571 = arith.constant 32 : i32
      %and3A_572 = vector.broadcast %and3A_571 : i32 to vector<32x8x128xi32>
      %and3A_573 = arith.andi %add3A, %and3A_572 : vector<32x8x128xi32>
      %eq3A_574 = arith.constant 0 : i32
      %eq3A_575 = vector.broadcast %eq3A_574 : i32 to vector<32x8x128xi32>
      %eq3A_576 = arith.cmpi eq, %and3A_573, %eq3A_575 : vector<32x8x128xi32>
      %slice3A_577 = vector.extract_strided_slice %select_n3A_563 {offsets = [0, 0, 1], sizes = [32, 8, 127], strides = [1, 1, 1]} : vector<32x8x128xi32> to vector<32x8x127xi32>
      %slice3A_578 = vector.extract_strided_slice %select_n3A_563 {offsets = [0, 0, 0], sizes = [32, 8, 1], strides = [1, 1, 1]} : vector<32x8x128xi32> to vector<32x8x1xi32>
      %concatenate3A_579 = tpu.concatenate %slice3A_577, %slice3A_578 in 2 : vector<32x8x127xi32>, vector<32x8x1xi32> -> vector<32x8x128xi32>
      %slice3A_580 = vector.extract_strided_slice %select_n3A_563 {offsets = [0, 0, 127], sizes = [32, 8, 1], strides = [1, 1, 1]} : vector<32x8x128xi32> to vector<32x8x1xi32>
      %slice3A_581 = vector.extract_strided_slice %select_n3A_563 {offsets = [0, 0, 0], sizes = [32, 8, 127], strides = [1, 1, 1]} : vector<32x8x128xi32> to vector<32x8x127xi32>
      %concatenate3A_582 = tpu.concatenate %slice3A_580, %slice3A_581 in 2 : vector<32x8x1xi32>, vector<32x8x127xi32> -> vector<32x8x128xi32>
      %select_n3A_583 = arith.select %eq3A_570, %concatenate3A_579, %concatenate3A_582 : vector<32x8x128xi1>, vector<32x8x128xi32>
      %slice3A_584 = vector.extract_strided_slice %select_n3A_564 {offsets = [0, 0, 1], sizes = [32, 8, 127], strides = [1, 1, 1]} : vector<32x8x128xi32> to vector<32x8x127xi32>
      %slice3A_585 = vector.extract_strided_slice %select_n3A_564 {offsets = [0, 0, 0], sizes = [32, 8, 1], strides = [1, 1, 1]} : vector<32x8x128xi32> to vector<32x8x1xi32>
      %concatenate3A_586 = tpu.concatenate %slice3A_584, %slice3A_585 in 2 : vector<32x8x127xi32>, vector<32x8x1xi32> -> vector<32x8x128xi32>
      %slice3A_587 = vector.extract_strided_slice %select_n3A_564 {offsets = [0, 0, 127], sizes = [32, 8, 1], strides = [1, 1, 1]} : vector<32x8x128xi32> to vector<32x8x1xi32>
      %slice3A_588 = vector.extract_strided_slice %select_n3A_564 {offsets = [0, 0, 0], sizes = [32, 8, 127], strides = [1, 1, 1]} : vector<32x8x128xi32> to vector<32x8x127xi32>
      %concatenate3A_589 = tpu.concatenate %slice3A_587, %slice3A_588 in 2 : vector<32x8x1xi32>, vector<32x8x127xi32> -> vector<32x8x128xi32>
      %select_n3A_590 = arith.select %eq3A_570, %concatenate3A_586, %concatenate3A_589 : vector<32x8x128xi1>, vector<32x8x128xi32>
      %lt3A_591 = arith.cmpi slt, %select_n3A_563, %select_n3A_583 : vector<32x8x128xi32>
      %eq3A_592 = arith.cmpi eq, %select_n3A_563, %select_n3A_583 : vector<32x8x128xi32>
      %lt3A_593 = arith.cmpi slt, %select_n3A_564, %select_n3A_590 : vector<32x8x128xi32>
      %and3A_594 = arith.andi %eq3A_592, %lt3A_593 : vector<32x8x128xi1>
      %or3A_595 = arith.ori %lt3A_591, %and3A_594 : vector<32x8x128xi1>
      %eq3A_596 = arith.xori %eq3A_570, %eq3A_576 : vector<32x8x128xi1>
      %eq3A_597 = arith.constant dense<true> : vector<32x8x128xi1>
      %eq3A_598 = arith.xori %eq3A_596, %eq3A_597 : vector<32x8x128xi1>
      %eq3A_599 = arith.xori %eq3A_598, %or3A_595 : vector<32x8x128xi1>
      %eq3A_600 = arith.constant dense<true> : vector<32x8x128xi1>
      %eq3A_601 = arith.xori %eq3A_599, %eq3A_600 : vector<32x8x128xi1>
      %select_n3A_602 = arith.select %eq3A_601, %select_n3A_563, %select_n3A_583 : vector<32x8x128xi1>, vector<32x8x128xi32>
      %select_n3A_603 = arith.select %eq3A_601, %select_n3A_564, %select_n3A_590 : vector<32x8x128xi1>, vector<32x8x128xi32>
      %and3A_604 = arith.constant 32 : i32
      %and3A_605 = vector.broadcast %and3A_604 : i32 to vector<32x8x128xi32>
      %and3A_606 = arith.andi %add3A, %and3A_605 : vector<32x8x128xi32>
      %eq3A_607 = arith.constant 0 : i32
      %eq3A_608 = vector.broadcast %eq3A_607 : i32 to vector<32x8x128xi32>
      %eq3A_609 = arith.cmpi eq, %and3A_606, %eq3A_608 : vector<32x8x128xi32>
      %and3A_610 = arith.constant 64 : i32
      %and3A_611 = vector.broadcast %and3A_610 : i32 to vector<32x8x128xi32>
      %and3A_612 = arith.andi %add3A, %and3A_611 : vector<32x8x128xi32>
      %eq3A_613 = arith.constant 0 : i32
      %eq3A_614 = vector.broadcast %eq3A_613 : i32 to vector<32x8x128xi32>
      %eq3A_615 = arith.cmpi eq, %and3A_612, %eq3A_614 : vector<32x8x128xi32>
      %slice3A_616 = vector.extract_strided_slice %select_n3A_602 {offsets = [0, 0, 32], sizes = [32, 8, 96], strides = [1, 1, 1]} : vector<32x8x128xi32> to vector<32x8x96xi32>
      %slice3A_617 = vector.extract_strided_slice %select_n3A_602 {offsets = [0, 0, 0], sizes = [32, 8, 32], strides = [1, 1, 1]} : vector<32x8x128xi32> to vector<32x8x32xi32>
      %concatenate3A_618 = tpu.concatenate %slice3A_616, %slice3A_617 in 2 : vector<32x8x96xi32>, vector<32x8x32xi32> -> vector<32x8x128xi32>
      %slice3A_619 = vector.extract_strided_slice %select_n3A_602 {offsets = [0, 0, 96], sizes = [32, 8, 32], strides = [1, 1, 1]} : vector<32x8x128xi32> to vector<32x8x32xi32>
      %slice3A_620 = vector.extract_strided_slice %select_n3A_602 {offsets = [0, 0, 0], sizes = [32, 8, 96], strides = [1, 1, 1]} : vector<32x8x128xi32> to vector<32x8x96xi32>
      %concatenate3A_621 = tpu.concatenate %slice3A_619, %slice3A_620 in 2 : vector<32x8x32xi32>, vector<32x8x96xi32> -> vector<32x8x128xi32>
      %select_n3A_622 = arith.select %eq3A_609, %concatenate3A_618, %concatenate3A_621 : vector<32x8x128xi1>, vector<32x8x128xi32>
      %slice3A_623 = vector.extract_strided_slice %select_n3A_603 {offsets = [0, 0, 32], sizes = [32, 8, 96], strides = [1, 1, 1]} : vector<32x8x128xi32> to vector<32x8x96xi32>
      %slice3A_624 = vector.extract_strided_slice %select_n3A_603 {offsets = [0, 0, 0], sizes = [32, 8, 32], strides = [1, 1, 1]} : vector<32x8x128xi32> to vector<32x8x32xi32>
      %concatenate3A_625 = tpu.concatenate %slice3A_623, %slice3A_624 in 2 : vector<32x8x96xi32>, vector<32x8x32xi32> -> vector<32x8x128xi32>
      %slice3A_626 = vector.extract_strided_slice %select_n3A_603 {offsets = [0, 0, 96], sizes = [32, 8, 32], strides = [1, 1, 1]} : vector<32x8x128xi32> to vector<32x8x32xi32>
      %slice3A_627 = vector.extract_strided_slice %select_n3A_603 {offsets = [0, 0, 0], sizes = [32, 8, 96], strides = [1, 1, 1]} : vector<32x8x128xi32> to vector<32x8x96xi32>
      %concatenate3A_628 = tpu.concatenate %slice3A_626, %slice3A_627 in 2 : vector<32x8x32xi32>, vector<32x8x96xi32> -> vector<32x8x128xi32>
      %select_n3A_629 = arith.select %eq3A_609, %concatenate3A_625, %concatenate3A_628 : vector<32x8x128xi1>, vector<32x8x128xi32>
      %lt3A_630 = arith.cmpi slt, %select_n3A_602, %select_n3A_622 : vector<32x8x128xi32>
      %eq3A_631 = arith.cmpi eq, %select_n3A_602, %select_n3A_622 : vector<32x8x128xi32>
      %lt3A_632 = arith.cmpi slt, %select_n3A_603, %select_n3A_629 : vector<32x8x128xi32>
      %and3A_633 = arith.andi %eq3A_631, %lt3A_632 : vector<32x8x128xi1>
      %or3A_634 = arith.ori %lt3A_630, %and3A_633 : vector<32x8x128xi1>
      %eq3A_635 = arith.xori %eq3A_609, %eq3A_615 : vector<32x8x128xi1>
      %eq3A_636 = arith.constant dense<true> : vector<32x8x128xi1>
      %eq3A_637 = arith.xori %eq3A_635, %eq3A_636 : vector<32x8x128xi1>
      %eq3A_638 = arith.xori %eq3A_637, %or3A_634 : vector<32x8x128xi1>
      %eq3A_639 = arith.constant dense<true> : vector<32x8x128xi1>
      %eq3A_640 = arith.xori %eq3A_638, %eq3A_639 : vector<32x8x128xi1>
      %select_n3A_641 = arith.select %eq3A_640, %select_n3A_602, %select_n3A_622 : vector<32x8x128xi1>, vector<32x8x128xi32>
      %select_n3A_642 = arith.select %eq3A_640, %select_n3A_603, %select_n3A_629 : vector<32x8x128xi1>, vector<32x8x128xi32>
      %and3A_643 = arith.constant 16 : i32
      %and3A_644 = vector.broadcast %and3A_643 : i32 to vector<32x8x128xi32>
      %and3A_645 = arith.andi %add3A, %and3A_644 : vector<32x8x128xi32>
      %eq3A_646 = arith.constant 0 : i32
      %eq3A_647 = vector.broadcast %eq3A_646 : i32 to vector<32x8x128xi32>
      %eq3A_648 = arith.cmpi eq, %and3A_645, %eq3A_647 : vector<32x8x128xi32>
      %and3A_649 = arith.constant 64 : i32
      %and3A_650 = vector.broadcast %and3A_649 : i32 to vector<32x8x128xi32>
      %and3A_651 = arith.andi %add3A, %and3A_650 : vector<32x8x128xi32>
      %eq3A_652 = arith.constant 0 : i32
      %eq3A_653 = vector.broadcast %eq3A_652 : i32 to vector<32x8x128xi32>
      %eq3A_654 = arith.cmpi eq, %and3A_651, %eq3A_653 : vector<32x8x128xi32>
      %slice3A_655 = vector.extract_strided_slice %select_n3A_641 {offsets = [0, 0, 16], sizes = [32, 8, 112], strides = [1, 1, 1]} : vector<32x8x128xi32> to vector<32x8x112xi32>
      %slice3A_656 = vector.extract_strided_slice %select_n3A_641 {offsets = [0, 0, 0], sizes = [32, 8, 16], strides = [1, 1, 1]} : vector<32x8x128xi32> to vector<32x8x16xi32>
      %concatenate3A_657 = tpu.concatenate %slice3A_655, %slice3A_656 in 2 : vector<32x8x112xi32>, vector<32x8x16xi32> -> vector<32x8x128xi32>
      %slice3A_658 = vector.extract_strided_slice %select_n3A_641 {offsets = [0, 0, 112], sizes = [32, 8, 16], strides = [1, 1, 1]} : vector<32x8x128xi32> to vector<32x8x16xi32>
      %slice3A_659 = vector.extract_strided_slice %select_n3A_641 {offsets = [0, 0, 0], sizes = [32, 8, 112], strides = [1, 1, 1]} : vector<32x8x128xi32> to vector<32x8x112xi32>
      %concatenate3A_660 = tpu.concatenate %slice3A_658, %slice3A_659 in 2 : vector<32x8x16xi32>, vector<32x8x112xi32> -> vector<32x8x128xi32>
      %select_n3A_661 = arith.select %eq3A_648, %concatenate3A_657, %concatenate3A_660 : vector<32x8x128xi1>, vector<32x8x128xi32>
      %slice3A_662 = vector.extract_strided_slice %select_n3A_642 {offsets = [0, 0, 16], sizes = [32, 8, 112], strides = [1, 1, 1]} : vector<32x8x128xi32> to vector<32x8x112xi32>
      %slice3A_663 = vector.extract_strided_slice %select_n3A_642 {offsets = [0, 0, 0], sizes = [32, 8, 16], strides = [1, 1, 1]} : vector<32x8x128xi32> to vector<32x8x16xi32>
      %concatenate3A_664 = tpu.concatenate %slice3A_662, %slice3A_663 in 2 : vector<32x8x112xi32>, vector<32x8x16xi32> -> vector<32x8x128xi32>
      %slice3A_665 = vector.extract_strided_slice %select_n3A_642 {offsets = [0, 0, 112], sizes = [32, 8, 16], strides = [1, 1, 1]} : vector<32x8x128xi32> to vector<32x8x16xi32>
      %slice3A_666 = vector.extract_strided_slice %select_n3A_642 {offsets = [0, 0, 0], sizes = [32, 8, 112], strides = [1, 1, 1]} : vector<32x8x128xi32> to vector<32x8x112xi32>
      %concatenate3A_667 = tpu.concatenate %slice3A_665, %slice3A_666 in 2 : vector<32x8x16xi32>, vector<32x8x112xi32> -> vector<32x8x128xi32>
      %select_n3A_668 = arith.select %eq3A_648, %concatenate3A_664, %concatenate3A_667 : vector<32x8x128xi1>, vector<32x8x128xi32>
      %lt3A_669 = arith.cmpi slt, %select_n3A_641, %select_n3A_661 : vector<32x8x128xi32>
      %eq3A_670 = arith.cmpi eq, %select_n3A_641, %select_n3A_661 : vector<32x8x128xi32>
      %lt3A_671 = arith.cmpi slt, %select_n3A_642, %select_n3A_668 : vector<32x8x128xi32>
      %and3A_672 = arith.andi %eq3A_670, %lt3A_671 : vector<32x8x128xi1>
      %or3A_673 = arith.ori %lt3A_669, %and3A_672 : vector<32x8x128xi1>
      %eq3A_674 = arith.xori %eq3A_648, %eq3A_654 : vector<32x8x128xi1>
      %eq3A_675 = arith.constant dense<true> : vector<32x8x128xi1>
      %eq3A_676 = arith.xori %eq3A_674, %eq3A_675 : vector<32x8x128xi1>
      %eq3A_677 = arith.xori %eq3A_676, %or3A_673 : vector<32x8x128xi1>
      %eq3A_678 = arith.constant dense<true> : vector<32x8x128xi1>
      %eq3A_679 = arith.xori %eq3A_677, %eq3A_678 : vector<32x8x128xi1>
      %select_n3A_680 = arith.select %eq3A_679, %select_n3A_641, %select_n3A_661 : vector<32x8x128xi1>, vector<32x8x128xi32>
      %select_n3A_681 = arith.select %eq3A_679, %select_n3A_642, %select_n3A_668 : vector<32x8x128xi1>, vector<32x8x128xi32>
      %and3A_682 = arith.constant 8 : i32
      %and3A_683 = vector.broadcast %and3A_682 : i32 to vector<32x8x128xi32>
      %and3A_684 = arith.andi %add3A, %and3A_683 : vector<32x8x128xi32>
      %eq3A_685 = arith.constant 0 : i32
      %eq3A_686 = vector.broadcast %eq3A_685 : i32 to vector<32x8x128xi32>
      %eq3A_687 = arith.cmpi eq, %and3A_684, %eq3A_686 : vector<32x8x128xi32>
      %and3A_688 = arith.constant 64 : i32
      %and3A_689 = vector.broadcast %and3A_688 : i32 to vector<32x8x128xi32>
      %and3A_690 = arith.andi %add3A, %and3A_689 : vector<32x8x128xi32>
      %eq3A_691 = arith.constant 0 : i32
      %eq3A_692 = vector.broadcast %eq3A_691 : i32 to vector<32x8x128xi32>
      %eq3A_693 = arith.cmpi eq, %and3A_690, %eq3A_692 : vector<32x8x128xi32>
      %slice3A_694 = vector.extract_strided_slice %select_n3A_680 {offsets = [0, 0, 8], sizes = [32, 8, 120], strides = [1, 1, 1]} : vector<32x8x128xi32> to vector<32x8x120xi32>
      %slice3A_695 = vector.extract_strided_slice %select_n3A_680 {offsets = [0, 0, 0], sizes = [32, 8, 8], strides = [1, 1, 1]} : vector<32x8x128xi32> to vector<32x8x8xi32>
      %concatenate3A_696 = tpu.concatenate %slice3A_694, %slice3A_695 in 2 : vector<32x8x120xi32>, vector<32x8x8xi32> -> vector<32x8x128xi32>
      %slice3A_697 = vector.extract_strided_slice %select_n3A_680 {offsets = [0, 0, 120], sizes = [32, 8, 8], strides = [1, 1, 1]} : vector<32x8x128xi32> to vector<32x8x8xi32>
      %slice3A_698 = vector.extract_strided_slice %select_n3A_680 {offsets = [0, 0, 0], sizes = [32, 8, 120], strides = [1, 1, 1]} : vector<32x8x128xi32> to vector<32x8x120xi32>
      %concatenate3A_699 = tpu.concatenate %slice3A_697, %slice3A_698 in 2 : vector<32x8x8xi32>, vector<32x8x120xi32> -> vector<32x8x128xi32>
      %select_n3A_700 = arith.select %eq3A_687, %concatenate3A_696, %concatenate3A_699 : vector<32x8x128xi1>, vector<32x8x128xi32>
      %slice3A_701 = vector.extract_strided_slice %select_n3A_681 {offsets = [0, 0, 8], sizes = [32, 8, 120], strides = [1, 1, 1]} : vector<32x8x128xi32> to vector<32x8x120xi32>
      %slice3A_702 = vector.extract_strided_slice %select_n3A_681 {offsets = [0, 0, 0], sizes = [32, 8, 8], strides = [1, 1, 1]} : vector<32x8x128xi32> to vector<32x8x8xi32>
      %concatenate3A_703 = tpu.concatenate %slice3A_701, %slice3A_702 in 2 : vector<32x8x120xi32>, vector<32x8x8xi32> -> vector<32x8x128xi32>
      %slice3A_704 = vector.extract_strided_slice %select_n3A_681 {offsets = [0, 0, 120], sizes = [32, 8, 8], strides = [1, 1, 1]} : vector<32x8x128xi32> to vector<32x8x8xi32>
      %slice3A_705 = vector.extract_strided_slice %select_n3A_681 {offsets = [0, 0, 0], sizes = [32, 8, 120], strides = [1, 1, 1]} : vector<32x8x128xi32> to vector<32x8x120xi32>
      %concatenate3A_706 = tpu.concatenate %slice3A_704, %slice3A_705 in 2 : vector<32x8x8xi32>, vector<32x8x120xi32> -> vector<32x8x128xi32>
      %select_n3A_707 = arith.select %eq3A_687, %concatenate3A_703, %concatenate3A_706 : vector<32x8x128xi1>, vector<32x8x128xi32>
      %lt3A_708 = arith.cmpi slt, %select_n3A_680, %select_n3A_700 : vector<32x8x128xi32>
      %eq3A_709 = arith.cmpi eq, %select_n3A_680, %select_n3A_700 : vector<32x8x128xi32>
      %lt3A_710 = arith.cmpi slt, %select_n3A_681, %select_n3A_707 : vector<32x8x128xi32>
      %and3A_711 = arith.andi %eq3A_709, %lt3A_710 : vector<32x8x128xi1>
      %or3A_712 = arith.ori %lt3A_708, %and3A_711 : vector<32x8x128xi1>
      %eq3A_713 = arith.xori %eq3A_687, %eq3A_693 : vector<32x8x128xi1>
      %eq3A_714 = arith.constant dense<true> : vector<32x8x128xi1>
      %eq3A_715 = arith.xori %eq3A_713, %eq3A_714 : vector<32x8x128xi1>
      %eq3A_716 = arith.xori %eq3A_715, %or3A_712 : vector<32x8x128xi1>
      %eq3A_717 = arith.constant dense<true> : vector<32x8x128xi1>
      %eq3A_718 = arith.xori %eq3A_716, %eq3A_717 : vector<32x8x128xi1>
      %select_n3A_719 = arith.select %eq3A_718, %select_n3A_680, %select_n3A_700 : vector<32x8x128xi1>, vector<32x8x128xi32>
      %select_n3A_720 = arith.select %eq3A_718, %select_n3A_681, %select_n3A_707 : vector<32x8x128xi1>, vector<32x8x128xi32>
      %and3A_721 = arith.constant 4 : i32
      %and3A_722 = vector.broadcast %and3A_721 : i32 to vector<32x8x128xi32>
      %and3A_723 = arith.andi %add3A, %and3A_722 : vector<32x8x128xi32>
      %eq3A_724 = arith.constant 0 : i32
      %eq3A_725 = vector.broadcast %eq3A_724 : i32 to vector<32x8x128xi32>
      %eq3A_726 = arith.cmpi eq, %and3A_723, %eq3A_725 : vector<32x8x128xi32>
      %and3A_727 = arith.constant 64 : i32
      %and3A_728 = vector.broadcast %and3A_727 : i32 to vector<32x8x128xi32>
      %and3A_729 = arith.andi %add3A, %and3A_728 : vector<32x8x128xi32>
      %eq3A_730 = arith.constant 0 : i32
      %eq3A_731 = vector.broadcast %eq3A_730 : i32 to vector<32x8x128xi32>
      %eq3A_732 = arith.cmpi eq, %and3A_729, %eq3A_731 : vector<32x8x128xi32>
      %slice3A_733 = vector.extract_strided_slice %select_n3A_719 {offsets = [0, 0, 4], sizes = [32, 8, 124], strides = [1, 1, 1]} : vector<32x8x128xi32> to vector<32x8x124xi32>
      %slice3A_734 = vector.extract_strided_slice %select_n3A_719 {offsets = [0, 0, 0], sizes = [32, 8, 4], strides = [1, 1, 1]} : vector<32x8x128xi32> to vector<32x8x4xi32>
      %concatenate3A_735 = tpu.concatenate %slice3A_733, %slice3A_734 in 2 : vector<32x8x124xi32>, vector<32x8x4xi32> -> vector<32x8x128xi32>
      %slice3A_736 = vector.extract_strided_slice %select_n3A_719 {offsets = [0, 0, 124], sizes = [32, 8, 4], strides = [1, 1, 1]} : vector<32x8x128xi32> to vector<32x8x4xi32>
      %slice3A_737 = vector.extract_strided_slice %select_n3A_719 {offsets = [0, 0, 0], sizes = [32, 8, 124], strides = [1, 1, 1]} : vector<32x8x128xi32> to vector<32x8x124xi32>
      %concatenate3A_738 = tpu.concatenate %slice3A_736, %slice3A_737 in 2 : vector<32x8x4xi32>, vector<32x8x124xi32> -> vector<32x8x128xi32>
      %select_n3A_739 = arith.select %eq3A_726, %concatenate3A_735, %concatenate3A_738 : vector<32x8x128xi1>, vector<32x8x128xi32>
      %slice3A_740 = vector.extract_strided_slice %select_n3A_720 {offsets = [0, 0, 4], sizes = [32, 8, 124], strides = [1, 1, 1]} : vector<32x8x128xi32> to vector<32x8x124xi32>
      %slice3A_741 = vector.extract_strided_slice %select_n3A_720 {offsets = [0, 0, 0], sizes = [32, 8, 4], strides = [1, 1, 1]} : vector<32x8x128xi32> to vector<32x8x4xi32>
      %concatenate3A_742 = tpu.concatenate %slice3A_740, %slice3A_741 in 2 : vector<32x8x124xi32>, vector<32x8x4xi32> -> vector<32x8x128xi32>
      %slice3A_743 = vector.extract_strided_slice %select_n3A_720 {offsets = [0, 0, 124], sizes = [32, 8, 4], strides = [1, 1, 1]} : vector<32x8x128xi32> to vector<32x8x4xi32>
      %slice3A_744 = vector.extract_strided_slice %select_n3A_720 {offsets = [0, 0, 0], sizes = [32, 8, 124], strides = [1, 1, 1]} : vector<32x8x128xi32> to vector<32x8x124xi32>
      %concatenate3A_745 = tpu.concatenate %slice3A_743, %slice3A_744 in 2 : vector<32x8x4xi32>, vector<32x8x124xi32> -> vector<32x8x128xi32>
      %select_n3A_746 = arith.select %eq3A_726, %concatenate3A_742, %concatenate3A_745 : vector<32x8x128xi1>, vector<32x8x128xi32>
      %lt3A_747 = arith.cmpi slt, %select_n3A_719, %select_n3A_739 : vector<32x8x128xi32>
      %eq3A_748 = arith.cmpi eq, %select_n3A_719, %select_n3A_739 : vector<32x8x128xi32>
      %lt3A_749 = arith.cmpi slt, %select_n3A_720, %select_n3A_746 : vector<32x8x128xi32>
      %and3A_750 = arith.andi %eq3A_748, %lt3A_749 : vector<32x8x128xi1>
      %or3A_751 = arith.ori %lt3A_747, %and3A_750 : vector<32x8x128xi1>
      %eq3A_752 = arith.xori %eq3A_726, %eq3A_732 : vector<32x8x128xi1>
      %eq3A_753 = arith.constant dense<true> : vector<32x8x128xi1>
      %eq3A_754 = arith.xori %eq3A_752, %eq3A_753 : vector<32x8x128xi1>
      %eq3A_755 = arith.xori %eq3A_754, %or3A_751 : vector<32x8x128xi1>
      %eq3A_756 = arith.constant dense<true> : vector<32x8x128xi1>
      %eq3A_757 = arith.xori %eq3A_755, %eq3A_756 : vector<32x8x128xi1>
      %select_n3A_758 = arith.select %eq3A_757, %select_n3A_719, %select_n3A_739 : vector<32x8x128xi1>, vector<32x8x128xi32>
      %select_n3A_759 = arith.select %eq3A_757, %select_n3A_720, %select_n3A_746 : vector<32x8x128xi1>, vector<32x8x128xi32>
      %and3A_760 = arith.constant 2 : i32
      %and3A_761 = vector.broadcast %and3A_760 : i32 to vector<32x8x128xi32>
      %and3A_762 = arith.andi %add3A, %and3A_761 : vector<32x8x128xi32>
      %eq3A_763 = arith.constant 0 : i32
      %eq3A_764 = vector.broadcast %eq3A_763 : i32 to vector<32x8x128xi32>
      %eq3A_765 = arith.cmpi eq, %and3A_762, %eq3A_764 : vector<32x8x128xi32>
      %and3A_766 = arith.constant 64 : i32
      %and3A_767 = vector.broadcast %and3A_766 : i32 to vector<32x8x128xi32>
      %and3A_768 = arith.andi %add3A, %and3A_767 : vector<32x8x128xi32>
      %eq3A_769 = arith.constant 0 : i32
      %eq3A_770 = vector.broadcast %eq3A_769 : i32 to vector<32x8x128xi32>
      %eq3A_771 = arith.cmpi eq, %and3A_768, %eq3A_770 : vector<32x8x128xi32>
      %slice3A_772 = vector.extract_strided_slice %select_n3A_758 {offsets = [0, 0, 2], sizes = [32, 8, 126], strides = [1, 1, 1]} : vector<32x8x128xi32> to vector<32x8x126xi32>
      %slice3A_773 = vector.extract_strided_slice %select_n3A_758 {offsets = [0, 0, 0], sizes = [32, 8, 2], strides = [1, 1, 1]} : vector<32x8x128xi32> to vector<32x8x2xi32>
      %concatenate3A_774 = tpu.concatenate %slice3A_772, %slice3A_773 in 2 : vector<32x8x126xi32>, vector<32x8x2xi32> -> vector<32x8x128xi32>
      %slice3A_775 = vector.extract_strided_slice %select_n3A_758 {offsets = [0, 0, 126], sizes = [32, 8, 2], strides = [1, 1, 1]} : vector<32x8x128xi32> to vector<32x8x2xi32>
      %slice3A_776 = vector.extract_strided_slice %select_n3A_758 {offsets = [0, 0, 0], sizes = [32, 8, 126], strides = [1, 1, 1]} : vector<32x8x128xi32> to vector<32x8x126xi32>
      %concatenate3A_777 = tpu.concatenate %slice3A_775, %slice3A_776 in 2 : vector<32x8x2xi32>, vector<32x8x126xi32> -> vector<32x8x128xi32>
      %select_n3A_778 = arith.select %eq3A_765, %concatenate3A_774, %concatenate3A_777 : vector<32x8x128xi1>, vector<32x8x128xi32>
      %slice3A_779 = vector.extract_strided_slice %select_n3A_759 {offsets = [0, 0, 2], sizes = [32, 8, 126], strides = [1, 1, 1]} : vector<32x8x128xi32> to vector<32x8x126xi32>
      %slice3A_780 = vector.extract_strided_slice %select_n3A_759 {offsets = [0, 0, 0], sizes = [32, 8, 2], strides = [1, 1, 1]} : vector<32x8x128xi32> to vector<32x8x2xi32>
      %concatenate3A_781 = tpu.concatenate %slice3A_779, %slice3A_780 in 2 : vector<32x8x126xi32>, vector<32x8x2xi32> -> vector<32x8x128xi32>
      %slice3A_782 = vector.extract_strided_slice %select_n3A_759 {offsets = [0, 0, 126], sizes = [32, 8, 2], strides = [1, 1, 1]} : vector<32x8x128xi32> to vector<32x8x2xi32>
      %slice3A_783 = vector.extract_strided_slice %select_n3A_759 {offsets = [0, 0, 0], sizes = [32, 8, 126], strides = [1, 1, 1]} : vector<32x8x128xi32> to vector<32x8x126xi32>
      %concatenate3A_784 = tpu.concatenate %slice3A_782, %slice3A_783 in 2 : vector<32x8x2xi32>, vector<32x8x126xi32> -> vector<32x8x128xi32>
      %select_n3A_785 = arith.select %eq3A_765, %concatenate3A_781, %concatenate3A_784 : vector<32x8x128xi1>, vector<32x8x128xi32>
      %lt3A_786 = arith.cmpi slt, %select_n3A_758, %select_n3A_778 : vector<32x8x128xi32>
      %eq3A_787 = arith.cmpi eq, %select_n3A_758, %select_n3A_778 : vector<32x8x128xi32>
      %lt3A_788 = arith.cmpi slt, %select_n3A_759, %select_n3A_785 : vector<32x8x128xi32>
      %and3A_789 = arith.andi %eq3A_787, %lt3A_788 : vector<32x8x128xi1>
      %or3A_790 = arith.ori %lt3A_786, %and3A_789 : vector<32x8x128xi1>
      %eq3A_791 = arith.xori %eq3A_765, %eq3A_771 : vector<32x8x128xi1>
      %eq3A_792 = arith.constant dense<true> : vector<32x8x128xi1>
      %eq3A_793 = arith.xori %eq3A_791, %eq3A_792 : vector<32x8x128xi1>
      %eq3A_794 = arith.xori %eq3A_793, %or3A_790 : vector<32x8x128xi1>
      %eq3A_795 = arith.constant dense<true> : vector<32x8x128xi1>
      %eq3A_796 = arith.xori %eq3A_794, %eq3A_795 : vector<32x8x128xi1>
      %select_n3A_797 = arith.select %eq3A_796, %select_n3A_758, %select_n3A_778 : vector<32x8x128xi1>, vector<32x8x128xi32>
      %select_n3A_798 = arith.select %eq3A_796, %select_n3A_759, %select_n3A_785 : vector<32x8x128xi1>, vector<32x8x128xi32>
      %and3A_799 = arith.constant 1 : i32
      %and3A_800 = vector.broadcast %and3A_799 : i32 to vector<32x8x128xi32>
      %and3A_801 = arith.andi %add3A, %and3A_800 : vector<32x8x128xi32>
      %eq3A_802 = arith.constant 0 : i32
      %eq3A_803 = vector.broadcast %eq3A_802 : i32 to vector<32x8x128xi32>
      %eq3A_804 = arith.cmpi eq, %and3A_801, %eq3A_803 : vector<32x8x128xi32>
      %and3A_805 = arith.constant 64 : i32
      %and3A_806 = vector.broadcast %and3A_805 : i32 to vector<32x8x128xi32>
      %and3A_807 = arith.andi %add3A, %and3A_806 : vector<32x8x128xi32>
      %eq3A_808 = arith.constant 0 : i32
      %eq3A_809 = vector.broadcast %eq3A_808 : i32 to vector<32x8x128xi32>
      %eq3A_810 = arith.cmpi eq, %and3A_807, %eq3A_809 : vector<32x8x128xi32>
      %slice3A_811 = vector.extract_strided_slice %select_n3A_797 {offsets = [0, 0, 1], sizes = [32, 8, 127], strides = [1, 1, 1]} : vector<32x8x128xi32> to vector<32x8x127xi32>
      %slice3A_812 = vector.extract_strided_slice %select_n3A_797 {offsets = [0, 0, 0], sizes = [32, 8, 1], strides = [1, 1, 1]} : vector<32x8x128xi32> to vector<32x8x1xi32>
      %concatenate3A_813 = tpu.concatenate %slice3A_811, %slice3A_812 in 2 : vector<32x8x127xi32>, vector<32x8x1xi32> -> vector<32x8x128xi32>
      %slice3A_814 = vector.extract_strided_slice %select_n3A_797 {offsets = [0, 0, 127], sizes = [32, 8, 1], strides = [1, 1, 1]} : vector<32x8x128xi32> to vector<32x8x1xi32>
      %slice3A_815 = vector.extract_strided_slice %select_n3A_797 {offsets = [0, 0, 0], sizes = [32, 8, 127], strides = [1, 1, 1]} : vector<32x8x128xi32> to vector<32x8x127xi32>
      %concatenate3A_816 = tpu.concatenate %slice3A_814, %slice3A_815 in 2 : vector<32x8x1xi32>, vector<32x8x127xi32> -> vector<32x8x128xi32>
      %select_n3A_817 = arith.select %eq3A_804, %concatenate3A_813, %concatenate3A_816 : vector<32x8x128xi1>, vector<32x8x128xi32>
      %slice3A_818 = vector.extract_strided_slice %select_n3A_798 {offsets = [0, 0, 1], sizes = [32, 8, 127], strides = [1, 1, 1]} : vector<32x8x128xi32> to vector<32x8x127xi32>
      %slice3A_819 = vector.extract_strided_slice %select_n3A_798 {offsets = [0, 0, 0], sizes = [32, 8, 1], strides = [1, 1, 1]} : vector<32x8x128xi32> to vector<32x8x1xi32>
      %concatenate3A_820 = tpu.concatenate %slice3A_818, %slice3A_819 in 2 : vector<32x8x127xi32>, vector<32x8x1xi32> -> vector<32x8x128xi32>
      %slice3A_821 = vector.extract_strided_slice %select_n3A_798 {offsets = [0, 0, 127], sizes = [32, 8, 1], strides = [1, 1, 1]} : vector<32x8x128xi32> to vector<32x8x1xi32>
      %slice3A_822 = vector.extract_strided_slice %select_n3A_798 {offsets = [0, 0, 0], sizes = [32, 8, 127], strides = [1, 1, 1]} : vector<32x8x128xi32> to vector<32x8x127xi32>
      %concatenate3A_823 = tpu.concatenate %slice3A_821, %slice3A_822 in 2 : vector<32x8x1xi32>, vector<32x8x127xi32> -> vector<32x8x128xi32>
      %select_n3A_824 = arith.select %eq3A_804, %concatenate3A_820, %concatenate3A_823 : vector<32x8x128xi1>, vector<32x8x128xi32>
      %lt3A_825 = arith.cmpi slt, %select_n3A_797, %select_n3A_817 : vector<32x8x128xi32>
      %eq3A_826 = arith.cmpi eq, %select_n3A_797, %select_n3A_817 : vector<32x8x128xi32>
      %lt3A_827 = arith.cmpi slt, %select_n3A_798, %select_n3A_824 : vector<32x8x128xi32>
      %and3A_828 = arith.andi %eq3A_826, %lt3A_827 : vector<32x8x128xi1>
      %or3A_829 = arith.ori %lt3A_825, %and3A_828 : vector<32x8x128xi1>
      %eq3A_830 = arith.xori %eq3A_804, %eq3A_810 : vector<32x8x128xi1>
      %eq3A_831 = arith.constant dense<true> : vector<32x8x128xi1>
      %eq3A_832 = arith.xori %eq3A_830, %eq3A_831 : vector<32x8x128xi1>
      %eq3A_833 = arith.xori %eq3A_832, %or3A_829 : vector<32x8x128xi1>
      %eq3A_834 = arith.constant dense<true> : vector<32x8x128xi1>
      %eq3A_835 = arith.xori %eq3A_833, %eq3A_834 : vector<32x8x128xi1>
      %select_n3A_836 = arith.select %eq3A_835, %select_n3A_797, %select_n3A_817 : vector<32x8x128xi1>, vector<32x8x128xi32>
      %select_n3A_837 = arith.select %eq3A_835, %select_n3A_798, %select_n3A_824 : vector<32x8x128xi1>, vector<32x8x128xi32>
      %and3A_838 = arith.constant 64 : i32
      %and3A_839 = vector.broadcast %and3A_838 : i32 to vector<32x8x128xi32>
      %and3A_840 = arith.andi %add3A, %and3A_839 : vector<32x8x128xi32>
      %eq3A_841 = arith.constant 0 : i32
      %eq3A_842 = vector.broadcast %eq3A_841 : i32 to vector<32x8x128xi32>
      %eq3A_843 = arith.cmpi eq, %and3A_840, %eq3A_842 : vector<32x8x128xi32>
      %and3A_844 = arith.constant 128 : i32
      %and3A_845 = vector.broadcast %and3A_844 : i32 to vector<32x8x128xi32>
      %and3A_846 = arith.andi %add3A, %and3A_845 : vector<32x8x128xi32>
      %eq3A_847 = arith.constant 0 : i32
      %eq3A_848 = vector.broadcast %eq3A_847 : i32 to vector<32x8x128xi32>
      %eq3A_849 = arith.cmpi eq, %and3A_846, %eq3A_848 : vector<32x8x128xi32>
      %slice3A_850 = vector.extract_strided_slice %select_n3A_836 {offsets = [0, 0, 64], sizes = [32, 8, 64], strides = [1, 1, 1]} : vector<32x8x128xi32> to vector<32x8x64xi32>
      %slice3A_851 = vector.extract_strided_slice %select_n3A_836 {offsets = [0, 0, 0], sizes = [32, 8, 64], strides = [1, 1, 1]} : vector<32x8x128xi32> to vector<32x8x64xi32>
      %concatenate3A_852 = tpu.concatenate %slice3A_850, %slice3A_851 in 2 : vector<32x8x64xi32>, vector<32x8x64xi32> -> vector<32x8x128xi32>
      %slice3A_853 = vector.extract_strided_slice %select_n3A_836 {offsets = [0, 0, 64], sizes = [32, 8, 64], strides = [1, 1, 1]} : vector<32x8x128xi32> to vector<32x8x64xi32>
      %slice3A_854 = vector.extract_strided_slice %select_n3A_836 {offsets = [0, 0, 0], sizes = [32, 8, 64], strides = [1, 1, 1]} : vector<32x8x128xi32> to vector<32x8x64xi32>
      %concatenate3A_855 = tpu.concatenate %slice3A_853, %slice3A_854 in 2 : vector<32x8x64xi32>, vector<32x8x64xi32> -> vector<32x8x128xi32>
      %select_n3A_856 = arith.select %eq3A_843, %concatenate3A_852, %concatenate3A_855 : vector<32x8x128xi1>, vector<32x8x128xi32>
      %slice3A_857 = vector.extract_strided_slice %select_n3A_837 {offsets = [0, 0, 64], sizes = [32, 8, 64], strides = [1, 1, 1]} : vector<32x8x128xi32> to vector<32x8x64xi32>
      %slice3A_858 = vector.extract_strided_slice %select_n3A_837 {offsets = [0, 0, 0], sizes = [32, 8, 64], strides = [1, 1, 1]} : vector<32x8x128xi32> to vector<32x8x64xi32>
      %concatenate3A_859 = tpu.concatenate %slice3A_857, %slice3A_858 in 2 : vector<32x8x64xi32>, vector<32x8x64xi32> -> vector<32x8x128xi32>
      %slice3A_860 = vector.extract_strided_slice %select_n3A_837 {offsets = [0, 0, 64], sizes = [32, 8, 64], strides = [1, 1, 1]} : vector<32x8x128xi32> to vector<32x8x64xi32>
      %slice3A_861 = vector.extract_strided_slice %select_n3A_837 {offsets = [0, 0, 0], sizes = [32, 8, 64], strides = [1, 1, 1]} : vector<32x8x128xi32> to vector<32x8x64xi32>
      %concatenate3A_862 = tpu.concatenate %slice3A_860, %slice3A_861 in 2 : vector<32x8x64xi32>, vector<32x8x64xi32> -> vector<32x8x128xi32>
      %select_n3A_863 = arith.select %eq3A_843, %concatenate3A_859, %concatenate3A_862 : vector<32x8x128xi1>, vector<32x8x128xi32>
      %lt3A_864 = arith.cmpi slt, %select_n3A_836, %select_n3A_856 : vector<32x8x128xi32>
      %eq3A_865 = arith.cmpi eq, %select_n3A_836, %select_n3A_856 : vector<32x8x128xi32>
      %lt3A_866 = arith.cmpi slt, %select_n3A_837, %select_n3A_863 : vector<32x8x128xi32>
      %and3A_867 = arith.andi %eq3A_865, %lt3A_866 : vector<32x8x128xi1>
      %or3A_868 = arith.ori %lt3A_864, %and3A_867 : vector<32x8x128xi1>
      %eq3A_869 = arith.xori %eq3A_843, %eq3A_849 : vector<32x8x128xi1>
      %eq3A_870 = arith.constant dense<true> : vector<32x8x128xi1>
      %eq3A_871 = arith.xori %eq3A_869, %eq3A_870 : vector<32x8x128xi1>
      %eq3A_872 = arith.xori %eq3A_871, %or3A_868 : vector<32x8x128xi1>
      %eq3A_873 = arith.constant dense<true> : vector<32x8x128xi1>
      %eq3A_874 = arith.xori %eq3A_872, %eq3A_873 : vector<32x8x128xi1>
      %select_n3A_875 = arith.select %eq3A_874, %select_n3A_836, %select_n3A_856 : vector<32x8x128xi1>, vector<32x8x128xi32>
      %select_n3A_876 = arith.select %eq3A_874, %select_n3A_837, %select_n3A_863 : vector<32x8x128xi1>, vector<32x8x128xi32>
      %and3A_877 = arith.constant 32 : i32
      %and3A_878 = vector.broadcast %and3A_877 : i32 to vector<32x8x128xi32>
      %and3A_879 = arith.andi %add3A, %and3A_878 : vector<32x8x128xi32>
      %eq3A_880 = arith.constant 0 : i32
      %eq3A_881 = vector.broadcast %eq3A_880 : i32 to vector<32x8x128xi32>
      %eq3A_882 = arith.cmpi eq, %and3A_879, %eq3A_881 : vector<32x8x128xi32>
      %and3A_883 = arith.constant 128 : i32
      %and3A_884 = vector.broadcast %and3A_883 : i32 to vector<32x8x128xi32>
      %and3A_885 = arith.andi %add3A, %and3A_884 : vector<32x8x128xi32>
      %eq3A_886 = arith.constant 0 : i32
      %eq3A_887 = vector.broadcast %eq3A_886 : i32 to vector<32x8x128xi32>
      %eq3A_888 = arith.cmpi eq, %and3A_885, %eq3A_887 : vector<32x8x128xi32>
      %slice3A_889 = vector.extract_strided_slice %select_n3A_875 {offsets = [0, 0, 32], sizes = [32, 8, 96], strides = [1, 1, 1]} : vector<32x8x128xi32> to vector<32x8x96xi32>
      %slice3A_890 = vector.extract_strided_slice %select_n3A_875 {offsets = [0, 0, 0], sizes = [32, 8, 32], strides = [1, 1, 1]} : vector<32x8x128xi32> to vector<32x8x32xi32>
      %concatenate3A_891 = tpu.concatenate %slice3A_889, %slice3A_890 in 2 : vector<32x8x96xi32>, vector<32x8x32xi32> -> vector<32x8x128xi32>
      %slice3A_892 = vector.extract_strided_slice %select_n3A_875 {offsets = [0, 0, 96], sizes = [32, 8, 32], strides = [1, 1, 1]} : vector<32x8x128xi32> to vector<32x8x32xi32>
      %slice3A_893 = vector.extract_strided_slice %select_n3A_875 {offsets = [0, 0, 0], sizes = [32, 8, 96], strides = [1, 1, 1]} : vector<32x8x128xi32> to vector<32x8x96xi32>
      %concatenate3A_894 = tpu.concatenate %slice3A_892, %slice3A_893 in 2 : vector<32x8x32xi32>, vector<32x8x96xi32> -> vector<32x8x128xi32>
      %select_n3A_895 = arith.select %eq3A_882, %concatenate3A_891, %concatenate3A_894 : vector<32x8x128xi1>, vector<32x8x128xi32>
      %slice3A_896 = vector.extract_strided_slice %select_n3A_876 {offsets = [0, 0, 32], sizes = [32, 8, 96], strides = [1, 1, 1]} : vector<32x8x128xi32> to vector<32x8x96xi32>
      %slice3A_897 = vector.extract_strided_slice %select_n3A_876 {offsets = [0, 0, 0], sizes = [32, 8, 32], strides = [1, 1, 1]} : vector<32x8x128xi32> to vector<32x8x32xi32>
      %concatenate3A_898 = tpu.concatenate %slice3A_896, %slice3A_897 in 2 : vector<32x8x96xi32>, vector<32x8x32xi32> -> vector<32x8x128xi32>
      %slice3A_899 = vector.extract_strided_slice %select_n3A_876 {offsets = [0, 0, 96], sizes = [32, 8, 32], strides = [1, 1, 1]} : vector<32x8x128xi32> to vector<32x8x32xi32>
      %slice3A_900 = vector.extract_strided_slice %select_n3A_876 {offsets = [0, 0, 0], sizes = [32, 8, 96], strides = [1, 1, 1]} : vector<32x8x128xi32> to vector<32x8x96xi32>
      %concatenate3A_901 = tpu.concatenate %slice3A_899, %slice3A_900 in 2 : vector<32x8x32xi32>, vector<32x8x96xi32> -> vector<32x8x128xi32>
      %select_n3A_902 = arith.select %eq3A_882, %concatenate3A_898, %concatenate3A_901 : vector<32x8x128xi1>, vector<32x8x128xi32>
      %lt3A_903 = arith.cmpi slt, %select_n3A_875, %select_n3A_895 : vector<32x8x128xi32>
      %eq3A_904 = arith.cmpi eq, %select_n3A_875, %select_n3A_895 : vector<32x8x128xi32>
      %lt3A_905 = arith.cmpi slt, %select_n3A_876, %select_n3A_902 : vector<32x8x128xi32>
      %and3A_906 = arith.andi %eq3A_904, %lt3A_905 : vector<32x8x128xi1>
      %or3A_907 = arith.ori %lt3A_903, %and3A_906 : vector<32x8x128xi1>
      %eq3A_908 = arith.xori %eq3A_882, %eq3A_888 : vector<32x8x128xi1>
      %eq3A_909 = arith.constant dense<true> : vector<32x8x128xi1>
      %eq3A_910 = arith.xori %eq3A_908, %eq3A_909 : vector<32x8x128xi1>
      %eq3A_911 = arith.xori %eq3A_910, %or3A_907 : vector<32x8x128xi1>
      %eq3A_912 = arith.constant dense<true> : vector<32x8x128xi1>
      %eq3A_913 = arith.xori %eq3A_911, %eq3A_912 : vector<32x8x128xi1>
      %select_n3A_914 = arith.select %eq3A_913, %select_n3A_875, %select_n3A_895 : vector<32x8x128xi1>, vector<32x8x128xi32>
      %select_n3A_915 = arith.select %eq3A_913, %select_n3A_876, %select_n3A_902 : vector<32x8x128xi1>, vector<32x8x128xi32>
      %and3A_916 = arith.constant 16 : i32
      %and3A_917 = vector.broadcast %and3A_916 : i32 to vector<32x8x128xi32>
      %and3A_918 = arith.andi %add3A, %and3A_917 : vector<32x8x128xi32>
      %eq3A_919 = arith.constant 0 : i32
      %eq3A_920 = vector.broadcast %eq3A_919 : i32 to vector<32x8x128xi32>
      %eq3A_921 = arith.cmpi eq, %and3A_918, %eq3A_920 : vector<32x8x128xi32>
      %and3A_922 = arith.constant 128 : i32
      %and3A_923 = vector.broadcast %and3A_922 : i32 to vector<32x8x128xi32>
      %and3A_924 = arith.andi %add3A, %and3A_923 : vector<32x8x128xi32>
      %eq3A_925 = arith.constant 0 : i32
      %eq3A_926 = vector.broadcast %eq3A_925 : i32 to vector<32x8x128xi32>
      %eq3A_927 = arith.cmpi eq, %and3A_924, %eq3A_926 : vector<32x8x128xi32>
      %slice3A_928 = vector.extract_strided_slice %select_n3A_914 {offsets = [0, 0, 16], sizes = [32, 8, 112], strides = [1, 1, 1]} : vector<32x8x128xi32> to vector<32x8x112xi32>
      %slice3A_929 = vector.extract_strided_slice %select_n3A_914 {offsets = [0, 0, 0], sizes = [32, 8, 16], strides = [1, 1, 1]} : vector<32x8x128xi32> to vector<32x8x16xi32>
      %concatenate3A_930 = tpu.concatenate %slice3A_928, %slice3A_929 in 2 : vector<32x8x112xi32>, vector<32x8x16xi32> -> vector<32x8x128xi32>
      %slice3A_931 = vector.extract_strided_slice %select_n3A_914 {offsets = [0, 0, 112], sizes = [32, 8, 16], strides = [1, 1, 1]} : vector<32x8x128xi32> to vector<32x8x16xi32>
      %slice3A_932 = vector.extract_strided_slice %select_n3A_914 {offsets = [0, 0, 0], sizes = [32, 8, 112], strides = [1, 1, 1]} : vector<32x8x128xi32> to vector<32x8x112xi32>
      %concatenate3A_933 = tpu.concatenate %slice3A_931, %slice3A_932 in 2 : vector<32x8x16xi32>, vector<32x8x112xi32> -> vector<32x8x128xi32>
      %select_n3A_934 = arith.select %eq3A_921, %concatenate3A_930, %concatenate3A_933 : vector<32x8x128xi1>, vector<32x8x128xi32>
      %slice3A_935 = vector.extract_strided_slice %select_n3A_915 {offsets = [0, 0, 16], sizes = [32, 8, 112], strides = [1, 1, 1]} : vector<32x8x128xi32> to vector<32x8x112xi32>
      %slice3A_936 = vector.extract_strided_slice %select_n3A_915 {offsets = [0, 0, 0], sizes = [32, 8, 16], strides = [1, 1, 1]} : vector<32x8x128xi32> to vector<32x8x16xi32>
      %concatenate3A_937 = tpu.concatenate %slice3A_935, %slice3A_936 in 2 : vector<32x8x112xi32>, vector<32x8x16xi32> -> vector<32x8x128xi32>
      %slice3A_938 = vector.extract_strided_slice %select_n3A_915 {offsets = [0, 0, 112], sizes = [32, 8, 16], strides = [1, 1, 1]} : vector<32x8x128xi32> to vector<32x8x16xi32>
      %slice3A_939 = vector.extract_strided_slice %select_n3A_915 {offsets = [0, 0, 0], sizes = [32, 8, 112], strides = [1, 1, 1]} : vector<32x8x128xi32> to vector<32x8x112xi32>
      %concatenate3A_940 = tpu.concatenate %slice3A_938, %slice3A_939 in 2 : vector<32x8x16xi32>, vector<32x8x112xi32> -> vector<32x8x128xi32>
      %select_n3A_941 = arith.select %eq3A_921, %concatenate3A_937, %concatenate3A_940 : vector<32x8x128xi1>, vector<32x8x128xi32>
      %lt3A_942 = arith.cmpi slt, %select_n3A_914, %select_n3A_934 : vector<32x8x128xi32>
      %eq3A_943 = arith.cmpi eq, %select_n3A_914, %select_n3A_934 : vector<32x8x128xi32>
      %lt3A_944 = arith.cmpi slt, %select_n3A_915, %select_n3A_941 : vector<32x8x128xi32>
      %and3A_945 = arith.andi %eq3A_943, %lt3A_944 : vector<32x8x128xi1>
      %or3A_946 = arith.ori %lt3A_942, %and3A_945 : vector<32x8x128xi1>
      %eq3A_947 = arith.xori %eq3A_921, %eq3A_927 : vector<32x8x128xi1>
      %eq3A_948 = arith.constant dense<true> : vector<32x8x128xi1>
      %eq3A_949 = arith.xori %eq3A_947, %eq3A_948 : vector<32x8x128xi1>
      %eq3A_950 = arith.xori %eq3A_949, %or3A_946 : vector<32x8x128xi1>
      %eq3A_951 = arith.constant dense<true> : vector<32x8x128xi1>
      %eq3A_952 = arith.xori %eq3A_950, %eq3A_951 : vector<32x8x128xi1>
      %select_n3A_953 = arith.select %eq3A_952, %select_n3A_914, %select_n3A_934 : vector<32x8x128xi1>, vector<32x8x128xi32>
      %select_n3A_954 = arith.select %eq3A_952, %select_n3A_915, %select_n3A_941 : vector<32x8x128xi1>, vector<32x8x128xi32>
      %and3A_955 = arith.constant 8 : i32
      %and3A_956 = vector.broadcast %and3A_955 : i32 to vector<32x8x128xi32>
      %and3A_957 = arith.andi %add3A, %and3A_956 : vector<32x8x128xi32>
      %eq3A_958 = arith.constant 0 : i32
      %eq3A_959 = vector.broadcast %eq3A_958 : i32 to vector<32x8x128xi32>
      %eq3A_960 = arith.cmpi eq, %and3A_957, %eq3A_959 : vector<32x8x128xi32>
      %and3A_961 = arith.constant 128 : i32
      %and3A_962 = vector.broadcast %and3A_961 : i32 to vector<32x8x128xi32>
      %and3A_963 = arith.andi %add3A, %and3A_962 : vector<32x8x128xi32>
      %eq3A_964 = arith.constant 0 : i32
      %eq3A_965 = vector.broadcast %eq3A_964 : i32 to vector<32x8x128xi32>
      %eq3A_966 = arith.cmpi eq, %and3A_963, %eq3A_965 : vector<32x8x128xi32>
      %slice3A_967 = vector.extract_strided_slice %select_n3A_953 {offsets = [0, 0, 8], sizes = [32, 8, 120], strides = [1, 1, 1]} : vector<32x8x128xi32> to vector<32x8x120xi32>
      %slice3A_968 = vector.extract_strided_slice %select_n3A_953 {offsets = [0, 0, 0], sizes = [32, 8, 8], strides = [1, 1, 1]} : vector<32x8x128xi32> to vector<32x8x8xi32>
      %concatenate3A_969 = tpu.concatenate %slice3A_967, %slice3A_968 in 2 : vector<32x8x120xi32>, vector<32x8x8xi32> -> vector<32x8x128xi32>
      %slice3A_970 = vector.extract_strided_slice %select_n3A_953 {offsets = [0, 0, 120], sizes = [32, 8, 8], strides = [1, 1, 1]} : vector<32x8x128xi32> to vector<32x8x8xi32>
      %slice3A_971 = vector.extract_strided_slice %select_n3A_953 {offsets = [0, 0, 0], sizes = [32, 8, 120], strides = [1, 1, 1]} : vector<32x8x128xi32> to vector<32x8x120xi32>
      %concatenate3A_972 = tpu.concatenate %slice3A_970, %slice3A_971 in 2 : vector<32x8x8xi32>, vector<32x8x120xi32> -> vector<32x8x128xi32>
      %select_n3A_973 = arith.select %eq3A_960, %concatenate3A_969, %concatenate3A_972 : vector<32x8x128xi1>, vector<32x8x128xi32>
      %slice3A_974 = vector.extract_strided_slice %select_n3A_954 {offsets = [0, 0, 8], sizes = [32, 8, 120], strides = [1, 1, 1]} : vector<32x8x128xi32> to vector<32x8x120xi32>
      %slice3A_975 = vector.extract_strided_slice %select_n3A_954 {offsets = [0, 0, 0], sizes = [32, 8, 8], strides = [1, 1, 1]} : vector<32x8x128xi32> to vector<32x8x8xi32>
      %concatenate3A_976 = tpu.concatenate %slice3A_974, %slice3A_975 in 2 : vector<32x8x120xi32>, vector<32x8x8xi32> -> vector<32x8x128xi32>
      %slice3A_977 = vector.extract_strided_slice %select_n3A_954 {offsets = [0, 0, 120], sizes = [32, 8, 8], strides = [1, 1, 1]} : vector<32x8x128xi32> to vector<32x8x8xi32>
      %slice3A_978 = vector.extract_strided_slice %select_n3A_954 {offsets = [0, 0, 0], sizes = [32, 8, 120], strides = [1, 1, 1]} : vector<32x8x128xi32> to vector<32x8x120xi32>
      %concatenate3A_979 = tpu.concatenate %slice3A_977, %slice3A_978 in 2 : vector<32x8x8xi32>, vector<32x8x120xi32> -> vector<32x8x128xi32>
      %select_n3A_980 = arith.select %eq3A_960, %concatenate3A_976, %concatenate3A_979 : vector<32x8x128xi1>, vector<32x8x128xi32>
      %lt3A_981 = arith.cmpi slt, %select_n3A_953, %select_n3A_973 : vector<32x8x128xi32>
      %eq3A_982 = arith.cmpi eq, %select_n3A_953, %select_n3A_973 : vector<32x8x128xi32>
      %lt3A_983 = arith.cmpi slt, %select_n3A_954, %select_n3A_980 : vector<32x8x128xi32>
      %and3A_984 = arith.andi %eq3A_982, %lt3A_983 : vector<32x8x128xi1>
      %or3A_985 = arith.ori %lt3A_981, %and3A_984 : vector<32x8x128xi1>
      %eq3A_986 = arith.xori %eq3A_960, %eq3A_966 : vector<32x8x128xi1>
      %eq3A_987 = arith.constant dense<true> : vector<32x8x128xi1>
      %eq3A_988 = arith.xori %eq3A_986, %eq3A_987 : vector<32x8x128xi1>
      %eq3A_989 = arith.xori %eq3A_988, %or3A_985 : vector<32x8x128xi1>
      %eq3A_990 = arith.constant dense<true> : vector<32x8x128xi1>
      %eq3A_991 = arith.xori %eq3A_989, %eq3A_990 : vector<32x8x128xi1>
      %select_n3A_992 = arith.select %eq3A_991, %select_n3A_953, %select_n3A_973 : vector<32x8x128xi1>, vector<32x8x128xi32>
      %select_n3A_993 = arith.select %eq3A_991, %select_n3A_954, %select_n3A_980 : vector<32x8x128xi1>, vector<32x8x128xi32>
      %and3A_994 = arith.constant 4 : i32
      %and3A_995 = vector.broadcast %and3A_994 : i32 to vector<32x8x128xi32>
      %and3A_996 = arith.andi %add3A, %and3A_995 : vector<32x8x128xi32>
      %eq3A_997 = arith.constant 0 : i32
      %eq3A_998 = vector.broadcast %eq3A_997 : i32 to vector<32x8x128xi32>
      %eq3A_999 = arith.cmpi eq, %and3A_996, %eq3A_998 : vector<32x8x128xi32>
      %and3A_1000 = arith.constant 128 : i32
      %and3A_1001 = vector.broadcast %and3A_1000 : i32 to vector<32x8x128xi32>
      %and3A_1002 = arith.andi %add3A, %and3A_1001 : vector<32x8x128xi32>
      %eq3A_1003 = arith.constant 0 : i32
      %eq3A_1004 = vector.broadcast %eq3A_1003 : i32 to vector<32x8x128xi32>
      %eq3A_1005 = arith.cmpi eq, %and3A_1002, %eq3A_1004 : vector<32x8x128xi32>
      %slice3A_1006 = vector.extract_strided_slice %select_n3A_992 {offsets = [0, 0, 4], sizes = [32, 8, 124], strides = [1, 1, 1]} : vector<32x8x128xi32> to vector<32x8x124xi32>
      %slice3A_1007 = vector.extract_strided_slice %select_n3A_992 {offsets = [0, 0, 0], sizes = [32, 8, 4], strides = [1, 1, 1]} : vector<32x8x128xi32> to vector<32x8x4xi32>
      %concatenate3A_1008 = tpu.concatenate %slice3A_1006, %slice3A_1007 in 2 : vector<32x8x124xi32>, vector<32x8x4xi32> -> vector<32x8x128xi32>
      %slice3A_1009 = vector.extract_strided_slice %select_n3A_992 {offsets = [0, 0, 124], sizes = [32, 8, 4], strides = [1, 1, 1]} : vector<32x8x128xi32> to vector<32x8x4xi32>
      %slice3A_1010 = vector.extract_strided_slice %select_n3A_992 {offsets = [0, 0, 0], sizes = [32, 8, 124], strides = [1, 1, 1]} : vector<32x8x128xi32> to vector<32x8x124xi32>
      %concatenate3A_1011 = tpu.concatenate %slice3A_1009, %slice3A_1010 in 2 : vector<32x8x4xi32>, vector<32x8x124xi32> -> vector<32x8x128xi32>
      %select_n3A_1012 = arith.select %eq3A_999, %concatenate3A_1008, %concatenate3A_1011 : vector<32x8x128xi1>, vector<32x8x128xi32>
      %slice3A_1013 = vector.extract_strided_slice %select_n3A_993 {offsets = [0, 0, 4], sizes = [32, 8, 124], strides = [1, 1, 1]} : vector<32x8x128xi32> to vector<32x8x124xi32>
      %slice3A_1014 = vector.extract_strided_slice %select_n3A_993 {offsets = [0, 0, 0], sizes = [32, 8, 4], strides = [1, 1, 1]} : vector<32x8x128xi32> to vector<32x8x4xi32>
      %concatenate3A_1015 = tpu.concatenate %slice3A_1013, %slice3A_1014 in 2 : vector<32x8x124xi32>, vector<32x8x4xi32> -> vector<32x8x128xi32>
      %slice3A_1016 = vector.extract_strided_slice %select_n3A_993 {offsets = [0, 0, 124], sizes = [32, 8, 4], strides = [1, 1, 1]} : vector<32x8x128xi32> to vector<32x8x4xi32>
      %slice3A_1017 = vector.extract_strided_slice %select_n3A_993 {offsets = [0, 0, 0], sizes = [32, 8, 124], strides = [1, 1, 1]} : vector<32x8x128xi32> to vector<32x8x124xi32>
      %concatenate3A_1018 = tpu.concatenate %slice3A_1016, %slice3A_1017 in 2 : vector<32x8x4xi32>, vector<32x8x124xi32> -> vector<32x8x128xi32>
      %select_n3A_1019 = arith.select %eq3A_999, %concatenate3A_1015, %concatenate3A_1018 : vector<32x8x128xi1>, vector<32x8x128xi32>
      %lt3A_1020 = arith.cmpi slt, %select_n3A_992, %select_n3A_1012 : vector<32x8x128xi32>
      %eq3A_1021 = arith.cmpi eq, %select_n3A_992, %select_n3A_1012 : vector<32x8x128xi32>
      %lt3A_1022 = arith.cmpi slt, %select_n3A_993, %select_n3A_1019 : vector<32x8x128xi32>
      %and3A_1023 = arith.andi %eq3A_1021, %lt3A_1022 : vector<32x8x128xi1>
      %or3A_1024 = arith.ori %lt3A_1020, %and3A_1023 : vector<32x8x128xi1>
      %eq3A_1025 = arith.xori %eq3A_999, %eq3A_1005 : vector<32x8x128xi1>
      %eq3A_1026 = arith.constant dense<true> : vector<32x8x128xi1>
      %eq3A_1027 = arith.xori %eq3A_1025, %eq3A_1026 : vector<32x8x128xi1>
      %eq3A_1028 = arith.xori %eq3A_1027, %or3A_1024 : vector<32x8x128xi1>
      %eq3A_1029 = arith.constant dense<true> : vector<32x8x128xi1>
      %eq3A_1030 = arith.xori %eq3A_1028, %eq3A_1029 : vector<32x8x128xi1>
      %select_n3A_1031 = arith.select %eq3A_1030, %select_n3A_992, %select_n3A_1012 : vector<32x8x128xi1>, vector<32x8x128xi32>
      %select_n3A_1032 = arith.select %eq3A_1030, %select_n3A_993, %select_n3A_1019 : vector<32x8x128xi1>, vector<32x8x128xi32>
      %and3A_1033 = arith.constant 2 : i32
      %and3A_1034 = vector.broadcast %and3A_1033 : i32 to vector<32x8x128xi32>
      %and3A_1035 = arith.andi %add3A, %and3A_1034 : vector<32x8x128xi32>
      %eq3A_1036 = arith.constant 0 : i32
      %eq3A_1037 = vector.broadcast %eq3A_1036 : i32 to vector<32x8x128xi32>
      %eq3A_1038 = arith.cmpi eq, %and3A_1035, %eq3A_1037 : vector<32x8x128xi32>
      %and3A_1039 = arith.constant 128 : i32
      %and3A_1040 = vector.broadcast %and3A_1039 : i32 to vector<32x8x128xi32>
      %and3A_1041 = arith.andi %add3A, %and3A_1040 : vector<32x8x128xi32>
      %eq3A_1042 = arith.constant 0 : i32
      %eq3A_1043 = vector.broadcast %eq3A_1042 : i32 to vector<32x8x128xi32>
      %eq3A_1044 = arith.cmpi eq, %and3A_1041, %eq3A_1043 : vector<32x8x128xi32>
      %slice3A_1045 = vector.extract_strided_slice %select_n3A_1031 {offsets = [0, 0, 2], sizes = [32, 8, 126], strides = [1, 1, 1]} : vector<32x8x128xi32> to vector<32x8x126xi32>
      %slice3A_1046 = vector.extract_strided_slice %select_n3A_1031 {offsets = [0, 0, 0], sizes = [32, 8, 2], strides = [1, 1, 1]} : vector<32x8x128xi32> to vector<32x8x2xi32>
      %concatenate3A_1047 = tpu.concatenate %slice3A_1045, %slice3A_1046 in 2 : vector<32x8x126xi32>, vector<32x8x2xi32> -> vector<32x8x128xi32>
      %slice3A_1048 = vector.extract_strided_slice %select_n3A_1031 {offsets = [0, 0, 126], sizes = [32, 8, 2], strides = [1, 1, 1]} : vector<32x8x128xi32> to vector<32x8x2xi32>
      %slice3A_1049 = vector.extract_strided_slice %select_n3A_1031 {offsets = [0, 0, 0], sizes = [32, 8, 126], strides = [1, 1, 1]} : vector<32x8x128xi32> to vector<32x8x126xi32>
      %concatenate3A_1050 = tpu.concatenate %slice3A_1048, %slice3A_1049 in 2 : vector<32x8x2xi32>, vector<32x8x126xi32> -> vector<32x8x128xi32>
      %select_n3A_1051 = arith.select %eq3A_1038, %concatenate3A_1047, %concatenate3A_1050 : vector<32x8x128xi1>, vector<32x8x128xi32>
      %slice3A_1052 = vector.extract_strided_slice %select_n3A_1032 {offsets = [0, 0, 2], sizes = [32, 8, 126], strides = [1, 1, 1]} : vector<32x8x128xi32> to vector<32x8x126xi32>
      %slice3A_1053 = vector.extract_strided_slice %select_n3A_1032 {offsets = [0, 0, 0], sizes = [32, 8, 2], strides = [1, 1, 1]} : vector<32x8x128xi32> to vector<32x8x2xi32>
      %concatenate3A_1054 = tpu.concatenate %slice3A_1052, %slice3A_1053 in 2 : vector<32x8x126xi32>, vector<32x8x2xi32> -> vector<32x8x128xi32>
      %slice3A_1055 = vector.extract_strided_slice %select_n3A_1032 {offsets = [0, 0, 126], sizes = [32, 8, 2], strides = [1, 1, 1]} : vector<32x8x128xi32> to vector<32x8x2xi32>
      %slice3A_1056 = vector.extract_strided_slice %select_n3A_1032 {offsets = [0, 0, 0], sizes = [32, 8, 126], strides = [1, 1, 1]} : vector<32x8x128xi32> to vector<32x8x126xi32>
      %concatenate3A_1057 = tpu.concatenate %slice3A_1055, %slice3A_1056 in 2 : vector<32x8x2xi32>, vector<32x8x126xi32> -> vector<32x8x128xi32>
      %select_n3A_1058 = arith.select %eq3A_1038, %concatenate3A_1054, %concatenate3A_1057 : vector<32x8x128xi1>, vector<32x8x128xi32>
      %lt3A_1059 = arith.cmpi slt, %select_n3A_1031, %select_n3A_1051 : vector<32x8x128xi32>
      %eq3A_1060 = arith.cmpi eq, %select_n3A_1031, %select_n3A_1051 : vector<32x8x128xi32>
      %lt3A_1061 = arith.cmpi slt, %select_n3A_1032, %select_n3A_1058 : vector<32x8x128xi32>
      %and3A_1062 = arith.andi %eq3A_1060, %lt3A_1061 : vector<32x8x128xi1>
      %or3A_1063 = arith.ori %lt3A_1059, %and3A_1062 : vector<32x8x128xi1>
      %eq3A_1064 = arith.xori %eq3A_1038, %eq3A_1044 : vector<32x8x128xi1>
      %eq3A_1065 = arith.constant dense<true> : vector<32x8x128xi1>
      %eq3A_1066 = arith.xori %eq3A_1064, %eq3A_1065 : vector<32x8x128xi1>
      %eq3A_1067 = arith.xori %eq3A_1066, %or3A_1063 : vector<32x8x128xi1>
      %eq3A_1068 = arith.constant dense<true> : vector<32x8x128xi1>
      %eq3A_1069 = arith.xori %eq3A_1067, %eq3A_1068 : vector<32x8x128xi1>
      %select_n3A_1070 = arith.select %eq3A_1069, %select_n3A_1031, %select_n3A_1051 : vector<32x8x128xi1>, vector<32x8x128xi32>
      %select_n3A_1071 = arith.select %eq3A_1069, %select_n3A_1032, %select_n3A_1058 : vector<32x8x128xi1>, vector<32x8x128xi32>
      %and3A_1072 = arith.constant 1 : i32
      %and3A_1073 = vector.broadcast %and3A_1072 : i32 to vector<32x8x128xi32>
      %and3A_1074 = arith.andi %add3A, %and3A_1073 : vector<32x8x128xi32>
      %eq3A_1075 = arith.constant 0 : i32
      %eq3A_1076 = vector.broadcast %eq3A_1075 : i32 to vector<32x8x128xi32>
      %eq3A_1077 = arith.cmpi eq, %and3A_1074, %eq3A_1076 : vector<32x8x128xi32>
      %and3A_1078 = arith.constant 128 : i32
      %and3A_1079 = vector.broadcast %and3A_1078 : i32 to vector<32x8x128xi32>
      %and3A_1080 = arith.andi %add3A, %and3A_1079 : vector<32x8x128xi32>
      %eq3A_1081 = arith.constant 0 : i32
      %eq3A_1082 = vector.broadcast %eq3A_1081 : i32 to vector<32x8x128xi32>
      %eq3A_1083 = arith.cmpi eq, %and3A_1080, %eq3A_1082 : vector<32x8x128xi32>
      %slice3A_1084 = vector.extract_strided_slice %select_n3A_1070 {offsets = [0, 0, 1], sizes = [32, 8, 127], strides = [1, 1, 1]} : vector<32x8x128xi32> to vector<32x8x127xi32>
      %slice3A_1085 = vector.extract_strided_slice %select_n3A_1070 {offsets = [0, 0, 0], sizes = [32, 8, 1], strides = [1, 1, 1]} : vector<32x8x128xi32> to vector<32x8x1xi32>
      %concatenate3A_1086 = tpu.concatenate %slice3A_1084, %slice3A_1085 in 2 : vector<32x8x127xi32>, vector<32x8x1xi32> -> vector<32x8x128xi32>
      %slice3A_1087 = vector.extract_strided_slice %select_n3A_1070 {offsets = [0, 0, 127], sizes = [32, 8, 1], strides = [1, 1, 1]} : vector<32x8x128xi32> to vector<32x8x1xi32>
      %slice3A_1088 = vector.extract_strided_slice %select_n3A_1070 {offsets = [0, 0, 0], sizes = [32, 8, 127], strides = [1, 1, 1]} : vector<32x8x128xi32> to vector<32x8x127xi32>
      %concatenate3A_1089 = tpu.concatenate %slice3A_1087, %slice3A_1088 in 2 : vector<32x8x1xi32>, vector<32x8x127xi32> -> vector<32x8x128xi32>
      %select_n3A_1090 = arith.select %eq3A_1077, %concatenate3A_1086, %concatenate3A_1089 : vector<32x8x128xi1>, vector<32x8x128xi32>
      %slice3A_1091 = vector.extract_strided_slice %select_n3A_1071 {offsets = [0, 0, 1], sizes = [32, 8, 127], strides = [1, 1, 1]} : vector<32x8x128xi32> to vector<32x8x127xi32>
      %slice3A_1092 = vector.extract_strided_slice %select_n3A_1071 {offsets = [0, 0, 0], sizes = [32, 8, 1], strides = [1, 1, 1]} : vector<32x8x128xi32> to vector<32x8x1xi32>
      %concatenate3A_1093 = tpu.concatenate %slice3A_1091, %slice3A_1092 in 2 : vector<32x8x127xi32>, vector<32x8x1xi32> -> vector<32x8x128xi32>
      %slice3A_1094 = vector.extract_strided_slice %select_n3A_1071 {offsets = [0, 0, 127], sizes = [32, 8, 1], strides = [1, 1, 1]} : vector<32x8x128xi32> to vector<32x8x1xi32>
      %slice3A_1095 = vector.extract_strided_slice %select_n3A_1071 {offsets = [0, 0, 0], sizes = [32, 8, 127], strides = [1, 1, 1]} : vector<32x8x128xi32> to vector<32x8x127xi32>
      %concatenate3A_1096 = tpu.concatenate %slice3A_1094, %slice3A_1095 in 2 : vector<32x8x1xi32>, vector<32x8x127xi32> -> vector<32x8x128xi32>
      %select_n3A_1097 = arith.select %eq3A_1077, %concatenate3A_1093, %concatenate3A_1096 : vector<32x8x128xi1>, vector<32x8x128xi32>
      %lt3A_1098 = arith.cmpi slt, %select_n3A_1070, %select_n3A_1090 : vector<32x8x128xi32>
      %eq3A_1099 = arith.cmpi eq, %select_n3A_1070, %select_n3A_1090 : vector<32x8x128xi32>
      %lt3A_1100 = arith.cmpi slt, %select_n3A_1071, %select_n3A_1097 : vector<32x8x128xi32>
      %and3A_1101 = arith.andi %eq3A_1099, %lt3A_1100 : vector<32x8x128xi1>
      %or3A_1102 = arith.ori %lt3A_1098, %and3A_1101 : vector<32x8x128xi1>
      %eq3A_1103 = arith.xori %eq3A_1077, %eq3A_1083 : vector<32x8x128xi1>
      %eq3A_1104 = arith.constant dense<true> : vector<32x8x128xi1>
      %eq3A_1105 = arith.xori %eq3A_1103, %eq3A_1104 : vector<32x8x128xi1>
      %eq3A_1106 = arith.xori %eq3A_1105, %or3A_1102 : vector<32x8x128xi1>
      %eq3A_1107 = arith.constant dense<true> : vector<32x8x128xi1>
      %eq3A_1108 = arith.xori %eq3A_1106, %eq3A_1107 : vector<32x8x128xi1>
      %select_n3A_1109 = arith.select %eq3A_1108, %select_n3A_1070, %select_n3A_1090 : vector<32x8x128xi1>, vector<32x8x128xi32>
      %select_n3A_1110 = arith.select %eq3A_1108, %select_n3A_1071, %select_n3A_1097 : vector<32x8x128xi1>, vector<32x8x128xi32>
      %and3A_1111 = arith.constant 128 : i32
      %and3A_1112 = vector.broadcast %and3A_1111 : i32 to vector<32x8x128xi32>
      %and3A_1113 = arith.andi %add3A, %and3A_1112 : vector<32x8x128xi32>
      %eq3A_1114 = arith.constant 0 : i32
      %eq3A_1115 = vector.broadcast %eq3A_1114 : i32 to vector<32x8x128xi32>
      %eq3A_1116 = arith.cmpi eq, %and3A_1113, %eq3A_1115 : vector<32x8x128xi32>
      %and3A_1117 = arith.constant 256 : i32
      %and3A_1118 = vector.broadcast %and3A_1117 : i32 to vector<32x8x128xi32>
      %and3A_1119 = arith.andi %add3A, %and3A_1118 : vector<32x8x128xi32>
      %eq3A_1120 = arith.constant 0 : i32
      %eq3A_1121 = vector.broadcast %eq3A_1120 : i32 to vector<32x8x128xi32>
      %eq3A_1122 = arith.cmpi eq, %and3A_1119, %eq3A_1121 : vector<32x8x128xi32>
      %slice3A_1123 = vector.extract_strided_slice %select_n3A_1109 {offsets = [0, 1, 0], sizes = [32, 7, 128], strides = [1, 1, 1]} : vector<32x8x128xi32> to vector<32x7x128xi32>
      %slice3A_1124 = vector.extract_strided_slice %select_n3A_1109 {offsets = [0, 0, 0], sizes = [32, 1, 128], strides = [1, 1, 1]} : vector<32x8x128xi32> to vector<32x1x128xi32>
      %concatenate3A_1125 = tpu.concatenate %slice3A_1123, %slice3A_1124 in 1 : vector<32x7x128xi32>, vector<32x1x128xi32> -> vector<32x8x128xi32>
      %slice3A_1126 = vector.extract_strided_slice %select_n3A_1109 {offsets = [0, 7, 0], sizes = [32, 1, 128], strides = [1, 1, 1]} : vector<32x8x128xi32> to vector<32x1x128xi32>
      %slice3A_1127 = vector.extract_strided_slice %select_n3A_1109 {offsets = [0, 0, 0], sizes = [32, 7, 128], strides = [1, 1, 1]} : vector<32x8x128xi32> to vector<32x7x128xi32>
      %concatenate3A_1128 = tpu.concatenate %slice3A_1126, %slice3A_1127 in 1 : vector<32x1x128xi32>, vector<32x7x128xi32> -> vector<32x8x128xi32>
      %select_n3A_1129 = arith.select %eq3A_1116, %concatenate3A_1125, %concatenate3A_1128 : vector<32x8x128xi1>, vector<32x8x128xi32>
      %slice3A_1130 = vector.extract_strided_slice %select_n3A_1110 {offsets = [0, 1, 0], sizes = [32, 7, 128], strides = [1, 1, 1]} : vector<32x8x128xi32> to vector<32x7x128xi32>
      %slice3A_1131 = vector.extract_strided_slice %select_n3A_1110 {offsets = [0, 0, 0], sizes = [32, 1, 128], strides = [1, 1, 1]} : vector<32x8x128xi32> to vector<32x1x128xi32>
      %concatenate3A_1132 = tpu.concatenate %slice3A_1130, %slice3A_1131 in 1 : vector<32x7x128xi32>, vector<32x1x128xi32> -> vector<32x8x128xi32>
      %slice3A_1133 = vector.extract_strided_slice %select_n3A_1110 {offsets = [0, 7, 0], sizes = [32, 1, 128], strides = [1, 1, 1]} : vector<32x8x128xi32> to vector<32x1x128xi32>
      %slice3A_1134 = vector.extract_strided_slice %select_n3A_1110 {offsets = [0, 0, 0], sizes = [32, 7, 128], strides = [1, 1, 1]} : vector<32x8x128xi32> to vector<32x7x128xi32>
      %concatenate3A_1135 = tpu.concatenate %slice3A_1133, %slice3A_1134 in 1 : vector<32x1x128xi32>, vector<32x7x128xi32> -> vector<32x8x128xi32>
      %select_n3A_1136 = arith.select %eq3A_1116, %concatenate3A_1132, %concatenate3A_1135 : vector<32x8x128xi1>, vector<32x8x128xi32>
      %lt3A_1137 = arith.cmpi slt, %select_n3A_1109, %select_n3A_1129 : vector<32x8x128xi32>
      %eq3A_1138 = arith.cmpi eq, %select_n3A_1109, %select_n3A_1129 : vector<32x8x128xi32>
      %lt3A_1139 = arith.cmpi slt, %select_n3A_1110, %select_n3A_1136 : vector<32x8x128xi32>
      %and3A_1140 = arith.andi %eq3A_1138, %lt3A_1139 : vector<32x8x128xi1>
      %or3A_1141 = arith.ori %lt3A_1137, %and3A_1140 : vector<32x8x128xi1>
      %eq3A_1142 = arith.xori %eq3A_1116, %eq3A_1122 : vector<32x8x128xi1>
      %eq3A_1143 = arith.constant dense<true> : vector<32x8x128xi1>
      %eq3A_1144 = arith.xori %eq3A_1142, %eq3A_1143 : vector<32x8x128xi1>
      %eq3A_1145 = arith.xori %eq3A_1144, %or3A_1141 : vector<32x8x128xi1>
      %eq3A_1146 = arith.constant dense<true> : vector<32x8x128xi1>
      %eq3A_1147 = arith.xori %eq3A_1145, %eq3A_1146 : vector<32x8x128xi1>
      %select_n3A_1148 = arith.select %eq3A_1147, %select_n3A_1109, %select_n3A_1129 : vector<32x8x128xi1>, vector<32x8x128xi32>
      %select_n3A_1149 = arith.select %eq3A_1147, %select_n3A_1110, %select_n3A_1136 : vector<32x8x128xi1>, vector<32x8x128xi32>
      %and3A_1150 = arith.constant 64 : i32
      %and3A_1151 = vector.broadcast %and3A_1150 : i32 to vector<32x8x128xi32>
      %and3A_1152 = arith.andi %add3A, %and3A_1151 : vector<32x8x128xi32>
      %eq3A_1153 = arith.constant 0 : i32
      %eq3A_1154 = vector.broadcast %eq3A_1153 : i32 to vector<32x8x128xi32>
      %eq3A_1155 = arith.cmpi eq, %and3A_1152, %eq3A_1154 : vector<32x8x128xi32>
      %and3A_1156 = arith.constant 256 : i32
      %and3A_1157 = vector.broadcast %and3A_1156 : i32 to vector<32x8x128xi32>
      %and3A_1158 = arith.andi %add3A, %and3A_1157 : vector<32x8x128xi32>
      %eq3A_1159 = arith.constant 0 : i32
      %eq3A_1160 = vector.broadcast %eq3A_1159 : i32 to vector<32x8x128xi32>
      %eq3A_1161 = arith.cmpi eq, %and3A_1158, %eq3A_1160 : vector<32x8x128xi32>
      %slice3A_1162 = vector.extract_strided_slice %select_n3A_1148 {offsets = [0, 0, 64], sizes = [32, 8, 64], strides = [1, 1, 1]} : vector<32x8x128xi32> to vector<32x8x64xi32>
      %slice3A_1163 = vector.extract_strided_slice %select_n3A_1148 {offsets = [0, 0, 0], sizes = [32, 8, 64], strides = [1, 1, 1]} : vector<32x8x128xi32> to vector<32x8x64xi32>
      %concatenate3A_1164 = tpu.concatenate %slice3A_1162, %slice3A_1163 in 2 : vector<32x8x64xi32>, vector<32x8x64xi32> -> vector<32x8x128xi32>
      %slice3A_1165 = vector.extract_strided_slice %select_n3A_1148 {offsets = [0, 0, 64], sizes = [32, 8, 64], strides = [1, 1, 1]} : vector<32x8x128xi32> to vector<32x8x64xi32>
      %slice3A_1166 = vector.extract_strided_slice %select_n3A_1148 {offsets = [0, 0, 0], sizes = [32, 8, 64], strides = [1, 1, 1]} : vector<32x8x128xi32> to vector<32x8x64xi32>
      %concatenate3A_1167 = tpu.concatenate %slice3A_1165, %slice3A_1166 in 2 : vector<32x8x64xi32>, vector<32x8x64xi32> -> vector<32x8x128xi32>
      %select_n3A_1168 = arith.select %eq3A_1155, %concatenate3A_1164, %concatenate3A_1167 : vector<32x8x128xi1>, vector<32x8x128xi32>
      %slice3A_1169 = vector.extract_strided_slice %select_n3A_1149 {offsets = [0, 0, 64], sizes = [32, 8, 64], strides = [1, 1, 1]} : vector<32x8x128xi32> to vector<32x8x64xi32>
      %slice3A_1170 = vector.extract_strided_slice %select_n3A_1149 {offsets = [0, 0, 0], sizes = [32, 8, 64], strides = [1, 1, 1]} : vector<32x8x128xi32> to vector<32x8x64xi32>
      %concatenate3A_1171 = tpu.concatenate %slice3A_1169, %slice3A_1170 in 2 : vector<32x8x64xi32>, vector<32x8x64xi32> -> vector<32x8x128xi32>
      %slice3A_1172 = vector.extract_strided_slice %select_n3A_1149 {offsets = [0, 0, 64], sizes = [32, 8, 64], strides = [1, 1, 1]} : vector<32x8x128xi32> to vector<32x8x64xi32>
      %slice3A_1173 = vector.extract_strided_slice %select_n3A_1149 {offsets = [0, 0, 0], sizes = [32, 8, 64], strides = [1, 1, 1]} : vector<32x8x128xi32> to vector<32x8x64xi32>
      %concatenate3A_1174 = tpu.concatenate %slice3A_1172, %slice3A_1173 in 2 : vector<32x8x64xi32>, vector<32x8x64xi32> -> vector<32x8x128xi32>
      %select_n3A_1175 = arith.select %eq3A_1155, %concatenate3A_1171, %concatenate3A_1174 : vector<32x8x128xi1>, vector<32x8x128xi32>
      %lt3A_1176 = arith.cmpi slt, %select_n3A_1148, %select_n3A_1168 : vector<32x8x128xi32>
      %eq3A_1177 = arith.cmpi eq, %select_n3A_1148, %select_n3A_1168 : vector<32x8x128xi32>
      %lt3A_1178 = arith.cmpi slt, %select_n3A_1149, %select_n3A_1175 : vector<32x8x128xi32>
      %and3A_1179 = arith.andi %eq3A_1177, %lt3A_1178 : vector<32x8x128xi1>
      %or3A_1180 = arith.ori %lt3A_1176, %and3A_1179 : vector<32x8x128xi1>
      %eq3A_1181 = arith.xori %eq3A_1155, %eq3A_1161 : vector<32x8x128xi1>
      %eq3A_1182 = arith.constant dense<true> : vector<32x8x128xi1>
      %eq3A_1183 = arith.xori %eq3A_1181, %eq3A_1182 : vector<32x8x128xi1>
      %eq3A_1184 = arith.xori %eq3A_1183, %or3A_1180 : vector<32x8x128xi1>
      %eq3A_1185 = arith.constant dense<true> : vector<32x8x128xi1>
      %eq3A_1186 = arith.xori %eq3A_1184, %eq3A_1185 : vector<32x8x128xi1>
      %select_n3A_1187 = arith.select %eq3A_1186, %select_n3A_1148, %select_n3A_1168 : vector<32x8x128xi1>, vector<32x8x128xi32>
      %select_n3A_1188 = arith.select %eq3A_1186, %select_n3A_1149, %select_n3A_1175 : vector<32x8x128xi1>, vector<32x8x128xi32>
      %and3A_1189 = arith.constant 32 : i32
      %and3A_1190 = vector.broadcast %and3A_1189 : i32 to vector<32x8x128xi32>
      %and3A_1191 = arith.andi %add3A, %and3A_1190 : vector<32x8x128xi32>
      %eq3A_1192 = arith.constant 0 : i32
      %eq3A_1193 = vector.broadcast %eq3A_1192 : i32 to vector<32x8x128xi32>
      %eq3A_1194 = arith.cmpi eq, %and3A_1191, %eq3A_1193 : vector<32x8x128xi32>
      %and3A_1195 = arith.constant 256 : i32
      %and3A_1196 = vector.broadcast %and3A_1195 : i32 to vector<32x8x128xi32>
      %and3A_1197 = arith.andi %add3A, %and3A_1196 : vector<32x8x128xi32>
      %eq3A_1198 = arith.constant 0 : i32
      %eq3A_1199 = vector.broadcast %eq3A_1198 : i32 to vector<32x8x128xi32>
      %eq3A_1200 = arith.cmpi eq, %and3A_1197, %eq3A_1199 : vector<32x8x128xi32>
      %slice3A_1201 = vector.extract_strided_slice %select_n3A_1187 {offsets = [0, 0, 32], sizes = [32, 8, 96], strides = [1, 1, 1]} : vector<32x8x128xi32> to vector<32x8x96xi32>
      %slice3A_1202 = vector.extract_strided_slice %select_n3A_1187 {offsets = [0, 0, 0], sizes = [32, 8, 32], strides = [1, 1, 1]} : vector<32x8x128xi32> to vector<32x8x32xi32>
      %concatenate3A_1203 = tpu.concatenate %slice3A_1201, %slice3A_1202 in 2 : vector<32x8x96xi32>, vector<32x8x32xi32> -> vector<32x8x128xi32>
      %slice3A_1204 = vector.extract_strided_slice %select_n3A_1187 {offsets = [0, 0, 96], sizes = [32, 8, 32], strides = [1, 1, 1]} : vector<32x8x128xi32> to vector<32x8x32xi32>
      %slice3A_1205 = vector.extract_strided_slice %select_n3A_1187 {offsets = [0, 0, 0], sizes = [32, 8, 96], strides = [1, 1, 1]} : vector<32x8x128xi32> to vector<32x8x96xi32>
      %concatenate3A_1206 = tpu.concatenate %slice3A_1204, %slice3A_1205 in 2 : vector<32x8x32xi32>, vector<32x8x96xi32> -> vector<32x8x128xi32>
      %select_n3A_1207 = arith.select %eq3A_1194, %concatenate3A_1203, %concatenate3A_1206 : vector<32x8x128xi1>, vector<32x8x128xi32>
      %slice3A_1208 = vector.extract_strided_slice %select_n3A_1188 {offsets = [0, 0, 32], sizes = [32, 8, 96], strides = [1, 1, 1]} : vector<32x8x128xi32> to vector<32x8x96xi32>
      %slice3A_1209 = vector.extract_strided_slice %select_n3A_1188 {offsets = [0, 0, 0], sizes = [32, 8, 32], strides = [1, 1, 1]} : vector<32x8x128xi32> to vector<32x8x32xi32>
      %concatenate3A_1210 = tpu.concatenate %slice3A_1208, %slice3A_1209 in 2 : vector<32x8x96xi32>, vector<32x8x32xi32> -> vector<32x8x128xi32>
      %slice3A_1211 = vector.extract_strided_slice %select_n3A_1188 {offsets = [0, 0, 96], sizes = [32, 8, 32], strides = [1, 1, 1]} : vector<32x8x128xi32> to vector<32x8x32xi32>
      %slice3A_1212 = vector.extract_strided_slice %select_n3A_1188 {offsets = [0, 0, 0], sizes = [32, 8, 96], strides = [1, 1, 1]} : vector<32x8x128xi32> to vector<32x8x96xi32>
      %concatenate3A_1213 = tpu.concatenate %slice3A_1211, %slice3A_1212 in 2 : vector<32x8x32xi32>, vector<32x8x96xi32> -> vector<32x8x128xi32>
      %select_n3A_1214 = arith.select %eq3A_1194, %concatenate3A_1210, %concatenate3A_1213 : vector<32x8x128xi1>, vector<32x8x128xi32>
      %lt3A_1215 = arith.cmpi slt, %select_n3A_1187, %select_n3A_1207 : vector<32x8x128xi32>
      %eq3A_1216 = arith.cmpi eq, %select_n3A_1187, %select_n3A_1207 : vector<32x8x128xi32>
      %lt3A_1217 = arith.cmpi slt, %select_n3A_1188, %select_n3A_1214 : vector<32x8x128xi32>
      %and3A_1218 = arith.andi %eq3A_1216, %lt3A_1217 : vector<32x8x128xi1>
      %or3A_1219 = arith.ori %lt3A_1215, %and3A_1218 : vector<32x8x128xi1>
      %eq3A_1220 = arith.xori %eq3A_1194, %eq3A_1200 : vector<32x8x128xi1>
      %eq3A_1221 = arith.constant dense<true> : vector<32x8x128xi1>
      %eq3A_1222 = arith.xori %eq3A_1220, %eq3A_1221 : vector<32x8x128xi1>
      %eq3A_1223 = arith.xori %eq3A_1222, %or3A_1219 : vector<32x8x128xi1>
      %eq3A_1224 = arith.constant dense<true> : vector<32x8x128xi1>
      %eq3A_1225 = arith.xori %eq3A_1223, %eq3A_1224 : vector<32x8x128xi1>
      %select_n3A_1226 = arith.select %eq3A_1225, %select_n3A_1187, %select_n3A_1207 : vector<32x8x128xi1>, vector<32x8x128xi32>
      %select_n3A_1227 = arith.select %eq3A_1225, %select_n3A_1188, %select_n3A_1214 : vector<32x8x128xi1>, vector<32x8x128xi32>
      %and3A_1228 = arith.constant 16 : i32
      %and3A_1229 = vector.broadcast %and3A_1228 : i32 to vector<32x8x128xi32>
      %and3A_1230 = arith.andi %add3A, %and3A_1229 : vector<32x8x128xi32>
      %eq3A_1231 = arith.constant 0 : i32
      %eq3A_1232 = vector.broadcast %eq3A_1231 : i32 to vector<32x8x128xi32>
      %eq3A_1233 = arith.cmpi eq, %and3A_1230, %eq3A_1232 : vector<32x8x128xi32>
      %and3A_1234 = arith.constant 256 : i32
      %and3A_1235 = vector.broadcast %and3A_1234 : i32 to vector<32x8x128xi32>
      %and3A_1236 = arith.andi %add3A, %and3A_1235 : vector<32x8x128xi32>
      %eq3A_1237 = arith.constant 0 : i32
      %eq3A_1238 = vector.broadcast %eq3A_1237 : i32 to vector<32x8x128xi32>
      %eq3A_1239 = arith.cmpi eq, %and3A_1236, %eq3A_1238 : vector<32x8x128xi32>
      %slice3A_1240 = vector.extract_strided_slice %select_n3A_1226 {offsets = [0, 0, 16], sizes = [32, 8, 112], strides = [1, 1, 1]} : vector<32x8x128xi32> to vector<32x8x112xi32>
      %slice3A_1241 = vector.extract_strided_slice %select_n3A_1226 {offsets = [0, 0, 0], sizes = [32, 8, 16], strides = [1, 1, 1]} : vector<32x8x128xi32> to vector<32x8x16xi32>
      %concatenate3A_1242 = tpu.concatenate %slice3A_1240, %slice3A_1241 in 2 : vector<32x8x112xi32>, vector<32x8x16xi32> -> vector<32x8x128xi32>
      %slice3A_1243 = vector.extract_strided_slice %select_n3A_1226 {offsets = [0, 0, 112], sizes = [32, 8, 16], strides = [1, 1, 1]} : vector<32x8x128xi32> to vector<32x8x16xi32>
      %slice3A_1244 = vector.extract_strided_slice %select_n3A_1226 {offsets = [0, 0, 0], sizes = [32, 8, 112], strides = [1, 1, 1]} : vector<32x8x128xi32> to vector<32x8x112xi32>
      %concatenate3A_1245 = tpu.concatenate %slice3A_1243, %slice3A_1244 in 2 : vector<32x8x16xi32>, vector<32x8x112xi32> -> vector<32x8x128xi32>
      %select_n3A_1246 = arith.select %eq3A_1233, %concatenate3A_1242, %concatenate3A_1245 : vector<32x8x128xi1>, vector<32x8x128xi32>
      %slice3A_1247 = vector.extract_strided_slice %select_n3A_1227 {offsets = [0, 0, 16], sizes = [32, 8, 112], strides = [1, 1, 1]} : vector<32x8x128xi32> to vector<32x8x112xi32>
      %slice3A_1248 = vector.extract_strided_slice %select_n3A_1227 {offsets = [0, 0, 0], sizes = [32, 8, 16], strides = [1, 1, 1]} : vector<32x8x128xi32> to vector<32x8x16xi32>
      %concatenate3A_1249 = tpu.concatenate %slice3A_1247, %slice3A_1248 in 2 : vector<32x8x112xi32>, vector<32x8x16xi32> -> vector<32x8x128xi32>
      %slice3A_1250 = vector.extract_strided_slice %select_n3A_1227 {offsets = [0, 0, 112], sizes = [32, 8, 16], strides = [1, 1, 1]} : vector<32x8x128xi32> to vector<32x8x16xi32>
      %slice3A_1251 = vector.extract_strided_slice %select_n3A_1227 {offsets = [0, 0, 0], sizes = [32, 8, 112], strides = [1, 1, 1]} : vector<32x8x128xi32> to vector<32x8x112xi32>
      %concatenate3A_1252 = tpu.concatenate %slice3A_1250, %slice3A_1251 in 2 : vector<32x8x16xi32>, vector<32x8x112xi32> -> vector<32x8x128xi32>
      %select_n3A_1253 = arith.select %eq3A_1233, %concatenate3A_1249, %concatenate3A_1252 : vector<32x8x128xi1>, vector<32x8x128xi32>
      %lt3A_1254 = arith.cmpi slt, %select_n3A_1226, %select_n3A_1246 : vector<32x8x128xi32>
      %eq3A_1255 = arith.cmpi eq, %select_n3A_1226, %select_n3A_1246 : vector<32x8x128xi32>
      %lt3A_1256 = arith.cmpi slt, %select_n3A_1227, %select_n3A_1253 : vector<32x8x128xi32>
      %and3A_1257 = arith.andi %eq3A_1255, %lt3A_1256 : vector<32x8x128xi1>
      %or3A_1258 = arith.ori %lt3A_1254, %and3A_1257 : vector<32x8x128xi1>
      %eq3A_1259 = arith.xori %eq3A_1233, %eq3A_1239 : vector<32x8x128xi1>
      %eq3A_1260 = arith.constant dense<true> : vector<32x8x128xi1>
      %eq3A_1261 = arith.xori %eq3A_1259, %eq3A_1260 : vector<32x8x128xi1>
      %eq3A_1262 = arith.xori %eq3A_1261, %or3A_1258 : vector<32x8x128xi1>
      %eq3A_1263 = arith.constant dense<true> : vector<32x8x128xi1>
      %eq3A_1264 = arith.xori %eq3A_1262, %eq3A_1263 : vector<32x8x128xi1>
      %select_n3A_1265 = arith.select %eq3A_1264, %select_n3A_1226, %select_n3A_1246 : vector<32x8x128xi1>, vector<32x8x128xi32>
      %select_n3A_1266 = arith.select %eq3A_1264, %select_n3A_1227, %select_n3A_1253 : vector<32x8x128xi1>, vector<32x8x128xi32>
      %and3A_1267 = arith.constant 8 : i32
      %and3A_1268 = vector.broadcast %and3A_1267 : i32 to vector<32x8x128xi32>
      %and3A_1269 = arith.andi %add3A, %and3A_1268 : vector<32x8x128xi32>
      %eq3A_1270 = arith.constant 0 : i32
      %eq3A_1271 = vector.broadcast %eq3A_1270 : i32 to vector<32x8x128xi32>
      %eq3A_1272 = arith.cmpi eq, %and3A_1269, %eq3A_1271 : vector<32x8x128xi32>
      %and3A_1273 = arith.constant 256 : i32
      %and3A_1274 = vector.broadcast %and3A_1273 : i32 to vector<32x8x128xi32>
      %and3A_1275 = arith.andi %add3A, %and3A_1274 : vector<32x8x128xi32>
      %eq3A_1276 = arith.constant 0 : i32
      %eq3A_1277 = vector.broadcast %eq3A_1276 : i32 to vector<32x8x128xi32>
      %eq3A_1278 = arith.cmpi eq, %and3A_1275, %eq3A_1277 : vector<32x8x128xi32>
      %slice3A_1279 = vector.extract_strided_slice %select_n3A_1265 {offsets = [0, 0, 8], sizes = [32, 8, 120], strides = [1, 1, 1]} : vector<32x8x128xi32> to vector<32x8x120xi32>
      %slice3A_1280 = vector.extract_strided_slice %select_n3A_1265 {offsets = [0, 0, 0], sizes = [32, 8, 8], strides = [1, 1, 1]} : vector<32x8x128xi32> to vector<32x8x8xi32>
      %concatenate3A_1281 = tpu.concatenate %slice3A_1279, %slice3A_1280 in 2 : vector<32x8x120xi32>, vector<32x8x8xi32> -> vector<32x8x128xi32>
      %slice3A_1282 = vector.extract_strided_slice %select_n3A_1265 {offsets = [0, 0, 120], sizes = [32, 8, 8], strides = [1, 1, 1]} : vector<32x8x128xi32> to vector<32x8x8xi32>
      %slice3A_1283 = vector.extract_strided_slice %select_n3A_1265 {offsets = [0, 0, 0], sizes = [32, 8, 120], strides = [1, 1, 1]} : vector<32x8x128xi32> to vector<32x8x120xi32>
      %concatenate3A_1284 = tpu.concatenate %slice3A_1282, %slice3A_1283 in 2 : vector<32x8x8xi32>, vector<32x8x120xi32> -> vector<32x8x128xi32>
      %select_n3A_1285 = arith.select %eq3A_1272, %concatenate3A_1281, %concatenate3A_1284 : vector<32x8x128xi1>, vector<32x8x128xi32>
      %slice3A_1286 = vector.extract_strided_slice %select_n3A_1266 {offsets = [0, 0, 8], sizes = [32, 8, 120], strides = [1, 1, 1]} : vector<32x8x128xi32> to vector<32x8x120xi32>
      %slice3A_1287 = vector.extract_strided_slice %select_n3A_1266 {offsets = [0, 0, 0], sizes = [32, 8, 8], strides = [1, 1, 1]} : vector<32x8x128xi32> to vector<32x8x8xi32>
      %concatenate3A_1288 = tpu.concatenate %slice3A_1286, %slice3A_1287 in 2 : vector<32x8x120xi32>, vector<32x8x8xi32> -> vector<32x8x128xi32>
      %slice3A_1289 = vector.extract_strided_slice %select_n3A_1266 {offsets = [0, 0, 120], sizes = [32, 8, 8], strides = [1, 1, 1]} : vector<32x8x128xi32> to vector<32x8x8xi32>
      %slice3A_1290 = vector.extract_strided_slice %select_n3A_1266 {offsets = [0, 0, 0], sizes = [32, 8, 120], strides = [1, 1, 1]} : vector<32x8x128xi32> to vector<32x8x120xi32>
      %concatenate3A_1291 = tpu.concatenate %slice3A_1289, %slice3A_1290 in 2 : vector<32x8x8xi32>, vector<32x8x120xi32> -> vector<32x8x128xi32>
      %select_n3A_1292 = arith.select %eq3A_1272, %concatenate3A_1288, %concatenate3A_1291 : vector<32x8x128xi1>, vector<32x8x128xi32>
      %lt3A_1293 = arith.cmpi slt, %select_n3A_1265, %select_n3A_1285 : vector<32x8x128xi32>
      %eq3A_1294 = arith.cmpi eq, %select_n3A_1265, %select_n3A_1285 : vector<32x8x128xi32>
      %lt3A_1295 = arith.cmpi slt, %select_n3A_1266, %select_n3A_1292 : vector<32x8x128xi32>
      %and3A_1296 = arith.andi %eq3A_1294, %lt3A_1295 : vector<32x8x128xi1>
      %or3A_1297 = arith.ori %lt3A_1293, %and3A_1296 : vector<32x8x128xi1>
      %eq3A_1298 = arith.xori %eq3A_1272, %eq3A_1278 : vector<32x8x128xi1>
      %eq3A_1299 = arith.constant dense<true> : vector<32x8x128xi1>
      %eq3A_1300 = arith.xori %eq3A_1298, %eq3A_1299 : vector<32x8x128xi1>
      %eq3A_1301 = arith.xori %eq3A_1300, %or3A_1297 : vector<32x8x128xi1>
      %eq3A_1302 = arith.constant dense<true> : vector<32x8x128xi1>
      %eq3A_1303 = arith.xori %eq3A_1301, %eq3A_1302 : vector<32x8x128xi1>
      %select_n3A_1304 = arith.select %eq3A_1303, %select_n3A_1265, %select_n3A_1285 : vector<32x8x128xi1>, vector<32x8x128xi32>
      %select_n3A_1305 = arith.select %eq3A_1303, %select_n3A_1266, %select_n3A_1292 : vector<32x8x128xi1>, vector<32x8x128xi32>
      %and3A_1306 = arith.constant 4 : i32
      %and3A_1307 = vector.broadcast %and3A_1306 : i32 to vector<32x8x128xi32>
      %and3A_1308 = arith.andi %add3A, %and3A_1307 : vector<32x8x128xi32>
      %eq3A_1309 = arith.constant 0 : i32
      %eq3A_1310 = vector.broadcast %eq3A_1309 : i32 to vector<32x8x128xi32>
      %eq3A_1311 = arith.cmpi eq, %and3A_1308, %eq3A_1310 : vector<32x8x128xi32>
      %and3A_1312 = arith.constant 256 : i32
      %and3A_1313 = vector.broadcast %and3A_1312 : i32 to vector<32x8x128xi32>
      %and3A_1314 = arith.andi %add3A, %and3A_1313 : vector<32x8x128xi32>
      %eq3A_1315 = arith.constant 0 : i32
      %eq3A_1316 = vector.broadcast %eq3A_1315 : i32 to vector<32x8x128xi32>
      %eq3A_1317 = arith.cmpi eq, %and3A_1314, %eq3A_1316 : vector<32x8x128xi32>
      %slice3A_1318 = vector.extract_strided_slice %select_n3A_1304 {offsets = [0, 0, 4], sizes = [32, 8, 124], strides = [1, 1, 1]} : vector<32x8x128xi32> to vector<32x8x124xi32>
      %slice3A_1319 = vector.extract_strided_slice %select_n3A_1304 {offsets = [0, 0, 0], sizes = [32, 8, 4], strides = [1, 1, 1]} : vector<32x8x128xi32> to vector<32x8x4xi32>
      %concatenate3A_1320 = tpu.concatenate %slice3A_1318, %slice3A_1319 in 2 : vector<32x8x124xi32>, vector<32x8x4xi32> -> vector<32x8x128xi32>
      %slice3A_1321 = vector.extract_strided_slice %select_n3A_1304 {offsets = [0, 0, 124], sizes = [32, 8, 4], strides = [1, 1, 1]} : vector<32x8x128xi32> to vector<32x8x4xi32>
      %slice3A_1322 = vector.extract_strided_slice %select_n3A_1304 {offsets = [0, 0, 0], sizes = [32, 8, 124], strides = [1, 1, 1]} : vector<32x8x128xi32> to vector<32x8x124xi32>
      %concatenate3A_1323 = tpu.concatenate %slice3A_1321, %slice3A_1322 in 2 : vector<32x8x4xi32>, vector<32x8x124xi32> -> vector<32x8x128xi32>
      %select_n3A_1324 = arith.select %eq3A_1311, %concatenate3A_1320, %concatenate3A_1323 : vector<32x8x128xi1>, vector<32x8x128xi32>
      %slice3A_1325 = vector.extract_strided_slice %select_n3A_1305 {offsets = [0, 0, 4], sizes = [32, 8, 124], strides = [1, 1, 1]} : vector<32x8x128xi32> to vector<32x8x124xi32>
      %slice3A_1326 = vector.extract_strided_slice %select_n3A_1305 {offsets = [0, 0, 0], sizes = [32, 8, 4], strides = [1, 1, 1]} : vector<32x8x128xi32> to vector<32x8x4xi32>
      %concatenate3A_1327 = tpu.concatenate %slice3A_1325, %slice3A_1326 in 2 : vector<32x8x124xi32>, vector<32x8x4xi32> -> vector<32x8x128xi32>
      %slice3A_1328 = vector.extract_strided_slice %select_n3A_1305 {offsets = [0, 0, 124], sizes = [32, 8, 4], strides = [1, 1, 1]} : vector<32x8x128xi32> to vector<32x8x4xi32>
      %slice3A_1329 = vector.extract_strided_slice %select_n3A_1305 {offsets = [0, 0, 0], sizes = [32, 8, 124], strides = [1, 1, 1]} : vector<32x8x128xi32> to vector<32x8x124xi32>
      %concatenate3A_1330 = tpu.concatenate %slice3A_1328, %slice3A_1329 in 2 : vector<32x8x4xi32>, vector<32x8x124xi32> -> vector<32x8x128xi32>
      %select_n3A_1331 = arith.select %eq3A_1311, %concatenate3A_1327, %concatenate3A_1330 : vector<32x8x128xi1>, vector<32x8x128xi32>
      %lt3A_1332 = arith.cmpi slt, %select_n3A_1304, %select_n3A_1324 : vector<32x8x128xi32>
      %eq3A_1333 = arith.cmpi eq, %select_n3A_1304, %select_n3A_1324 : vector<32x8x128xi32>
      %lt3A_1334 = arith.cmpi slt, %select_n3A_1305, %select_n3A_1331 : vector<32x8x128xi32>
      %and3A_1335 = arith.andi %eq3A_1333, %lt3A_1334 : vector<32x8x128xi1>
      %or3A_1336 = arith.ori %lt3A_1332, %and3A_1335 : vector<32x8x128xi1>
      %eq3A_1337 = arith.xori %eq3A_1311, %eq3A_1317 : vector<32x8x128xi1>
      %eq3A_1338 = arith.constant dense<true> : vector<32x8x128xi1>
      %eq3A_1339 = arith.xori %eq3A_1337, %eq3A_1338 : vector<32x8x128xi1>
      %eq3A_1340 = arith.xori %eq3A_1339, %or3A_1336 : vector<32x8x128xi1>
      %eq3A_1341 = arith.constant dense<true> : vector<32x8x128xi1>
      %eq3A_1342 = arith.xori %eq3A_1340, %eq3A_1341 : vector<32x8x128xi1>
      %select_n3A_1343 = arith.select %eq3A_1342, %select_n3A_1304, %select_n3A_1324 : vector<32x8x128xi1>, vector<32x8x128xi32>
      %select_n3A_1344 = arith.select %eq3A_1342, %select_n3A_1305, %select_n3A_1331 : vector<32x8x128xi1>, vector<32x8x128xi32>
      %and3A_1345 = arith.constant 2 : i32
      %and3A_1346 = vector.broadcast %and3A_1345 : i32 to vector<32x8x128xi32>
      %and3A_1347 = arith.andi %add3A, %and3A_1346 : vector<32x8x128xi32>
      %eq3A_1348 = arith.constant 0 : i32
      %eq3A_1349 = vector.broadcast %eq3A_1348 : i32 to vector<32x8x128xi32>
      %eq3A_1350 = arith.cmpi eq, %and3A_1347, %eq3A_1349 : vector<32x8x128xi32>
      %and3A_1351 = arith.constant 256 : i32
      %and3A_1352 = vector.broadcast %and3A_1351 : i32 to vector<32x8x128xi32>
      %and3A_1353 = arith.andi %add3A, %and3A_1352 : vector<32x8x128xi32>
      %eq3A_1354 = arith.constant 0 : i32
      %eq3A_1355 = vector.broadcast %eq3A_1354 : i32 to vector<32x8x128xi32>
      %eq3A_1356 = arith.cmpi eq, %and3A_1353, %eq3A_1355 : vector<32x8x128xi32>
      %slice3A_1357 = vector.extract_strided_slice %select_n3A_1343 {offsets = [0, 0, 2], sizes = [32, 8, 126], strides = [1, 1, 1]} : vector<32x8x128xi32> to vector<32x8x126xi32>
      %slice3A_1358 = vector.extract_strided_slice %select_n3A_1343 {offsets = [0, 0, 0], sizes = [32, 8, 2], strides = [1, 1, 1]} : vector<32x8x128xi32> to vector<32x8x2xi32>
      %concatenate3A_1359 = tpu.concatenate %slice3A_1357, %slice3A_1358 in 2 : vector<32x8x126xi32>, vector<32x8x2xi32> -> vector<32x8x128xi32>
      %slice3A_1360 = vector.extract_strided_slice %select_n3A_1343 {offsets = [0, 0, 126], sizes = [32, 8, 2], strides = [1, 1, 1]} : vector<32x8x128xi32> to vector<32x8x2xi32>
      %slice3A_1361 = vector.extract_strided_slice %select_n3A_1343 {offsets = [0, 0, 0], sizes = [32, 8, 126], strides = [1, 1, 1]} : vector<32x8x128xi32> to vector<32x8x126xi32>
      %concatenate3A_1362 = tpu.concatenate %slice3A_1360, %slice3A_1361 in 2 : vector<32x8x2xi32>, vector<32x8x126xi32> -> vector<32x8x128xi32>
      %select_n3A_1363 = arith.select %eq3A_1350, %concatenate3A_1359, %concatenate3A_1362 : vector<32x8x128xi1>, vector<32x8x128xi32>
      %slice3A_1364 = vector.extract_strided_slice %select_n3A_1344 {offsets = [0, 0, 2], sizes = [32, 8, 126], strides = [1, 1, 1]} : vector<32x8x128xi32> to vector<32x8x126xi32>
      %slice3A_1365 = vector.extract_strided_slice %select_n3A_1344 {offsets = [0, 0, 0], sizes = [32, 8, 2], strides = [1, 1, 1]} : vector<32x8x128xi32> to vector<32x8x2xi32>
      %concatenate3A_1366 = tpu.concatenate %slice3A_1364, %slice3A_1365 in 2 : vector<32x8x126xi32>, vector<32x8x2xi32> -> vector<32x8x128xi32>
      %slice3A_1367 = vector.extract_strided_slice %select_n3A_1344 {offsets = [0, 0, 126], sizes = [32, 8, 2], strides = [1, 1, 1]} : vector<32x8x128xi32> to vector<32x8x2xi32>
      %slice3A_1368 = vector.extract_strided_slice %select_n3A_1344 {offsets = [0, 0, 0], sizes = [32, 8, 126], strides = [1, 1, 1]} : vector<32x8x128xi32> to vector<32x8x126xi32>
      %concatenate3A_1369 = tpu.concatenate %slice3A_1367, %slice3A_1368 in 2 : vector<32x8x2xi32>, vector<32x8x126xi32> -> vector<32x8x128xi32>
      %select_n3A_1370 = arith.select %eq3A_1350, %concatenate3A_1366, %concatenate3A_1369 : vector<32x8x128xi1>, vector<32x8x128xi32>
      %lt3A_1371 = arith.cmpi slt, %select_n3A_1343, %select_n3A_1363 : vector<32x8x128xi32>
      %eq3A_1372 = arith.cmpi eq, %select_n3A_1343, %select_n3A_1363 : vector<32x8x128xi32>
      %lt3A_1373 = arith.cmpi slt, %select_n3A_1344, %select_n3A_1370 : vector<32x8x128xi32>
      %and3A_1374 = arith.andi %eq3A_1372, %lt3A_1373 : vector<32x8x128xi1>
      %or3A_1375 = arith.ori %lt3A_1371, %and3A_1374 : vector<32x8x128xi1>
      %eq3A_1376 = arith.xori %eq3A_1350, %eq3A_1356 : vector<32x8x128xi1>
      %eq3A_1377 = arith.constant dense<true> : vector<32x8x128xi1>
      %eq3A_1378 = arith.xori %eq3A_1376, %eq3A_1377 : vector<32x8x128xi1>
      %eq3A_1379 = arith.xori %eq3A_1378, %or3A_1375 : vector<32x8x128xi1>
      %eq3A_1380 = arith.constant dense<true> : vector<32x8x128xi1>
      %eq3A_1381 = arith.xori %eq3A_1379, %eq3A_1380 : vector<32x8x128xi1>
      %select_n3A_1382 = arith.select %eq3A_1381, %select_n3A_1343, %select_n3A_1363 : vector<32x8x128xi1>, vector<32x8x128xi32>
      %select_n3A_1383 = arith.select %eq3A_1381, %select_n3A_1344, %select_n3A_1370 : vector<32x8x128xi1>, vector<32x8x128xi32>
      %and3A_1384 = arith.constant 1 : i32
      %and3A_1385 = vector.broadcast %and3A_1384 : i32 to vector<32x8x128xi32>
      %and3A_1386 = arith.andi %add3A, %and3A_1385 : vector<32x8x128xi32>
      %eq3A_1387 = arith.constant 0 : i32
      %eq3A_1388 = vector.broadcast %eq3A_1387 : i32 to vector<32x8x128xi32>
      %eq3A_1389 = arith.cmpi eq, %and3A_1386, %eq3A_1388 : vector<32x8x128xi32>
      %and3A_1390 = arith.constant 256 : i32
      %and3A_1391 = vector.broadcast %and3A_1390 : i32 to vector<32x8x128xi32>
      %and3A_1392 = arith.andi %add3A, %and3A_1391 : vector<32x8x128xi32>
      %eq3A_1393 = arith.constant 0 : i32
      %eq3A_1394 = vector.broadcast %eq3A_1393 : i32 to vector<32x8x128xi32>
      %eq3A_1395 = arith.cmpi eq, %and3A_1392, %eq3A_1394 : vector<32x8x128xi32>
      %slice3A_1396 = vector.extract_strided_slice %select_n3A_1382 {offsets = [0, 0, 1], sizes = [32, 8, 127], strides = [1, 1, 1]} : vector<32x8x128xi32> to vector<32x8x127xi32>
      %slice3A_1397 = vector.extract_strided_slice %select_n3A_1382 {offsets = [0, 0, 0], sizes = [32, 8, 1], strides = [1, 1, 1]} : vector<32x8x128xi32> to vector<32x8x1xi32>
      %concatenate3A_1398 = tpu.concatenate %slice3A_1396, %slice3A_1397 in 2 : vector<32x8x127xi32>, vector<32x8x1xi32> -> vector<32x8x128xi32>
      %slice3A_1399 = vector.extract_strided_slice %select_n3A_1382 {offsets = [0, 0, 127], sizes = [32, 8, 1], strides = [1, 1, 1]} : vector<32x8x128xi32> to vector<32x8x1xi32>
      %slice3A_1400 = vector.extract_strided_slice %select_n3A_1382 {offsets = [0, 0, 0], sizes = [32, 8, 127], strides = [1, 1, 1]} : vector<32x8x128xi32> to vector<32x8x127xi32>
      %concatenate3A_1401 = tpu.concatenate %slice3A_1399, %slice3A_1400 in 2 : vector<32x8x1xi32>, vector<32x8x127xi32> -> vector<32x8x128xi32>
      %select_n3A_1402 = arith.select %eq3A_1389, %concatenate3A_1398, %concatenate3A_1401 : vector<32x8x128xi1>, vector<32x8x128xi32>
      %slice3A_1403 = vector.extract_strided_slice %select_n3A_1383 {offsets = [0, 0, 1], sizes = [32, 8, 127], strides = [1, 1, 1]} : vector<32x8x128xi32> to vector<32x8x127xi32>
      %slice3A_1404 = vector.extract_strided_slice %select_n3A_1383 {offsets = [0, 0, 0], sizes = [32, 8, 1], strides = [1, 1, 1]} : vector<32x8x128xi32> to vector<32x8x1xi32>
      %concatenate3A_1405 = tpu.concatenate %slice3A_1403, %slice3A_1404 in 2 : vector<32x8x127xi32>, vector<32x8x1xi32> -> vector<32x8x128xi32>
      %slice3A_1406 = vector.extract_strided_slice %select_n3A_1383 {offsets = [0, 0, 127], sizes = [32, 8, 1], strides = [1, 1, 1]} : vector<32x8x128xi32> to vector<32x8x1xi32>
      %slice3A_1407 = vector.extract_strided_slice %select_n3A_1383 {offsets = [0, 0, 0], sizes = [32, 8, 127], strides = [1, 1, 1]} : vector<32x8x128xi32> to vector<32x8x127xi32>
      %concatenate3A_1408 = tpu.concatenate %slice3A_1406, %slice3A_1407 in 2 : vector<32x8x1xi32>, vector<32x8x127xi32> -> vector<32x8x128xi32>
      %select_n3A_1409 = arith.select %eq3A_1389, %concatenate3A_1405, %concatenate3A_1408 : vector<32x8x128xi1>, vector<32x8x128xi32>
      %lt3A_1410 = arith.cmpi slt, %select_n3A_1382, %select_n3A_1402 : vector<32x8x128xi32>
      %eq3A_1411 = arith.cmpi eq, %select_n3A_1382, %select_n3A_1402 : vector<32x8x128xi32>
      %lt3A_1412 = arith.cmpi slt, %select_n3A_1383, %select_n3A_1409 : vector<32x8x128xi32>
      %and3A_1413 = arith.andi %eq3A_1411, %lt3A_1412 : vector<32x8x128xi1>
      %or3A_1414 = arith.ori %lt3A_1410, %and3A_1413 : vector<32x8x128xi1>
      %eq3A_1415 = arith.xori %eq3A_1389, %eq3A_1395 : vector<32x8x128xi1>
      %eq3A_1416 = arith.constant dense<true> : vector<32x8x128xi1>
      %eq3A_1417 = arith.xori %eq3A_1415, %eq3A_1416 : vector<32x8x128xi1>
      %eq3A_1418 = arith.xori %eq3A_1417, %or3A_1414 : vector<32x8x128xi1>
      %eq3A_1419 = arith.constant dense<true> : vector<32x8x128xi1>
      %eq3A_1420 = arith.xori %eq3A_1418, %eq3A_1419 : vector<32x8x128xi1>
      %select_n3A_1421 = arith.select %eq3A_1420, %select_n3A_1382, %select_n3A_1402 : vector<32x8x128xi1>, vector<32x8x128xi32>
      %select_n3A_1422 = arith.select %eq3A_1420, %select_n3A_1383, %select_n3A_1409 : vector<32x8x128xi1>, vector<32x8x128xi32>
      %and3A_1423 = arith.constant 256 : i32
      %and3A_1424 = vector.broadcast %and3A_1423 : i32 to vector<32x8x128xi32>
      %and3A_1425 = arith.andi %add3A, %and3A_1424 : vector<32x8x128xi32>
      %eq3A_1426 = arith.constant 0 : i32
      %eq3A_1427 = vector.broadcast %eq3A_1426 : i32 to vector<32x8x128xi32>
      %eq3A_1428 = arith.cmpi eq, %and3A_1425, %eq3A_1427 : vector<32x8x128xi32>
      %and3A_1429 = arith.constant 512 : i32
      %and3A_1430 = vector.broadcast %and3A_1429 : i32 to vector<32x8x128xi32>
      %and3A_1431 = arith.andi %add3A, %and3A_1430 : vector<32x8x128xi32>
      %eq3A_1432 = arith.constant 0 : i32
      %eq3A_1433 = vector.broadcast %eq3A_1432 : i32 to vector<32x8x128xi32>
      %eq3A_1434 = arith.cmpi eq, %and3A_1431, %eq3A_1433 : vector<32x8x128xi32>
      %slice3A_1435 = vector.extract_strided_slice %select_n3A_1421 {offsets = [0, 2, 0], sizes = [32, 6, 128], strides = [1, 1, 1]} : vector<32x8x128xi32> to vector<32x6x128xi32>
      %slice3A_1436 = vector.extract_strided_slice %select_n3A_1421 {offsets = [0, 0, 0], sizes = [32, 2, 128], strides = [1, 1, 1]} : vector<32x8x128xi32> to vector<32x2x128xi32>
      %concatenate3A_1437 = tpu.concatenate %slice3A_1435, %slice3A_1436 in 1 : vector<32x6x128xi32>, vector<32x2x128xi32> -> vector<32x8x128xi32>
      %slice3A_1438 = vector.extract_strided_slice %select_n3A_1421 {offsets = [0, 6, 0], sizes = [32, 2, 128], strides = [1, 1, 1]} : vector<32x8x128xi32> to vector<32x2x128xi32>
      %slice3A_1439 = vector.extract_strided_slice %select_n3A_1421 {offsets = [0, 0, 0], sizes = [32, 6, 128], strides = [1, 1, 1]} : vector<32x8x128xi32> to vector<32x6x128xi32>
      %concatenate3A_1440 = tpu.concatenate %slice3A_1438, %slice3A_1439 in 1 : vector<32x2x128xi32>, vector<32x6x128xi32> -> vector<32x8x128xi32>
      %select_n3A_1441 = arith.select %eq3A_1428, %concatenate3A_1437, %concatenate3A_1440 : vector<32x8x128xi1>, vector<32x8x128xi32>
      %slice3A_1442 = vector.extract_strided_slice %select_n3A_1422 {offsets = [0, 2, 0], sizes = [32, 6, 128], strides = [1, 1, 1]} : vector<32x8x128xi32> to vector<32x6x128xi32>
      %slice3A_1443 = vector.extract_strided_slice %select_n3A_1422 {offsets = [0, 0, 0], sizes = [32, 2, 128], strides = [1, 1, 1]} : vector<32x8x128xi32> to vector<32x2x128xi32>
      %concatenate3A_1444 = tpu.concatenate %slice3A_1442, %slice3A_1443 in 1 : vector<32x6x128xi32>, vector<32x2x128xi32> -> vector<32x8x128xi32>
      %slice3A_1445 = vector.extract_strided_slice %select_n3A_1422 {offsets = [0, 6, 0], sizes = [32, 2, 128], strides = [1, 1, 1]} : vector<32x8x128xi32> to vector<32x2x128xi32>
      %slice3A_1446 = vector.extract_strided_slice %select_n3A_1422 {offsets = [0, 0, 0], sizes = [32, 6, 128], strides = [1, 1, 1]} : vector<32x8x128xi32> to vector<32x6x128xi32>
      %concatenate3A_1447 = tpu.concatenate %slice3A_1445, %slice3A_1446 in 1 : vector<32x2x128xi32>, vector<32x6x128xi32> -> vector<32x8x128xi32>
      %select_n3A_1448 = arith.select %eq3A_1428, %concatenate3A_1444, %concatenate3A_1447 : vector<32x8x128xi1>, vector<32x8x128xi32>
      %lt3A_1449 = arith.cmpi slt, %select_n3A_1421, %select_n3A_1441 : vector<32x8x128xi32>
      %eq3A_1450 = arith.cmpi eq, %select_n3A_1421, %select_n3A_1441 : vector<32x8x128xi32>
      %lt3A_1451 = arith.cmpi slt, %select_n3A_1422, %select_n3A_1448 : vector<32x8x128xi32>
      %and3A_1452 = arith.andi %eq3A_1450, %lt3A_1451 : vector<32x8x128xi1>
      %or3A_1453 = arith.ori %lt3A_1449, %and3A_1452 : vector<32x8x128xi1>
      %eq3A_1454 = arith.xori %eq3A_1428, %eq3A_1434 : vector<32x8x128xi1>
      %eq3A_1455 = arith.constant dense<true> : vector<32x8x128xi1>
      %eq3A_1456 = arith.xori %eq3A_1454, %eq3A_1455 : vector<32x8x128xi1>
      %eq3A_1457 = arith.xori %eq3A_1456, %or3A_1453 : vector<32x8x128xi1>
      %eq3A_1458 = arith.constant dense<true> : vector<32x8x128xi1>
      %eq3A_1459 = arith.xori %eq3A_1457, %eq3A_1458 : vector<32x8x128xi1>
      %select_n3A_1460 = arith.select %eq3A_1459, %select_n3A_1421, %select_n3A_1441 : vector<32x8x128xi1>, vector<32x8x128xi32>
      %select_n3A_1461 = arith.select %eq3A_1459, %select_n3A_1422, %select_n3A_1448 : vector<32x8x128xi1>, vector<32x8x128xi32>
      %and3A_1462 = arith.constant 128 : i32
      %and3A_1463 = vector.broadcast %and3A_1462 : i32 to vector<32x8x128xi32>
      %and3A_1464 = arith.andi %add3A, %and3A_1463 : vector<32x8x128xi32>
      %eq3A_1465 = arith.constant 0 : i32
      %eq3A_1466 = vector.broadcast %eq3A_1465 : i32 to vector<32x8x128xi32>
      %eq3A_1467 = arith.cmpi eq, %and3A_1464, %eq3A_1466 : vector<32x8x128xi32>
      %and3A_1468 = arith.constant 512 : i32
      %and3A_1469 = vector.broadcast %and3A_1468 : i32 to vector<32x8x128xi32>
      %and3A_1470 = arith.andi %add3A, %and3A_1469 : vector<32x8x128xi32>
      %eq3A_1471 = arith.constant 0 : i32
      %eq3A_1472 = vector.broadcast %eq3A_1471 : i32 to vector<32x8x128xi32>
      %eq3A_1473 = arith.cmpi eq, %and3A_1470, %eq3A_1472 : vector<32x8x128xi32>
      %slice3A_1474 = vector.extract_strided_slice %select_n3A_1460 {offsets = [0, 1, 0], sizes = [32, 7, 128], strides = [1, 1, 1]} : vector<32x8x128xi32> to vector<32x7x128xi32>
      %slice3A_1475 = vector.extract_strided_slice %select_n3A_1460 {offsets = [0, 0, 0], sizes = [32, 1, 128], strides = [1, 1, 1]} : vector<32x8x128xi32> to vector<32x1x128xi32>
      %concatenate3A_1476 = tpu.concatenate %slice3A_1474, %slice3A_1475 in 1 : vector<32x7x128xi32>, vector<32x1x128xi32> -> vector<32x8x128xi32>
      %slice3A_1477 = vector.extract_strided_slice %select_n3A_1460 {offsets = [0, 7, 0], sizes = [32, 1, 128], strides = [1, 1, 1]} : vector<32x8x128xi32> to vector<32x1x128xi32>
      %slice3A_1478 = vector.extract_strided_slice %select_n3A_1460 {offsets = [0, 0, 0], sizes = [32, 7, 128], strides = [1, 1, 1]} : vector<32x8x128xi32> to vector<32x7x128xi32>
      %concatenate3A_1479 = tpu.concatenate %slice3A_1477, %slice3A_1478 in 1 : vector<32x1x128xi32>, vector<32x7x128xi32> -> vector<32x8x128xi32>
      %select_n3A_1480 = arith.select %eq3A_1467, %concatenate3A_1476, %concatenate3A_1479 : vector<32x8x128xi1>, vector<32x8x128xi32>
      %slice3A_1481 = vector.extract_strided_slice %select_n3A_1461 {offsets = [0, 1, 0], sizes = [32, 7, 128], strides = [1, 1, 1]} : vector<32x8x128xi32> to vector<32x7x128xi32>
      %slice3A_1482 = vector.extract_strided_slice %select_n3A_1461 {offsets = [0, 0, 0], sizes = [32, 1, 128], strides = [1, 1, 1]} : vector<32x8x128xi32> to vector<32x1x128xi32>
      %concatenate3A_1483 = tpu.concatenate %slice3A_1481, %slice3A_1482 in 1 : vector<32x7x128xi32>, vector<32x1x128xi32> -> vector<32x8x128xi32>
      %slice3A_1484 = vector.extract_strided_slice %select_n3A_1461 {offsets = [0, 7, 0], sizes = [32, 1, 128], strides = [1, 1, 1]} : vector<32x8x128xi32> to vector<32x1x128xi32>
      %slice3A_1485 = vector.extract_strided_slice %select_n3A_1461 {offsets = [0, 0, 0], sizes = [32, 7, 128], strides = [1, 1, 1]} : vector<32x8x128xi32> to vector<32x7x128xi32>
      %concatenate3A_1486 = tpu.concatenate %slice3A_1484, %slice3A_1485 in 1 : vector<32x1x128xi32>, vector<32x7x128xi32> -> vector<32x8x128xi32>
      %select_n3A_1487 = arith.select %eq3A_1467, %concatenate3A_1483, %concatenate3A_1486 : vector<32x8x128xi1>, vector<32x8x128xi32>
      %lt3A_1488 = arith.cmpi slt, %select_n3A_1460, %select_n3A_1480 : vector<32x8x128xi32>
      %eq3A_1489 = arith.cmpi eq, %select_n3A_1460, %select_n3A_1480 : vector<32x8x128xi32>
      %lt3A_1490 = arith.cmpi slt, %select_n3A_1461, %select_n3A_1487 : vector<32x8x128xi32>
      %and3A_1491 = arith.andi %eq3A_1489, %lt3A_1490 : vector<32x8x128xi1>
      %or3A_1492 = arith.ori %lt3A_1488, %and3A_1491 : vector<32x8x128xi1>
      %eq3A_1493 = arith.xori %eq3A_1467, %eq3A_1473 : vector<32x8x128xi1>
      %eq3A_1494 = arith.constant dense<true> : vector<32x8x128xi1>
      %eq3A_1495 = arith.xori %eq3A_1493, %eq3A_1494 : vector<32x8x128xi1>
      %eq3A_1496 = arith.xori %eq3A_1495, %or3A_1492 : vector<32x8x128xi1>
      %eq3A_1497 = arith.constant dense<true> : vector<32x8x128xi1>
      %eq3A_1498 = arith.xori %eq3A_1496, %eq3A_1497 : vector<32x8x128xi1>
      %select_n3A_1499 = arith.select %eq3A_1498, %select_n3A_1460, %select_n3A_1480 : vector<32x8x128xi1>, vector<32x8x128xi32>
      %select_n3A_1500 = arith.select %eq3A_1498, %select_n3A_1461, %select_n3A_1487 : vector<32x8x128xi1>, vector<32x8x128xi32>
      %and3A_1501 = arith.constant 64 : i32
      %and3A_1502 = vector.broadcast %and3A_1501 : i32 to vector<32x8x128xi32>
      %and3A_1503 = arith.andi %add3A, %and3A_1502 : vector<32x8x128xi32>
      %eq3A_1504 = arith.constant 0 : i32
      %eq3A_1505 = vector.broadcast %eq3A_1504 : i32 to vector<32x8x128xi32>
      %eq3A_1506 = arith.cmpi eq, %and3A_1503, %eq3A_1505 : vector<32x8x128xi32>
      %and3A_1507 = arith.constant 512 : i32
      %and3A_1508 = vector.broadcast %and3A_1507 : i32 to vector<32x8x128xi32>
      %and3A_1509 = arith.andi %add3A, %and3A_1508 : vector<32x8x128xi32>
      %eq3A_1510 = arith.constant 0 : i32
      %eq3A_1511 = vector.broadcast %eq3A_1510 : i32 to vector<32x8x128xi32>
      %eq3A_1512 = arith.cmpi eq, %and3A_1509, %eq3A_1511 : vector<32x8x128xi32>
      %slice3A_1513 = vector.extract_strided_slice %select_n3A_1499 {offsets = [0, 0, 64], sizes = [32, 8, 64], strides = [1, 1, 1]} : vector<32x8x128xi32> to vector<32x8x64xi32>
      %slice3A_1514 = vector.extract_strided_slice %select_n3A_1499 {offsets = [0, 0, 0], sizes = [32, 8, 64], strides = [1, 1, 1]} : vector<32x8x128xi32> to vector<32x8x64xi32>
      %concatenate3A_1515 = tpu.concatenate %slice3A_1513, %slice3A_1514 in 2 : vector<32x8x64xi32>, vector<32x8x64xi32> -> vector<32x8x128xi32>
      %slice3A_1516 = vector.extract_strided_slice %select_n3A_1499 {offsets = [0, 0, 64], sizes = [32, 8, 64], strides = [1, 1, 1]} : vector<32x8x128xi32> to vector<32x8x64xi32>
      %slice3A_1517 = vector.extract_strided_slice %select_n3A_1499 {offsets = [0, 0, 0], sizes = [32, 8, 64], strides = [1, 1, 1]} : vector<32x8x128xi32> to vector<32x8x64xi32>
      %concatenate3A_1518 = tpu.concatenate %slice3A_1516, %slice3A_1517 in 2 : vector<32x8x64xi32>, vector<32x8x64xi32> -> vector<32x8x128xi32>
      %select_n3A_1519 = arith.select %eq3A_1506, %concatenate3A_1515, %concatenate3A_1518 : vector<32x8x128xi1>, vector<32x8x128xi32>
      %slice3A_1520 = vector.extract_strided_slice %select_n3A_1500 {offsets = [0, 0, 64], sizes = [32, 8, 64], strides = [1, 1, 1]} : vector<32x8x128xi32> to vector<32x8x64xi32>
      %slice3A_1521 = vector.extract_strided_slice %select_n3A_1500 {offsets = [0, 0, 0], sizes = [32, 8, 64], strides = [1, 1, 1]} : vector<32x8x128xi32> to vector<32x8x64xi32>
      %concatenate3A_1522 = tpu.concatenate %slice3A_1520, %slice3A_1521 in 2 : vector<32x8x64xi32>, vector<32x8x64xi32> -> vector<32x8x128xi32>
      %slice3A_1523 = vector.extract_strided_slice %select_n3A_1500 {offsets = [0, 0, 64], sizes = [32, 8, 64], strides = [1, 1, 1]} : vector<32x8x128xi32> to vector<32x8x64xi32>
      %slice3A_1524 = vector.extract_strided_slice %select_n3A_1500 {offsets = [0, 0, 0], sizes = [32, 8, 64], strides = [1, 1, 1]} : vector<32x8x128xi32> to vector<32x8x64xi32>
      %concatenate3A_1525 = tpu.concatenate %slice3A_1523, %slice3A_1524 in 2 : vector<32x8x64xi32>, vector<32x8x64xi32> -> vector<32x8x128xi32>
      %select_n3A_1526 = arith.select %eq3A_1506, %concatenate3A_1522, %concatenate3A_1525 : vector<32x8x128xi1>, vector<32x8x128xi32>
      %lt3A_1527 = arith.cmpi slt, %select_n3A_1499, %select_n3A_1519 : vector<32x8x128xi32>
      %eq3A_1528 = arith.cmpi eq, %select_n3A_1499, %select_n3A_1519 : vector<32x8x128xi32>
      %lt3A_1529 = arith.cmpi slt, %select_n3A_1500, %select_n3A_1526 : vector<32x8x128xi32>
      %and3A_1530 = arith.andi %eq3A_1528, %lt3A_1529 : vector<32x8x128xi1>
      %or3A_1531 = arith.ori %lt3A_1527, %and3A_1530 : vector<32x8x128xi1>
      %eq3A_1532 = arith.xori %eq3A_1506, %eq3A_1512 : vector<32x8x128xi1>
      %eq3A_1533 = arith.constant dense<true> : vector<32x8x128xi1>
      %eq3A_1534 = arith.xori %eq3A_1532, %eq3A_1533 : vector<32x8x128xi1>
      %eq3A_1535 = arith.xori %eq3A_1534, %or3A_1531 : vector<32x8x128xi1>
      %eq3A_1536 = arith.constant dense<true> : vector<32x8x128xi1>
      %eq3A_1537 = arith.xori %eq3A_1535, %eq3A_1536 : vector<32x8x128xi1>
      %select_n3A_1538 = arith.select %eq3A_1537, %select_n3A_1499, %select_n3A_1519 : vector<32x8x128xi1>, vector<32x8x128xi32>
      %select_n3A_1539 = arith.select %eq3A_1537, %select_n3A_1500, %select_n3A_1526 : vector<32x8x128xi1>, vector<32x8x128xi32>
      %and3A_1540 = arith.constant 32 : i32
      %and3A_1541 = vector.broadcast %and3A_1540 : i32 to vector<32x8x128xi32>
      %and3A_1542 = arith.andi %add3A, %and3A_1541 : vector<32x8x128xi32>
      %eq3A_1543 = arith.constant 0 : i32
      %eq3A_1544 = vector.broadcast %eq3A_1543 : i32 to vector<32x8x128xi32>
      %eq3A_1545 = arith.cmpi eq, %and3A_1542, %eq3A_1544 : vector<32x8x128xi32>
      %and3A_1546 = arith.constant 512 : i32
      %and3A_1547 = vector.broadcast %and3A_1546 : i32 to vector<32x8x128xi32>
      %and3A_1548 = arith.andi %add3A, %and3A_1547 : vector<32x8x128xi32>
      %eq3A_1549 = arith.constant 0 : i32
      %eq3A_1550 = vector.broadcast %eq3A_1549 : i32 to vector<32x8x128xi32>
      %eq3A_1551 = arith.cmpi eq, %and3A_1548, %eq3A_1550 : vector<32x8x128xi32>
      %slice3A_1552 = vector.extract_strided_slice %select_n3A_1538 {offsets = [0, 0, 32], sizes = [32, 8, 96], strides = [1, 1, 1]} : vector<32x8x128xi32> to vector<32x8x96xi32>
      %slice3A_1553 = vector.extract_strided_slice %select_n3A_1538 {offsets = [0, 0, 0], sizes = [32, 8, 32], strides = [1, 1, 1]} : vector<32x8x128xi32> to vector<32x8x32xi32>
      %concatenate3A_1554 = tpu.concatenate %slice3A_1552, %slice3A_1553 in 2 : vector<32x8x96xi32>, vector<32x8x32xi32> -> vector<32x8x128xi32>
      %slice3A_1555 = vector.extract_strided_slice %select_n3A_1538 {offsets = [0, 0, 96], sizes = [32, 8, 32], strides = [1, 1, 1]} : vector<32x8x128xi32> to vector<32x8x32xi32>
      %slice3A_1556 = vector.extract_strided_slice %select_n3A_1538 {offsets = [0, 0, 0], sizes = [32, 8, 96], strides = [1, 1, 1]} : vector<32x8x128xi32> to vector<32x8x96xi32>
      %concatenate3A_1557 = tpu.concatenate %slice3A_1555, %slice3A_1556 in 2 : vector<32x8x32xi32>, vector<32x8x96xi32> -> vector<32x8x128xi32>
      %select_n3A_1558 = arith.select %eq3A_1545, %concatenate3A_1554, %concatenate3A_1557 : vector<32x8x128xi1>, vector<32x8x128xi32>
      %slice3A_1559 = vector.extract_strided_slice %select_n3A_1539 {offsets = [0, 0, 32], sizes = [32, 8, 96], strides = [1, 1, 1]} : vector<32x8x128xi32> to vector<32x8x96xi32>
      %slice3A_1560 = vector.extract_strided_slice %select_n3A_1539 {offsets = [0, 0, 0], sizes = [32, 8, 32], strides = [1, 1, 1]} : vector<32x8x128xi32> to vector<32x8x32xi32>
      %concatenate3A_1561 = tpu.concatenate %slice3A_1559, %slice3A_1560 in 2 : vector<32x8x96xi32>, vector<32x8x32xi32> -> vector<32x8x128xi32>
      %slice3A_1562 = vector.extract_strided_slice %select_n3A_1539 {offsets = [0, 0, 96], sizes = [32, 8, 32], strides = [1, 1, 1]} : vector<32x8x128xi32> to vector<32x8x32xi32>
      %slice3A_1563 = vector.extract_strided_slice %select_n3A_1539 {offsets = [0, 0, 0], sizes = [32, 8, 96], strides = [1, 1, 1]} : vector<32x8x128xi32> to vector<32x8x96xi32>
      %concatenate3A_1564 = tpu.concatenate %slice3A_1562, %slice3A_1563 in 2 : vector<32x8x32xi32>, vector<32x8x96xi32> -> vector<32x8x128xi32>
      %select_n3A_1565 = arith.select %eq3A_1545, %concatenate3A_1561, %concatenate3A_1564 : vector<32x8x128xi1>, vector<32x8x128xi32>
      %lt3A_1566 = arith.cmpi slt, %select_n3A_1538, %select_n3A_1558 : vector<32x8x128xi32>
      %eq3A_1567 = arith.cmpi eq, %select_n3A_1538, %select_n3A_1558 : vector<32x8x128xi32>
      %lt3A_1568 = arith.cmpi slt, %select_n3A_1539, %select_n3A_1565 : vector<32x8x128xi32>
      %and3A_1569 = arith.andi %eq3A_1567, %lt3A_1568 : vector<32x8x128xi1>
      %or3A_1570 = arith.ori %lt3A_1566, %and3A_1569 : vector<32x8x128xi1>
      %eq3A_1571 = arith.xori %eq3A_1545, %eq3A_1551 : vector<32x8x128xi1>
      %eq3A_1572 = arith.constant dense<true> : vector<32x8x128xi1>
      %eq3A_1573 = arith.xori %eq3A_1571, %eq3A_1572 : vector<32x8x128xi1>
      %eq3A_1574 = arith.xori %eq3A_1573, %or3A_1570 : vector<32x8x128xi1>
      %eq3A_1575 = arith.constant dense<true> : vector<32x8x128xi1>
      %eq3A_1576 = arith.xori %eq3A_1574, %eq3A_1575 : vector<32x8x128xi1>
      %select_n3A_1577 = arith.select %eq3A_1576, %select_n3A_1538, %select_n3A_1558 : vector<32x8x128xi1>, vector<32x8x128xi32>
      %select_n3A_1578 = arith.select %eq3A_1576, %select_n3A_1539, %select_n3A_1565 : vector<32x8x128xi1>, vector<32x8x128xi32>
      %and3A_1579 = arith.constant 16 : i32
      %and3A_1580 = vector.broadcast %and3A_1579 : i32 to vector<32x8x128xi32>
      %and3A_1581 = arith.andi %add3A, %and3A_1580 : vector<32x8x128xi32>
      %eq3A_1582 = arith.constant 0 : i32
      %eq3A_1583 = vector.broadcast %eq3A_1582 : i32 to vector<32x8x128xi32>
      %eq3A_1584 = arith.cmpi eq, %and3A_1581, %eq3A_1583 : vector<32x8x128xi32>
      %and3A_1585 = arith.constant 512 : i32
      %and3A_1586 = vector.broadcast %and3A_1585 : i32 to vector<32x8x128xi32>
      %and3A_1587 = arith.andi %add3A, %and3A_1586 : vector<32x8x128xi32>
      %eq3A_1588 = arith.constant 0 : i32
      %eq3A_1589 = vector.broadcast %eq3A_1588 : i32 to vector<32x8x128xi32>
      %eq3A_1590 = arith.cmpi eq, %and3A_1587, %eq3A_1589 : vector<32x8x128xi32>
      %slice3A_1591 = vector.extract_strided_slice %select_n3A_1577 {offsets = [0, 0, 16], sizes = [32, 8, 112], strides = [1, 1, 1]} : vector<32x8x128xi32> to vector<32x8x112xi32>
      %slice3A_1592 = vector.extract_strided_slice %select_n3A_1577 {offsets = [0, 0, 0], sizes = [32, 8, 16], strides = [1, 1, 1]} : vector<32x8x128xi32> to vector<32x8x16xi32>
      %concatenate3A_1593 = tpu.concatenate %slice3A_1591, %slice3A_1592 in 2 : vector<32x8x112xi32>, vector<32x8x16xi32> -> vector<32x8x128xi32>
      %slice3A_1594 = vector.extract_strided_slice %select_n3A_1577 {offsets = [0, 0, 112], sizes = [32, 8, 16], strides = [1, 1, 1]} : vector<32x8x128xi32> to vector<32x8x16xi32>
      %slice3A_1595 = vector.extract_strided_slice %select_n3A_1577 {offsets = [0, 0, 0], sizes = [32, 8, 112], strides = [1, 1, 1]} : vector<32x8x128xi32> to vector<32x8x112xi32>
      %concatenate3A_1596 = tpu.concatenate %slice3A_1594, %slice3A_1595 in 2 : vector<32x8x16xi32>, vector<32x8x112xi32> -> vector<32x8x128xi32>
      %select_n3A_1597 = arith.select %eq3A_1584, %concatenate3A_1593, %concatenate3A_1596 : vector<32x8x128xi1>, vector<32x8x128xi32>
      %slice3A_1598 = vector.extract_strided_slice %select_n3A_1578 {offsets = [0, 0, 16], sizes = [32, 8, 112], strides = [1, 1, 1]} : vector<32x8x128xi32> to vector<32x8x112xi32>
      %slice3A_1599 = vector.extract_strided_slice %select_n3A_1578 {offsets = [0, 0, 0], sizes = [32, 8, 16], strides = [1, 1, 1]} : vector<32x8x128xi32> to vector<32x8x16xi32>
      %concatenate3A_1600 = tpu.concatenate %slice3A_1598, %slice3A_1599 in 2 : vector<32x8x112xi32>, vector<32x8x16xi32> -> vector<32x8x128xi32>
      %slice3A_1601 = vector.extract_strided_slice %select_n3A_1578 {offsets = [0, 0, 112], sizes = [32, 8, 16], strides = [1, 1, 1]} : vector<32x8x128xi32> to vector<32x8x16xi32>
      %slice3A_1602 = vector.extract_strided_slice %select_n3A_1578 {offsets = [0, 0, 0], sizes = [32, 8, 112], strides = [1, 1, 1]} : vector<32x8x128xi32> to vector<32x8x112xi32>
      %concatenate3A_1603 = tpu.concatenate %slice3A_1601, %slice3A_1602 in 2 : vector<32x8x16xi32>, vector<32x8x112xi32> -> vector<32x8x128xi32>
      %select_n3A_1604 = arith.select %eq3A_1584, %concatenate3A_1600, %concatenate3A_1603 : vector<32x8x128xi1>, vector<32x8x128xi32>
      %lt3A_1605 = arith.cmpi slt, %select_n3A_1577, %select_n3A_1597 : vector<32x8x128xi32>
      %eq3A_1606 = arith.cmpi eq, %select_n3A_1577, %select_n3A_1597 : vector<32x8x128xi32>
      %lt3A_1607 = arith.cmpi slt, %select_n3A_1578, %select_n3A_1604 : vector<32x8x128xi32>
      %and3A_1608 = arith.andi %eq3A_1606, %lt3A_1607 : vector<32x8x128xi1>
      %or3A_1609 = arith.ori %lt3A_1605, %and3A_1608 : vector<32x8x128xi1>
      %eq3A_1610 = arith.xori %eq3A_1584, %eq3A_1590 : vector<32x8x128xi1>
      %eq3A_1611 = arith.constant dense<true> : vector<32x8x128xi1>
      %eq3A_1612 = arith.xori %eq3A_1610, %eq3A_1611 : vector<32x8x128xi1>
      %eq3A_1613 = arith.xori %eq3A_1612, %or3A_1609 : vector<32x8x128xi1>
      %eq3A_1614 = arith.constant dense<true> : vector<32x8x128xi1>
      %eq3A_1615 = arith.xori %eq3A_1613, %eq3A_1614 : vector<32x8x128xi1>
      %select_n3A_1616 = arith.select %eq3A_1615, %select_n3A_1577, %select_n3A_1597 : vector<32x8x128xi1>, vector<32x8x128xi32>
      %select_n3A_1617 = arith.select %eq3A_1615, %select_n3A_1578, %select_n3A_1604 : vector<32x8x128xi1>, vector<32x8x128xi32>
      %and3A_1618 = arith.constant 8 : i32
      %and3A_1619 = vector.broadcast %and3A_1618 : i32 to vector<32x8x128xi32>
      %and3A_1620 = arith.andi %add3A, %and3A_1619 : vector<32x8x128xi32>
      %eq3A_1621 = arith.constant 0 : i32
      %eq3A_1622 = vector.broadcast %eq3A_1621 : i32 to vector<32x8x128xi32>
      %eq3A_1623 = arith.cmpi eq, %and3A_1620, %eq3A_1622 : vector<32x8x128xi32>
      %and3A_1624 = arith.constant 512 : i32
      %and3A_1625 = vector.broadcast %and3A_1624 : i32 to vector<32x8x128xi32>
      %and3A_1626 = arith.andi %add3A, %and3A_1625 : vector<32x8x128xi32>
      %eq3A_1627 = arith.constant 0 : i32
      %eq3A_1628 = vector.broadcast %eq3A_1627 : i32 to vector<32x8x128xi32>
      %eq3A_1629 = arith.cmpi eq, %and3A_1626, %eq3A_1628 : vector<32x8x128xi32>
      %slice3A_1630 = vector.extract_strided_slice %select_n3A_1616 {offsets = [0, 0, 8], sizes = [32, 8, 120], strides = [1, 1, 1]} : vector<32x8x128xi32> to vector<32x8x120xi32>
      %slice3A_1631 = vector.extract_strided_slice %select_n3A_1616 {offsets = [0, 0, 0], sizes = [32, 8, 8], strides = [1, 1, 1]} : vector<32x8x128xi32> to vector<32x8x8xi32>
      %concatenate3A_1632 = tpu.concatenate %slice3A_1630, %slice3A_1631 in 2 : vector<32x8x120xi32>, vector<32x8x8xi32> -> vector<32x8x128xi32>
      %slice3A_1633 = vector.extract_strided_slice %select_n3A_1616 {offsets = [0, 0, 120], sizes = [32, 8, 8], strides = [1, 1, 1]} : vector<32x8x128xi32> to vector<32x8x8xi32>
      %slice3A_1634 = vector.extract_strided_slice %select_n3A_1616 {offsets = [0, 0, 0], sizes = [32, 8, 120], strides = [1, 1, 1]} : vector<32x8x128xi32> to vector<32x8x120xi32>
      %concatenate3A_1635 = tpu.concatenate %slice3A_1633, %slice3A_1634 in 2 : vector<32x8x8xi32>, vector<32x8x120xi32> -> vector<32x8x128xi32>
      %select_n3A_1636 = arith.select %eq3A_1623, %concatenate3A_1632, %concatenate3A_1635 : vector<32x8x128xi1>, vector<32x8x128xi32>
      %slice3A_1637 = vector.extract_strided_slice %select_n3A_1617 {offsets = [0, 0, 8], sizes = [32, 8, 120], strides = [1, 1, 1]} : vector<32x8x128xi32> to vector<32x8x120xi32>
      %slice3A_1638 = vector.extract_strided_slice %select_n3A_1617 {offsets = [0, 0, 0], sizes = [32, 8, 8], strides = [1, 1, 1]} : vector<32x8x128xi32> to vector<32x8x8xi32>
      %concatenate3A_1639 = tpu.concatenate %slice3A_1637, %slice3A_1638 in 2 : vector<32x8x120xi32>, vector<32x8x8xi32> -> vector<32x8x128xi32>
      %slice3A_1640 = vector.extract_strided_slice %select_n3A_1617 {offsets = [0, 0, 120], sizes = [32, 8, 8], strides = [1, 1, 1]} : vector<32x8x128xi32> to vector<32x8x8xi32>
      %slice3A_1641 = vector.extract_strided_slice %select_n3A_1617 {offsets = [0, 0, 0], sizes = [32, 8, 120], strides = [1, 1, 1]} : vector<32x8x128xi32> to vector<32x8x120xi32>
      %concatenate3A_1642 = tpu.concatenate %slice3A_1640, %slice3A_1641 in 2 : vector<32x8x8xi32>, vector<32x8x120xi32> -> vector<32x8x128xi32>
      %select_n3A_1643 = arith.select %eq3A_1623, %concatenate3A_1639, %concatenate3A_1642 : vector<32x8x128xi1>, vector<32x8x128xi32>
      %lt3A_1644 = arith.cmpi slt, %select_n3A_1616, %select_n3A_1636 : vector<32x8x128xi32>
      %eq3A_1645 = arith.cmpi eq, %select_n3A_1616, %select_n3A_1636 : vector<32x8x128xi32>
      %lt3A_1646 = arith.cmpi slt, %select_n3A_1617, %select_n3A_1643 : vector<32x8x128xi32>
      %and3A_1647 = arith.andi %eq3A_1645, %lt3A_1646 : vector<32x8x128xi1>
      %or3A_1648 = arith.ori %lt3A_1644, %and3A_1647 : vector<32x8x128xi1>
      %eq3A_1649 = arith.xori %eq3A_1623, %eq3A_1629 : vector<32x8x128xi1>
      %eq3A_1650 = arith.constant dense<true> : vector<32x8x128xi1>
      %eq3A_1651 = arith.xori %eq3A_1649, %eq3A_1650 : vector<32x8x128xi1>
      %eq3A_1652 = arith.xori %eq3A_1651, %or3A_1648 : vector<32x8x128xi1>
      %eq3A_1653 = arith.constant dense<true> : vector<32x8x128xi1>
      %eq3A_1654 = arith.xori %eq3A_1652, %eq3A_1653 : vector<32x8x128xi1>
      %select_n3A_1655 = arith.select %eq3A_1654, %select_n3A_1616, %select_n3A_1636 : vector<32x8x128xi1>, vector<32x8x128xi32>
      %select_n3A_1656 = arith.select %eq3A_1654, %select_n3A_1617, %select_n3A_1643 : vector<32x8x128xi1>, vector<32x8x128xi32>
      %and3A_1657 = arith.constant 4 : i32
      %and3A_1658 = vector.broadcast %and3A_1657 : i32 to vector<32x8x128xi32>
      %and3A_1659 = arith.andi %add3A, %and3A_1658 : vector<32x8x128xi32>
      %eq3A_1660 = arith.constant 0 : i32
      %eq3A_1661 = vector.broadcast %eq3A_1660 : i32 to vector<32x8x128xi32>
      %eq3A_1662 = arith.cmpi eq, %and3A_1659, %eq3A_1661 : vector<32x8x128xi32>
      %and3A_1663 = arith.constant 512 : i32
      %and3A_1664 = vector.broadcast %and3A_1663 : i32 to vector<32x8x128xi32>
      %and3A_1665 = arith.andi %add3A, %and3A_1664 : vector<32x8x128xi32>
      %eq3A_1666 = arith.constant 0 : i32
      %eq3A_1667 = vector.broadcast %eq3A_1666 : i32 to vector<32x8x128xi32>
      %eq3A_1668 = arith.cmpi eq, %and3A_1665, %eq3A_1667 : vector<32x8x128xi32>
      %slice3A_1669 = vector.extract_strided_slice %select_n3A_1655 {offsets = [0, 0, 4], sizes = [32, 8, 124], strides = [1, 1, 1]} : vector<32x8x128xi32> to vector<32x8x124xi32>
      %slice3A_1670 = vector.extract_strided_slice %select_n3A_1655 {offsets = [0, 0, 0], sizes = [32, 8, 4], strides = [1, 1, 1]} : vector<32x8x128xi32> to vector<32x8x4xi32>
      %concatenate3A_1671 = tpu.concatenate %slice3A_1669, %slice3A_1670 in 2 : vector<32x8x124xi32>, vector<32x8x4xi32> -> vector<32x8x128xi32>
      %slice3A_1672 = vector.extract_strided_slice %select_n3A_1655 {offsets = [0, 0, 124], sizes = [32, 8, 4], strides = [1, 1, 1]} : vector<32x8x128xi32> to vector<32x8x4xi32>
      %slice3A_1673 = vector.extract_strided_slice %select_n3A_1655 {offsets = [0, 0, 0], sizes = [32, 8, 124], strides = [1, 1, 1]} : vector<32x8x128xi32> to vector<32x8x124xi32>
      %concatenate3A_1674 = tpu.concatenate %slice3A_1672, %slice3A_1673 in 2 : vector<32x8x4xi32>, vector<32x8x124xi32> -> vector<32x8x128xi32>
      %select_n3A_1675 = arith.select %eq3A_1662, %concatenate3A_1671, %concatenate3A_1674 : vector<32x8x128xi1>, vector<32x8x128xi32>
      %slice3A_1676 = vector.extract_strided_slice %select_n3A_1656 {offsets = [0, 0, 4], sizes = [32, 8, 124], strides = [1, 1, 1]} : vector<32x8x128xi32> to vector<32x8x124xi32>
      %slice3A_1677 = vector.extract_strided_slice %select_n3A_1656 {offsets = [0, 0, 0], sizes = [32, 8, 4], strides = [1, 1, 1]} : vector<32x8x128xi32> to vector<32x8x4xi32>
      %concatenate3A_1678 = tpu.concatenate %slice3A_1676, %slice3A_1677 in 2 : vector<32x8x124xi32>, vector<32x8x4xi32> -> vector<32x8x128xi32>
      %slice3A_1679 = vector.extract_strided_slice %select_n3A_1656 {offsets = [0, 0, 124], sizes = [32, 8, 4], strides = [1, 1, 1]} : vector<32x8x128xi32> to vector<32x8x4xi32>
      %slice3A_1680 = vector.extract_strided_slice %select_n3A_1656 {offsets = [0, 0, 0], sizes = [32, 8, 124], strides = [1, 1, 1]} : vector<32x8x128xi32> to vector<32x8x124xi32>
      %concatenate3A_1681 = tpu.concatenate %slice3A_1679, %slice3A_1680 in 2 : vector<32x8x4xi32>, vector<32x8x124xi32> -> vector<32x8x128xi32>
      %select_n3A_1682 = arith.select %eq3A_1662, %concatenate3A_1678, %concatenate3A_1681 : vector<32x8x128xi1>, vector<32x8x128xi32>
      %lt3A_1683 = arith.cmpi slt, %select_n3A_1655, %select_n3A_1675 : vector<32x8x128xi32>
      %eq3A_1684 = arith.cmpi eq, %select_n3A_1655, %select_n3A_1675 : vector<32x8x128xi32>
      %lt3A_1685 = arith.cmpi slt, %select_n3A_1656, %select_n3A_1682 : vector<32x8x128xi32>
      %and3A_1686 = arith.andi %eq3A_1684, %lt3A_1685 : vector<32x8x128xi1>
      %or3A_1687 = arith.ori %lt3A_1683, %and3A_1686 : vector<32x8x128xi1>
      %eq3A_1688 = arith.xori %eq3A_1662, %eq3A_1668 : vector<32x8x128xi1>
      %eq3A_1689 = arith.constant dense<true> : vector<32x8x128xi1>
      %eq3A_1690 = arith.xori %eq3A_1688, %eq3A_1689 : vector<32x8x128xi1>
      %eq3A_1691 = arith.xori %eq3A_1690, %or3A_1687 : vector<32x8x128xi1>
      %eq3A_1692 = arith.constant dense<true> : vector<32x8x128xi1>
      %eq3A_1693 = arith.xori %eq3A_1691, %eq3A_1692 : vector<32x8x128xi1>
      %select_n3A_1694 = arith.select %eq3A_1693, %select_n3A_1655, %select_n3A_1675 : vector<32x8x128xi1>, vector<32x8x128xi32>
      %select_n3A_1695 = arith.select %eq3A_1693, %select_n3A_1656, %select_n3A_1682 : vector<32x8x128xi1>, vector<32x8x128xi32>
      %and3A_1696 = arith.constant 2 : i32
      %and3A_1697 = vector.broadcast %and3A_1696 : i32 to vector<32x8x128xi32>
      %and3A_1698 = arith.andi %add3A, %and3A_1697 : vector<32x8x128xi32>
      %eq3A_1699 = arith.constant 0 : i32
      %eq3A_1700 = vector.broadcast %eq3A_1699 : i32 to vector<32x8x128xi32>
      %eq3A_1701 = arith.cmpi eq, %and3A_1698, %eq3A_1700 : vector<32x8x128xi32>
      %and3A_1702 = arith.constant 512 : i32
      %and3A_1703 = vector.broadcast %and3A_1702 : i32 to vector<32x8x128xi32>
      %and3A_1704 = arith.andi %add3A, %and3A_1703 : vector<32x8x128xi32>
      %eq3A_1705 = arith.constant 0 : i32
      %eq3A_1706 = vector.broadcast %eq3A_1705 : i32 to vector<32x8x128xi32>
      %eq3A_1707 = arith.cmpi eq, %and3A_1704, %eq3A_1706 : vector<32x8x128xi32>
      %slice3A_1708 = vector.extract_strided_slice %select_n3A_1694 {offsets = [0, 0, 2], sizes = [32, 8, 126], strides = [1, 1, 1]} : vector<32x8x128xi32> to vector<32x8x126xi32>
      %slice3A_1709 = vector.extract_strided_slice %select_n3A_1694 {offsets = [0, 0, 0], sizes = [32, 8, 2], strides = [1, 1, 1]} : vector<32x8x128xi32> to vector<32x8x2xi32>
      %concatenate3A_1710 = tpu.concatenate %slice3A_1708, %slice3A_1709 in 2 : vector<32x8x126xi32>, vector<32x8x2xi32> -> vector<32x8x128xi32>
      %slice3A_1711 = vector.extract_strided_slice %select_n3A_1694 {offsets = [0, 0, 126], sizes = [32, 8, 2], strides = [1, 1, 1]} : vector<32x8x128xi32> to vector<32x8x2xi32>
      %slice3A_1712 = vector.extract_strided_slice %select_n3A_1694 {offsets = [0, 0, 0], sizes = [32, 8, 126], strides = [1, 1, 1]} : vector<32x8x128xi32> to vector<32x8x126xi32>
      %concatenate3A_1713 = tpu.concatenate %slice3A_1711, %slice3A_1712 in 2 : vector<32x8x2xi32>, vector<32x8x126xi32> -> vector<32x8x128xi32>
      %select_n3A_1714 = arith.select %eq3A_1701, %concatenate3A_1710, %concatenate3A_1713 : vector<32x8x128xi1>, vector<32x8x128xi32>
      %slice3A_1715 = vector.extract_strided_slice %select_n3A_1695 {offsets = [0, 0, 2], sizes = [32, 8, 126], strides = [1, 1, 1]} : vector<32x8x128xi32> to vector<32x8x126xi32>
      %slice3A_1716 = vector.extract_strided_slice %select_n3A_1695 {offsets = [0, 0, 0], sizes = [32, 8, 2], strides = [1, 1, 1]} : vector<32x8x128xi32> to vector<32x8x2xi32>
      %concatenate3A_1717 = tpu.concatenate %slice3A_1715, %slice3A_1716 in 2 : vector<32x8x126xi32>, vector<32x8x2xi32> -> vector<32x8x128xi32>
      %slice3A_1718 = vector.extract_strided_slice %select_n3A_1695 {offsets = [0, 0, 126], sizes = [32, 8, 2], strides = [1, 1, 1]} : vector<32x8x128xi32> to vector<32x8x2xi32>
      %slice3A_1719 = vector.extract_strided_slice %select_n3A_1695 {offsets = [0, 0, 0], sizes = [32, 8, 126], strides = [1, 1, 1]} : vector<32x8x128xi32> to vector<32x8x126xi32>
      %concatenate3A_1720 = tpu.concatenate %slice3A_1718, %slice3A_1719 in 2 : vector<32x8x2xi32>, vector<32x8x126xi32> -> vector<32x8x128xi32>
      %select_n3A_1721 = arith.select %eq3A_1701, %concatenate3A_1717, %concatenate3A_1720 : vector<32x8x128xi1>, vector<32x8x128xi32>
      %lt3A_1722 = arith.cmpi slt, %select_n3A_1694, %select_n3A_1714 : vector<32x8x128xi32>
      %eq3A_1723 = arith.cmpi eq, %select_n3A_1694, %select_n3A_1714 : vector<32x8x128xi32>
      %lt3A_1724 = arith.cmpi slt, %select_n3A_1695, %select_n3A_1721 : vector<32x8x128xi32>
      %and3A_1725 = arith.andi %eq3A_1723, %lt3A_1724 : vector<32x8x128xi1>
      %or3A_1726 = arith.ori %lt3A_1722, %and3A_1725 : vector<32x8x128xi1>
      %eq3A_1727 = arith.xori %eq3A_1701, %eq3A_1707 : vector<32x8x128xi1>
      %eq3A_1728 = arith.constant dense<true> : vector<32x8x128xi1>
      %eq3A_1729 = arith.xori %eq3A_1727, %eq3A_1728 : vector<32x8x128xi1>
      %eq3A_1730 = arith.xori %eq3A_1729, %or3A_1726 : vector<32x8x128xi1>
      %eq3A_1731 = arith.constant dense<true> : vector<32x8x128xi1>
      %eq3A_1732 = arith.xori %eq3A_1730, %eq3A_1731 : vector<32x8x128xi1>
      %select_n3A_1733 = arith.select %eq3A_1732, %select_n3A_1694, %select_n3A_1714 : vector<32x8x128xi1>, vector<32x8x128xi32>
      %select_n3A_1734 = arith.select %eq3A_1732, %select_n3A_1695, %select_n3A_1721 : vector<32x8x128xi1>, vector<32x8x128xi32>
      %and3A_1735 = arith.constant 1 : i32
      %and3A_1736 = vector.broadcast %and3A_1735 : i32 to vector<32x8x128xi32>
      %and3A_1737 = arith.andi %add3A, %and3A_1736 : vector<32x8x128xi32>
      %eq3A_1738 = arith.constant 0 : i32
      %eq3A_1739 = vector.broadcast %eq3A_1738 : i32 to vector<32x8x128xi32>
      %eq3A_1740 = arith.cmpi eq, %and3A_1737, %eq3A_1739 : vector<32x8x128xi32>
      %and3A_1741 = arith.constant 512 : i32
      %and3A_1742 = vector.broadcast %and3A_1741 : i32 to vector<32x8x128xi32>
      %and3A_1743 = arith.andi %add3A, %and3A_1742 : vector<32x8x128xi32>
      %eq3A_1744 = arith.constant 0 : i32
      %eq3A_1745 = vector.broadcast %eq3A_1744 : i32 to vector<32x8x128xi32>
      %eq3A_1746 = arith.cmpi eq, %and3A_1743, %eq3A_1745 : vector<32x8x128xi32>
      %slice3A_1747 = vector.extract_strided_slice %select_n3A_1733 {offsets = [0, 0, 1], sizes = [32, 8, 127], strides = [1, 1, 1]} : vector<32x8x128xi32> to vector<32x8x127xi32>
      %slice3A_1748 = vector.extract_strided_slice %select_n3A_1733 {offsets = [0, 0, 0], sizes = [32, 8, 1], strides = [1, 1, 1]} : vector<32x8x128xi32> to vector<32x8x1xi32>
      %concatenate3A_1749 = tpu.concatenate %slice3A_1747, %slice3A_1748 in 2 : vector<32x8x127xi32>, vector<32x8x1xi32> -> vector<32x8x128xi32>
      %slice3A_1750 = vector.extract_strided_slice %select_n3A_1733 {offsets = [0, 0, 127], sizes = [32, 8, 1], strides = [1, 1, 1]} : vector<32x8x128xi32> to vector<32x8x1xi32>
      %slice3A_1751 = vector.extract_strided_slice %select_n3A_1733 {offsets = [0, 0, 0], sizes = [32, 8, 127], strides = [1, 1, 1]} : vector<32x8x128xi32> to vector<32x8x127xi32>
      %concatenate3A_1752 = tpu.concatenate %slice3A_1750, %slice3A_1751 in 2 : vector<32x8x1xi32>, vector<32x8x127xi32> -> vector<32x8x128xi32>
      %select_n3A_1753 = arith.select %eq3A_1740, %concatenate3A_1749, %concatenate3A_1752 : vector<32x8x128xi1>, vector<32x8x128xi32>
      %slice3A_1754 = vector.extract_strided_slice %select_n3A_1734 {offsets = [0, 0, 1], sizes = [32, 8, 127], strides = [1, 1, 1]} : vector<32x8x128xi32> to vector<32x8x127xi32>
      %slice3A_1755 = vector.extract_strided_slice %select_n3A_1734 {offsets = [0, 0, 0], sizes = [32, 8, 1], strides = [1, 1, 1]} : vector<32x8x128xi32> to vector<32x8x1xi32>
      %concatenate3A_1756 = tpu.concatenate %slice3A_1754, %slice3A_1755 in 2 : vector<32x8x127xi32>, vector<32x8x1xi32> -> vector<32x8x128xi32>
      %slice3A_1757 = vector.extract_strided_slice %select_n3A_1734 {offsets = [0, 0, 127], sizes = [32, 8, 1], strides = [1, 1, 1]} : vector<32x8x128xi32> to vector<32x8x1xi32>
      %slice3A_1758 = vector.extract_strided_slice %select_n3A_1734 {offsets = [0, 0, 0], sizes = [32, 8, 127], strides = [1, 1, 1]} : vector<32x8x128xi32> to vector<32x8x127xi32>
      %concatenate3A_1759 = tpu.concatenate %slice3A_1757, %slice3A_1758 in 2 : vector<32x8x1xi32>, vector<32x8x127xi32> -> vector<32x8x128xi32>
      %select_n3A_1760 = arith.select %eq3A_1740, %concatenate3A_1756, %concatenate3A_1759 : vector<32x8x128xi1>, vector<32x8x128xi32>
      %lt3A_1761 = arith.cmpi slt, %select_n3A_1733, %select_n3A_1753 : vector<32x8x128xi32>
      %eq3A_1762 = arith.cmpi eq, %select_n3A_1733, %select_n3A_1753 : vector<32x8x128xi32>
      %lt3A_1763 = arith.cmpi slt, %select_n3A_1734, %select_n3A_1760 : vector<32x8x128xi32>
      %and3A_1764 = arith.andi %eq3A_1762, %lt3A_1763 : vector<32x8x128xi1>
      %or3A_1765 = arith.ori %lt3A_1761, %and3A_1764 : vector<32x8x128xi1>
      %eq3A_1766 = arith.xori %eq3A_1740, %eq3A_1746 : vector<32x8x128xi1>
      %eq3A_1767 = arith.constant dense<true> : vector<32x8x128xi1>
      %eq3A_1768 = arith.xori %eq3A_1766, %eq3A_1767 : vector<32x8x128xi1>
      %eq3A_1769 = arith.xori %eq3A_1768, %or3A_1765 : vector<32x8x128xi1>
      %eq3A_1770 = arith.constant dense<true> : vector<32x8x128xi1>
      %eq3A_1771 = arith.xori %eq3A_1769, %eq3A_1770 : vector<32x8x128xi1>
      %select_n3A_1772 = arith.select %eq3A_1771, %select_n3A_1733, %select_n3A_1753 : vector<32x8x128xi1>, vector<32x8x128xi32>
      %select_n3A_1773 = arith.select %eq3A_1771, %select_n3A_1734, %select_n3A_1760 : vector<32x8x128xi1>, vector<32x8x128xi32>
      %and3A_1774 = arith.constant 512 : i32
      %and3A_1775 = vector.broadcast %and3A_1774 : i32 to vector<32x8x128xi32>
      %and3A_1776 = arith.andi %add3A, %and3A_1775 : vector<32x8x128xi32>
      %eq3A_1777 = arith.constant 0 : i32
      %eq3A_1778 = vector.broadcast %eq3A_1777 : i32 to vector<32x8x128xi32>
      %eq3A_1779 = arith.cmpi eq, %and3A_1776, %eq3A_1778 : vector<32x8x128xi32>
      %and3A_1780 = arith.constant 1024 : i32
      %and3A_1781 = vector.broadcast %and3A_1780 : i32 to vector<32x8x128xi32>
      %and3A_1782 = arith.andi %add3A, %and3A_1781 : vector<32x8x128xi32>
      %eq3A_1783 = arith.constant 0 : i32
      %eq3A_1784 = vector.broadcast %eq3A_1783 : i32 to vector<32x8x128xi32>
      %eq3A_1785 = arith.cmpi eq, %and3A_1782, %eq3A_1784 : vector<32x8x128xi32>
      %slice3A_1786 = vector.extract_strided_slice %select_n3A_1772 {offsets = [0, 4, 0], sizes = [32, 4, 128], strides = [1, 1, 1]} : vector<32x8x128xi32> to vector<32x4x128xi32>
      %slice3A_1787 = vector.extract_strided_slice %select_n3A_1772 {offsets = [0, 0, 0], sizes = [32, 4, 128], strides = [1, 1, 1]} : vector<32x8x128xi32> to vector<32x4x128xi32>
      %concatenate3A_1788 = tpu.concatenate %slice3A_1786, %slice3A_1787 in 1 : vector<32x4x128xi32>, vector<32x4x128xi32> -> vector<32x8x128xi32>
      %slice3A_1789 = vector.extract_strided_slice %select_n3A_1772 {offsets = [0, 4, 0], sizes = [32, 4, 128], strides = [1, 1, 1]} : vector<32x8x128xi32> to vector<32x4x128xi32>
      %slice3A_1790 = vector.extract_strided_slice %select_n3A_1772 {offsets = [0, 0, 0], sizes = [32, 4, 128], strides = [1, 1, 1]} : vector<32x8x128xi32> to vector<32x4x128xi32>
      %concatenate3A_1791 = tpu.concatenate %slice3A_1789, %slice3A_1790 in 1 : vector<32x4x128xi32>, vector<32x4x128xi32> -> vector<32x8x128xi32>
      %select_n3A_1792 = arith.select %eq3A_1779, %concatenate3A_1788, %concatenate3A_1791 : vector<32x8x128xi1>, vector<32x8x128xi32>
      %slice3A_1793 = vector.extract_strided_slice %select_n3A_1773 {offsets = [0, 4, 0], sizes = [32, 4, 128], strides = [1, 1, 1]} : vector<32x8x128xi32> to vector<32x4x128xi32>
      %slice3A_1794 = vector.extract_strided_slice %select_n3A_1773 {offsets = [0, 0, 0], sizes = [32, 4, 128], strides = [1, 1, 1]} : vector<32x8x128xi32> to vector<32x4x128xi32>
      %concatenate3A_1795 = tpu.concatenate %slice3A_1793, %slice3A_1794 in 1 : vector<32x4x128xi32>, vector<32x4x128xi32> -> vector<32x8x128xi32>
      %slice3A_1796 = vector.extract_strided_slice %select_n3A_1773 {offsets = [0, 4, 0], sizes = [32, 4, 128], strides = [1, 1, 1]} : vector<32x8x128xi32> to vector<32x4x128xi32>
      %slice3A_1797 = vector.extract_strided_slice %select_n3A_1773 {offsets = [0, 0, 0], sizes = [32, 4, 128], strides = [1, 1, 1]} : vector<32x8x128xi32> to vector<32x4x128xi32>
      %concatenate3A_1798 = tpu.concatenate %slice3A_1796, %slice3A_1797 in 1 : vector<32x4x128xi32>, vector<32x4x128xi32> -> vector<32x8x128xi32>
      %select_n3A_1799 = arith.select %eq3A_1779, %concatenate3A_1795, %concatenate3A_1798 : vector<32x8x128xi1>, vector<32x8x128xi32>
      %lt3A_1800 = arith.cmpi slt, %select_n3A_1772, %select_n3A_1792 : vector<32x8x128xi32>
      %eq3A_1801 = arith.cmpi eq, %select_n3A_1772, %select_n3A_1792 : vector<32x8x128xi32>
      %lt3A_1802 = arith.cmpi slt, %select_n3A_1773, %select_n3A_1799 : vector<32x8x128xi32>
      %and3A_1803 = arith.andi %eq3A_1801, %lt3A_1802 : vector<32x8x128xi1>
      %or3A_1804 = arith.ori %lt3A_1800, %and3A_1803 : vector<32x8x128xi1>
      %eq3A_1805 = arith.xori %eq3A_1779, %eq3A_1785 : vector<32x8x128xi1>
      %eq3A_1806 = arith.constant dense<true> : vector<32x8x128xi1>
      %eq3A_1807 = arith.xori %eq3A_1805, %eq3A_1806 : vector<32x8x128xi1>
      %eq3A_1808 = arith.xori %eq3A_1807, %or3A_1804 : vector<32x8x128xi1>
      %eq3A_1809 = arith.constant dense<true> : vector<32x8x128xi1>
      %eq3A_1810 = arith.xori %eq3A_1808, %eq3A_1809 : vector<32x8x128xi1>
      %select_n3A_1811 = arith.select %eq3A_1810, %select_n3A_1772, %select_n3A_1792 : vector<32x8x128xi1>, vector<32x8x128xi32>
      %select_n3A_1812 = arith.select %eq3A_1810, %select_n3A_1773, %select_n3A_1799 : vector<32x8x128xi1>, vector<32x8x128xi32>
      %and3A_1813 = arith.constant 256 : i32
      %and3A_1814 = vector.broadcast %and3A_1813 : i32 to vector<32x8x128xi32>
      %and3A_1815 = arith.andi %add3A, %and3A_1814 : vector<32x8x128xi32>
      %eq3A_1816 = arith.constant 0 : i32
      %eq3A_1817 = vector.broadcast %eq3A_1816 : i32 to vector<32x8x128xi32>
      %eq3A_1818 = arith.cmpi eq, %and3A_1815, %eq3A_1817 : vector<32x8x128xi32>
      %and3A_1819 = arith.constant 1024 : i32
      %and3A_1820 = vector.broadcast %and3A_1819 : i32 to vector<32x8x128xi32>
      %and3A_1821 = arith.andi %add3A, %and3A_1820 : vector<32x8x128xi32>
      %eq3A_1822 = arith.constant 0 : i32
      %eq3A_1823 = vector.broadcast %eq3A_1822 : i32 to vector<32x8x128xi32>
      %eq3A_1824 = arith.cmpi eq, %and3A_1821, %eq3A_1823 : vector<32x8x128xi32>
      %slice3A_1825 = vector.extract_strided_slice %select_n3A_1811 {offsets = [0, 2, 0], sizes = [32, 6, 128], strides = [1, 1, 1]} : vector<32x8x128xi32> to vector<32x6x128xi32>
      %slice3A_1826 = vector.extract_strided_slice %select_n3A_1811 {offsets = [0, 0, 0], sizes = [32, 2, 128], strides = [1, 1, 1]} : vector<32x8x128xi32> to vector<32x2x128xi32>
      %concatenate3A_1827 = tpu.concatenate %slice3A_1825, %slice3A_1826 in 1 : vector<32x6x128xi32>, vector<32x2x128xi32> -> vector<32x8x128xi32>
      %slice3A_1828 = vector.extract_strided_slice %select_n3A_1811 {offsets = [0, 6, 0], sizes = [32, 2, 128], strides = [1, 1, 1]} : vector<32x8x128xi32> to vector<32x2x128xi32>
      %slice3A_1829 = vector.extract_strided_slice %select_n3A_1811 {offsets = [0, 0, 0], sizes = [32, 6, 128], strides = [1, 1, 1]} : vector<32x8x128xi32> to vector<32x6x128xi32>
      %concatenate3A_1830 = tpu.concatenate %slice3A_1828, %slice3A_1829 in 1 : vector<32x2x128xi32>, vector<32x6x128xi32> -> vector<32x8x128xi32>
      %select_n3A_1831 = arith.select %eq3A_1818, %concatenate3A_1827, %concatenate3A_1830 : vector<32x8x128xi1>, vector<32x8x128xi32>
      %slice3A_1832 = vector.extract_strided_slice %select_n3A_1812 {offsets = [0, 2, 0], sizes = [32, 6, 128], strides = [1, 1, 1]} : vector<32x8x128xi32> to vector<32x6x128xi32>
      %slice3A_1833 = vector.extract_strided_slice %select_n3A_1812 {offsets = [0, 0, 0], sizes = [32, 2, 128], strides = [1, 1, 1]} : vector<32x8x128xi32> to vector<32x2x128xi32>
      %concatenate3A_1834 = tpu.concatenate %slice3A_1832, %slice3A_1833 in 1 : vector<32x6x128xi32>, vector<32x2x128xi32> -> vector<32x8x128xi32>
      %slice3A_1835 = vector.extract_strided_slice %select_n3A_1812 {offsets = [0, 6, 0], sizes = [32, 2, 128], strides = [1, 1, 1]} : vector<32x8x128xi32> to vector<32x2x128xi32>
      %slice3A_1836 = vector.extract_strided_slice %select_n3A_1812 {offsets = [0, 0, 0], sizes = [32, 6, 128], strides = [1, 1, 1]} : vector<32x8x128xi32> to vector<32x6x128xi32>
      %concatenate3A_1837 = tpu.concatenate %slice3A_1835, %slice3A_1836 in 1 : vector<32x2x128xi32>, vector<32x6x128xi32> -> vector<32x8x128xi32>
      %select_n3A_1838 = arith.select %eq3A_1818, %concatenate3A_1834, %concatenate3A_1837 : vector<32x8x128xi1>, vector<32x8x128xi32>
      %lt3A_1839 = arith.cmpi slt, %select_n3A_1811, %select_n3A_1831 : vector<32x8x128xi32>
      %eq3A_1840 = arith.cmpi eq, %select_n3A_1811, %select_n3A_1831 : vector<32x8x128xi32>
      %lt3A_1841 = arith.cmpi slt, %select_n3A_1812, %select_n3A_1838 : vector<32x8x128xi32>
      %and3A_1842 = arith.andi %eq3A_1840, %lt3A_1841 : vector<32x8x128xi1>
      %or3A_1843 = arith.ori %lt3A_1839, %and3A_1842 : vector<32x8x128xi1>
      %eq3A_1844 = arith.xori %eq3A_1818, %eq3A_1824 : vector<32x8x128xi1>
      %eq3A_1845 = arith.constant dense<true> : vector<32x8x128xi1>
      %eq3A_1846 = arith.xori %eq3A_1844, %eq3A_1845 : vector<32x8x128xi1>
      %eq3A_1847 = arith.xori %eq3A_1846, %or3A_1843 : vector<32x8x128xi1>
      %eq3A_1848 = arith.constant dense<true> : vector<32x8x128xi1>
      %eq3A_1849 = arith.xori %eq3A_1847, %eq3A_1848 : vector<32x8x128xi1>
      %select_n3A_1850 = arith.select %eq3A_1849, %select_n3A_1811, %select_n3A_1831 : vector<32x8x128xi1>, vector<32x8x128xi32>
      %select_n3A_1851 = arith.select %eq3A_1849, %select_n3A_1812, %select_n3A_1838 : vector<32x8x128xi1>, vector<32x8x128xi32>
      %and3A_1852 = arith.constant 128 : i32
      %and3A_1853 = vector.broadcast %and3A_1852 : i32 to vector<32x8x128xi32>
      %and3A_1854 = arith.andi %add3A, %and3A_1853 : vector<32x8x128xi32>
      %eq3A_1855 = arith.constant 0 : i32
      %eq3A_1856 = vector.broadcast %eq3A_1855 : i32 to vector<32x8x128xi32>
      %eq3A_1857 = arith.cmpi eq, %and3A_1854, %eq3A_1856 : vector<32x8x128xi32>
      %and3A_1858 = arith.constant 1024 : i32
      %and3A_1859 = vector.broadcast %and3A_1858 : i32 to vector<32x8x128xi32>
      %and3A_1860 = arith.andi %add3A, %and3A_1859 : vector<32x8x128xi32>
      %eq3A_1861 = arith.constant 0 : i32
      %eq3A_1862 = vector.broadcast %eq3A_1861 : i32 to vector<32x8x128xi32>
      %eq3A_1863 = arith.cmpi eq, %and3A_1860, %eq3A_1862 : vector<32x8x128xi32>
      %slice3A_1864 = vector.extract_strided_slice %select_n3A_1850 {offsets = [0, 1, 0], sizes = [32, 7, 128], strides = [1, 1, 1]} : vector<32x8x128xi32> to vector<32x7x128xi32>
      %slice3A_1865 = vector.extract_strided_slice %select_n3A_1850 {offsets = [0, 0, 0], sizes = [32, 1, 128], strides = [1, 1, 1]} : vector<32x8x128xi32> to vector<32x1x128xi32>
      %concatenate3A_1866 = tpu.concatenate %slice3A_1864, %slice3A_1865 in 1 : vector<32x7x128xi32>, vector<32x1x128xi32> -> vector<32x8x128xi32>
      %slice3A_1867 = vector.extract_strided_slice %select_n3A_1850 {offsets = [0, 7, 0], sizes = [32, 1, 128], strides = [1, 1, 1]} : vector<32x8x128xi32> to vector<32x1x128xi32>
      %slice3A_1868 = vector.extract_strided_slice %select_n3A_1850 {offsets = [0, 0, 0], sizes = [32, 7, 128], strides = [1, 1, 1]} : vector<32x8x128xi32> to vector<32x7x128xi32>
      %concatenate3A_1869 = tpu.concatenate %slice3A_1867, %slice3A_1868 in 1 : vector<32x1x128xi32>, vector<32x7x128xi32> -> vector<32x8x128xi32>
      %select_n3A_1870 = arith.select %eq3A_1857, %concatenate3A_1866, %concatenate3A_1869 : vector<32x8x128xi1>, vector<32x8x128xi32>
      %slice3A_1871 = vector.extract_strided_slice %select_n3A_1851 {offsets = [0, 1, 0], sizes = [32, 7, 128], strides = [1, 1, 1]} : vector<32x8x128xi32> to vector<32x7x128xi32>
      %slice3A_1872 = vector.extract_strided_slice %select_n3A_1851 {offsets = [0, 0, 0], sizes = [32, 1, 128], strides = [1, 1, 1]} : vector<32x8x128xi32> to vector<32x1x128xi32>
      %concatenate3A_1873 = tpu.concatenate %slice3A_1871, %slice3A_1872 in 1 : vector<32x7x128xi32>, vector<32x1x128xi32> -> vector<32x8x128xi32>
      %slice3A_1874 = vector.extract_strided_slice %select_n3A_1851 {offsets = [0, 7, 0], sizes = [32, 1, 128], strides = [1, 1, 1]} : vector<32x8x128xi32> to vector<32x1x128xi32>
      %slice3A_1875 = vector.extract_strided_slice %select_n3A_1851 {offsets = [0, 0, 0], sizes = [32, 7, 128], strides = [1, 1, 1]} : vector<32x8x128xi32> to vector<32x7x128xi32>
      %concatenate3A_1876 = tpu.concatenate %slice3A_1874, %slice3A_1875 in 1 : vector<32x1x128xi32>, vector<32x7x128xi32> -> vector<32x8x128xi32>
      %select_n3A_1877 = arith.select %eq3A_1857, %concatenate3A_1873, %concatenate3A_1876 : vector<32x8x128xi1>, vector<32x8x128xi32>
      %lt3A_1878 = arith.cmpi slt, %select_n3A_1850, %select_n3A_1870 : vector<32x8x128xi32>
      %eq3A_1879 = arith.cmpi eq, %select_n3A_1850, %select_n3A_1870 : vector<32x8x128xi32>
      %lt3A_1880 = arith.cmpi slt, %select_n3A_1851, %select_n3A_1877 : vector<32x8x128xi32>
      %and3A_1881 = arith.andi %eq3A_1879, %lt3A_1880 : vector<32x8x128xi1>
      %or3A_1882 = arith.ori %lt3A_1878, %and3A_1881 : vector<32x8x128xi1>
      %eq3A_1883 = arith.xori %eq3A_1857, %eq3A_1863 : vector<32x8x128xi1>
      %eq3A_1884 = arith.constant dense<true> : vector<32x8x128xi1>
      %eq3A_1885 = arith.xori %eq3A_1883, %eq3A_1884 : vector<32x8x128xi1>
      %eq3A_1886 = arith.xori %eq3A_1885, %or3A_1882 : vector<32x8x128xi1>
      %eq3A_1887 = arith.constant dense<true> : vector<32x8x128xi1>
      %eq3A_1888 = arith.xori %eq3A_1886, %eq3A_1887 : vector<32x8x128xi1>
      %select_n3A_1889 = arith.select %eq3A_1888, %select_n3A_1850, %select_n3A_1870 : vector<32x8x128xi1>, vector<32x8x128xi32>
      %select_n3A_1890 = arith.select %eq3A_1888, %select_n3A_1851, %select_n3A_1877 : vector<32x8x128xi1>, vector<32x8x128xi32>
      %and3A_1891 = arith.constant 64 : i32
      %and3A_1892 = vector.broadcast %and3A_1891 : i32 to vector<32x8x128xi32>
      %and3A_1893 = arith.andi %add3A, %and3A_1892 : vector<32x8x128xi32>
      %eq3A_1894 = arith.constant 0 : i32
      %eq3A_1895 = vector.broadcast %eq3A_1894 : i32 to vector<32x8x128xi32>
      %eq3A_1896 = arith.cmpi eq, %and3A_1893, %eq3A_1895 : vector<32x8x128xi32>
      %and3A_1897 = arith.constant 1024 : i32
      %and3A_1898 = vector.broadcast %and3A_1897 : i32 to vector<32x8x128xi32>
      %and3A_1899 = arith.andi %add3A, %and3A_1898 : vector<32x8x128xi32>
      %eq3A_1900 = arith.constant 0 : i32
      %eq3A_1901 = vector.broadcast %eq3A_1900 : i32 to vector<32x8x128xi32>
      %eq3A_1902 = arith.cmpi eq, %and3A_1899, %eq3A_1901 : vector<32x8x128xi32>
      %slice3A_1903 = vector.extract_strided_slice %select_n3A_1889 {offsets = [0, 0, 64], sizes = [32, 8, 64], strides = [1, 1, 1]} : vector<32x8x128xi32> to vector<32x8x64xi32>
      %slice3A_1904 = vector.extract_strided_slice %select_n3A_1889 {offsets = [0, 0, 0], sizes = [32, 8, 64], strides = [1, 1, 1]} : vector<32x8x128xi32> to vector<32x8x64xi32>
      %concatenate3A_1905 = tpu.concatenate %slice3A_1903, %slice3A_1904 in 2 : vector<32x8x64xi32>, vector<32x8x64xi32> -> vector<32x8x128xi32>
      %slice3A_1906 = vector.extract_strided_slice %select_n3A_1889 {offsets = [0, 0, 64], sizes = [32, 8, 64], strides = [1, 1, 1]} : vector<32x8x128xi32> to vector<32x8x64xi32>
      %slice3A_1907 = vector.extract_strided_slice %select_n3A_1889 {offsets = [0, 0, 0], sizes = [32, 8, 64], strides = [1, 1, 1]} : vector<32x8x128xi32> to vector<32x8x64xi32>
      %concatenate3A_1908 = tpu.concatenate %slice3A_1906, %slice3A_1907 in 2 : vector<32x8x64xi32>, vector<32x8x64xi32> -> vector<32x8x128xi32>
      %select_n3A_1909 = arith.select %eq3A_1896, %concatenate3A_1905, %concatenate3A_1908 : vector<32x8x128xi1>, vector<32x8x128xi32>
      %slice3A_1910 = vector.extract_strided_slice %select_n3A_1890 {offsets = [0, 0, 64], sizes = [32, 8, 64], strides = [1, 1, 1]} : vector<32x8x128xi32> to vector<32x8x64xi32>
      %slice3A_1911 = vector.extract_strided_slice %select_n3A_1890 {offsets = [0, 0, 0], sizes = [32, 8, 64], strides = [1, 1, 1]} : vector<32x8x128xi32> to vector<32x8x64xi32>
      %concatenate3A_1912 = tpu.concatenate %slice3A_1910, %slice3A_1911 in 2 : vector<32x8x64xi32>, vector<32x8x64xi32> -> vector<32x8x128xi32>
      %slice3A_1913 = vector.extract_strided_slice %select_n3A_1890 {offsets = [0, 0, 64], sizes = [32, 8, 64], strides = [1, 1, 1]} : vector<32x8x128xi32> to vector<32x8x64xi32>
      %slice3A_1914 = vector.extract_strided_slice %select_n3A_1890 {offsets = [0, 0, 0], sizes = [32, 8, 64], strides = [1, 1, 1]} : vector<32x8x128xi32> to vector<32x8x64xi32>
      %concatenate3A_1915 = tpu.concatenate %slice3A_1913, %slice3A_1914 in 2 : vector<32x8x64xi32>, vector<32x8x64xi32> -> vector<32x8x128xi32>
      %select_n3A_1916 = arith.select %eq3A_1896, %concatenate3A_1912, %concatenate3A_1915 : vector<32x8x128xi1>, vector<32x8x128xi32>
      %lt3A_1917 = arith.cmpi slt, %select_n3A_1889, %select_n3A_1909 : vector<32x8x128xi32>
      %eq3A_1918 = arith.cmpi eq, %select_n3A_1889, %select_n3A_1909 : vector<32x8x128xi32>
      %lt3A_1919 = arith.cmpi slt, %select_n3A_1890, %select_n3A_1916 : vector<32x8x128xi32>
      %and3A_1920 = arith.andi %eq3A_1918, %lt3A_1919 : vector<32x8x128xi1>
      %or3A_1921 = arith.ori %lt3A_1917, %and3A_1920 : vector<32x8x128xi1>
      %eq3A_1922 = arith.xori %eq3A_1896, %eq3A_1902 : vector<32x8x128xi1>
      %eq3A_1923 = arith.constant dense<true> : vector<32x8x128xi1>
      %eq3A_1924 = arith.xori %eq3A_1922, %eq3A_1923 : vector<32x8x128xi1>
      %eq3A_1925 = arith.xori %eq3A_1924, %or3A_1921 : vector<32x8x128xi1>
      %eq3A_1926 = arith.constant dense<true> : vector<32x8x128xi1>
      %eq3A_1927 = arith.xori %eq3A_1925, %eq3A_1926 : vector<32x8x128xi1>
      %select_n3A_1928 = arith.select %eq3A_1927, %select_n3A_1889, %select_n3A_1909 : vector<32x8x128xi1>, vector<32x8x128xi32>
      %select_n3A_1929 = arith.select %eq3A_1927, %select_n3A_1890, %select_n3A_1916 : vector<32x8x128xi1>, vector<32x8x128xi32>
      %and3A_1930 = arith.constant 32 : i32
      %and3A_1931 = vector.broadcast %and3A_1930 : i32 to vector<32x8x128xi32>
      %and3A_1932 = arith.andi %add3A, %and3A_1931 : vector<32x8x128xi32>
      %eq3A_1933 = arith.constant 0 : i32
      %eq3A_1934 = vector.broadcast %eq3A_1933 : i32 to vector<32x8x128xi32>
      %eq3A_1935 = arith.cmpi eq, %and3A_1932, %eq3A_1934 : vector<32x8x128xi32>
      %and3A_1936 = arith.constant 1024 : i32
      %and3A_1937 = vector.broadcast %and3A_1936 : i32 to vector<32x8x128xi32>
      %and3A_1938 = arith.andi %add3A, %and3A_1937 : vector<32x8x128xi32>
      %eq3A_1939 = arith.constant 0 : i32
      %eq3A_1940 = vector.broadcast %eq3A_1939 : i32 to vector<32x8x128xi32>
      %eq3A_1941 = arith.cmpi eq, %and3A_1938, %eq3A_1940 : vector<32x8x128xi32>
      %slice3A_1942 = vector.extract_strided_slice %select_n3A_1928 {offsets = [0, 0, 32], sizes = [32, 8, 96], strides = [1, 1, 1]} : vector<32x8x128xi32> to vector<32x8x96xi32>
      %slice3A_1943 = vector.extract_strided_slice %select_n3A_1928 {offsets = [0, 0, 0], sizes = [32, 8, 32], strides = [1, 1, 1]} : vector<32x8x128xi32> to vector<32x8x32xi32>
      %concatenate3A_1944 = tpu.concatenate %slice3A_1942, %slice3A_1943 in 2 : vector<32x8x96xi32>, vector<32x8x32xi32> -> vector<32x8x128xi32>
      %slice3A_1945 = vector.extract_strided_slice %select_n3A_1928 {offsets = [0, 0, 96], sizes = [32, 8, 32], strides = [1, 1, 1]} : vector<32x8x128xi32> to vector<32x8x32xi32>
      %slice3A_1946 = vector.extract_strided_slice %select_n3A_1928 {offsets = [0, 0, 0], sizes = [32, 8, 96], strides = [1, 1, 1]} : vector<32x8x128xi32> to vector<32x8x96xi32>
      %concatenate3A_1947 = tpu.concatenate %slice3A_1945, %slice3A_1946 in 2 : vector<32x8x32xi32>, vector<32x8x96xi32> -> vector<32x8x128xi32>
      %select_n3A_1948 = arith.select %eq3A_1935, %concatenate3A_1944, %concatenate3A_1947 : vector<32x8x128xi1>, vector<32x8x128xi32>
      %slice3A_1949 = vector.extract_strided_slice %select_n3A_1929 {offsets = [0, 0, 32], sizes = [32, 8, 96], strides = [1, 1, 1]} : vector<32x8x128xi32> to vector<32x8x96xi32>
      %slice3A_1950 = vector.extract_strided_slice %select_n3A_1929 {offsets = [0, 0, 0], sizes = [32, 8, 32], strides = [1, 1, 1]} : vector<32x8x128xi32> to vector<32x8x32xi32>
      %concatenate3A_1951 = tpu.concatenate %slice3A_1949, %slice3A_1950 in 2 : vector<32x8x96xi32>, vector<32x8x32xi32> -> vector<32x8x128xi32>
      %slice3A_1952 = vector.extract_strided_slice %select_n3A_1929 {offsets = [0, 0, 96], sizes = [32, 8, 32], strides = [1, 1, 1]} : vector<32x8x128xi32> to vector<32x8x32xi32>
      %slice3A_1953 = vector.extract_strided_slice %select_n3A_1929 {offsets = [0, 0, 0], sizes = [32, 8, 96], strides = [1, 1, 1]} : vector<32x8x128xi32> to vector<32x8x96xi32>
      %concatenate3A_1954 = tpu.concatenate %slice3A_1952, %slice3A_1953 in 2 : vector<32x8x32xi32>, vector<32x8x96xi32> -> vector<32x8x128xi32>
      %select_n3A_1955 = arith.select %eq3A_1935, %concatenate3A_1951, %concatenate3A_1954 : vector<32x8x128xi1>, vector<32x8x128xi32>
      %lt3A_1956 = arith.cmpi slt, %select_n3A_1928, %select_n3A_1948 : vector<32x8x128xi32>
      %eq3A_1957 = arith.cmpi eq, %select_n3A_1928, %select_n3A_1948 : vector<32x8x128xi32>
      %lt3A_1958 = arith.cmpi slt, %select_n3A_1929, %select_n3A_1955 : vector<32x8x128xi32>
      %and3A_1959 = arith.andi %eq3A_1957, %lt3A_1958 : vector<32x8x128xi1>
      %or3A_1960 = arith.ori %lt3A_1956, %and3A_1959 : vector<32x8x128xi1>
      %eq3A_1961 = arith.xori %eq3A_1935, %eq3A_1941 : vector<32x8x128xi1>
      %eq3A_1962 = arith.constant dense<true> : vector<32x8x128xi1>
      %eq3A_1963 = arith.xori %eq3A_1961, %eq3A_1962 : vector<32x8x128xi1>
      %eq3A_1964 = arith.xori %eq3A_1963, %or3A_1960 : vector<32x8x128xi1>
      %eq3A_1965 = arith.constant dense<true> : vector<32x8x128xi1>
      %eq3A_1966 = arith.xori %eq3A_1964, %eq3A_1965 : vector<32x8x128xi1>
      %select_n3A_1967 = arith.select %eq3A_1966, %select_n3A_1928, %select_n3A_1948 : vector<32x8x128xi1>, vector<32x8x128xi32>
      %select_n3A_1968 = arith.select %eq3A_1966, %select_n3A_1929, %select_n3A_1955 : vector<32x8x128xi1>, vector<32x8x128xi32>
      %and3A_1969 = arith.constant 16 : i32
      %and3A_1970 = vector.broadcast %and3A_1969 : i32 to vector<32x8x128xi32>
      %and3A_1971 = arith.andi %add3A, %and3A_1970 : vector<32x8x128xi32>
      %eq3A_1972 = arith.constant 0 : i32
      %eq3A_1973 = vector.broadcast %eq3A_1972 : i32 to vector<32x8x128xi32>
      %eq3A_1974 = arith.cmpi eq, %and3A_1971, %eq3A_1973 : vector<32x8x128xi32>
      %and3A_1975 = arith.constant 1024 : i32
      %and3A_1976 = vector.broadcast %and3A_1975 : i32 to vector<32x8x128xi32>
      %and3A_1977 = arith.andi %add3A, %and3A_1976 : vector<32x8x128xi32>
      %eq3A_1978 = arith.constant 0 : i32
      %eq3A_1979 = vector.broadcast %eq3A_1978 : i32 to vector<32x8x128xi32>
      %eq3A_1980 = arith.cmpi eq, %and3A_1977, %eq3A_1979 : vector<32x8x128xi32>
      %slice3A_1981 = vector.extract_strided_slice %select_n3A_1967 {offsets = [0, 0, 16], sizes = [32, 8, 112], strides = [1, 1, 1]} : vector<32x8x128xi32> to vector<32x8x112xi32>
      %slice3A_1982 = vector.extract_strided_slice %select_n3A_1967 {offsets = [0, 0, 0], sizes = [32, 8, 16], strides = [1, 1, 1]} : vector<32x8x128xi32> to vector<32x8x16xi32>
      %concatenate3A_1983 = tpu.concatenate %slice3A_1981, %slice3A_1982 in 2 : vector<32x8x112xi32>, vector<32x8x16xi32> -> vector<32x8x128xi32>
      %slice3A_1984 = vector.extract_strided_slice %select_n3A_1967 {offsets = [0, 0, 112], sizes = [32, 8, 16], strides = [1, 1, 1]} : vector<32x8x128xi32> to vector<32x8x16xi32>
      %slice3A_1985 = vector.extract_strided_slice %select_n3A_1967 {offsets = [0, 0, 0], sizes = [32, 8, 112], strides = [1, 1, 1]} : vector<32x8x128xi32> to vector<32x8x112xi32>
      %concatenate3A_1986 = tpu.concatenate %slice3A_1984, %slice3A_1985 in 2 : vector<32x8x16xi32>, vector<32x8x112xi32> -> vector<32x8x128xi32>
      %select_n3A_1987 = arith.select %eq3A_1974, %concatenate3A_1983, %concatenate3A_1986 : vector<32x8x128xi1>, vector<32x8x128xi32>
      %slice3A_1988 = vector.extract_strided_slice %select_n3A_1968 {offsets = [0, 0, 16], sizes = [32, 8, 112], strides = [1, 1, 1]} : vector<32x8x128xi32> to vector<32x8x112xi32>
      %slice3A_1989 = vector.extract_strided_slice %select_n3A_1968 {offsets = [0, 0, 0], sizes = [32, 8, 16], strides = [1, 1, 1]} : vector<32x8x128xi32> to vector<32x8x16xi32>
      %concatenate3A_1990 = tpu.concatenate %slice3A_1988, %slice3A_1989 in 2 : vector<32x8x112xi32>, vector<32x8x16xi32> -> vector<32x8x128xi32>
      %slice3A_1991 = vector.extract_strided_slice %select_n3A_1968 {offsets = [0, 0, 112], sizes = [32, 8, 16], strides = [1, 1, 1]} : vector<32x8x128xi32> to vector<32x8x16xi32>
      %slice3A_1992 = vector.extract_strided_slice %select_n3A_1968 {offsets = [0, 0, 0], sizes = [32, 8, 112], strides = [1, 1, 1]} : vector<32x8x128xi32> to vector<32x8x112xi32>
      %concatenate3A_1993 = tpu.concatenate %slice3A_1991, %slice3A_1992 in 2 : vector<32x8x16xi32>, vector<32x8x112xi32> -> vector<32x8x128xi32>
      %select_n3A_1994 = arith.select %eq3A_1974, %concatenate3A_1990, %concatenate3A_1993 : vector<32x8x128xi1>, vector<32x8x128xi32>
      %lt3A_1995 = arith.cmpi slt, %select_n3A_1967, %select_n3A_1987 : vector<32x8x128xi32>
      %eq3A_1996 = arith.cmpi eq, %select_n3A_1967, %select_n3A_1987 : vector<32x8x128xi32>
      %lt3A_1997 = arith.cmpi slt, %select_n3A_1968, %select_n3A_1994 : vector<32x8x128xi32>
      %and3A_1998 = arith.andi %eq3A_1996, %lt3A_1997 : vector<32x8x128xi1>
      %or3A_1999 = arith.ori %lt3A_1995, %and3A_1998 : vector<32x8x128xi1>
      %eq3A_2000 = arith.xori %eq3A_1974, %eq3A_1980 : vector<32x8x128xi1>
      %eq3A_2001 = arith.constant dense<true> : vector<32x8x128xi1>
      %eq3A_2002 = arith.xori %eq3A_2000, %eq3A_2001 : vector<32x8x128xi1>
      %eq3A_2003 = arith.xori %eq3A_2002, %or3A_1999 : vector<32x8x128xi1>
      %eq3A_2004 = arith.constant dense<true> : vector<32x8x128xi1>
      %eq3A_2005 = arith.xori %eq3A_2003, %eq3A_2004 : vector<32x8x128xi1>
      %select_n3A_2006 = arith.select %eq3A_2005, %select_n3A_1967, %select_n3A_1987 : vector<32x8x128xi1>, vector<32x8x128xi32>
      %select_n3A_2007 = arith.select %eq3A_2005, %select_n3A_1968, %select_n3A_1994 : vector<32x8x128xi1>, vector<32x8x128xi32>
      %and3A_2008 = arith.constant 8 : i32
      %and3A_2009 = vector.broadcast %and3A_2008 : i32 to vector<32x8x128xi32>
      %and3A_2010 = arith.andi %add3A, %and3A_2009 : vector<32x8x128xi32>
      %eq3A_2011 = arith.constant 0 : i32
      %eq3A_2012 = vector.broadcast %eq3A_2011 : i32 to vector<32x8x128xi32>
      %eq3A_2013 = arith.cmpi eq, %and3A_2010, %eq3A_2012 : vector<32x8x128xi32>
      %and3A_2014 = arith.constant 1024 : i32
      %and3A_2015 = vector.broadcast %and3A_2014 : i32 to vector<32x8x128xi32>
      %and3A_2016 = arith.andi %add3A, %and3A_2015 : vector<32x8x128xi32>
      %eq3A_2017 = arith.constant 0 : i32
      %eq3A_2018 = vector.broadcast %eq3A_2017 : i32 to vector<32x8x128xi32>
      %eq3A_2019 = arith.cmpi eq, %and3A_2016, %eq3A_2018 : vector<32x8x128xi32>
      %slice3A_2020 = vector.extract_strided_slice %select_n3A_2006 {offsets = [0, 0, 8], sizes = [32, 8, 120], strides = [1, 1, 1]} : vector<32x8x128xi32> to vector<32x8x120xi32>
      %slice3A_2021 = vector.extract_strided_slice %select_n3A_2006 {offsets = [0, 0, 0], sizes = [32, 8, 8], strides = [1, 1, 1]} : vector<32x8x128xi32> to vector<32x8x8xi32>
      %concatenate3A_2022 = tpu.concatenate %slice3A_2020, %slice3A_2021 in 2 : vector<32x8x120xi32>, vector<32x8x8xi32> -> vector<32x8x128xi32>
      %slice3A_2023 = vector.extract_strided_slice %select_n3A_2006 {offsets = [0, 0, 120], sizes = [32, 8, 8], strides = [1, 1, 1]} : vector<32x8x128xi32> to vector<32x8x8xi32>
      %slice3A_2024 = vector.extract_strided_slice %select_n3A_2006 {offsets = [0, 0, 0], sizes = [32, 8, 120], strides = [1, 1, 1]} : vector<32x8x128xi32> to vector<32x8x120xi32>
      %concatenate3A_2025 = tpu.concatenate %slice3A_2023, %slice3A_2024 in 2 : vector<32x8x8xi32>, vector<32x8x120xi32> -> vector<32x8x128xi32>
      %select_n3A_2026 = arith.select %eq3A_2013, %concatenate3A_2022, %concatenate3A_2025 : vector<32x8x128xi1>, vector<32x8x128xi32>
      %slice3A_2027 = vector.extract_strided_slice %select_n3A_2007 {offsets = [0, 0, 8], sizes = [32, 8, 120], strides = [1, 1, 1]} : vector<32x8x128xi32> to vector<32x8x120xi32>
      %slice3A_2028 = vector.extract_strided_slice %select_n3A_2007 {offsets = [0, 0, 0], sizes = [32, 8, 8], strides = [1, 1, 1]} : vector<32x8x128xi32> to vector<32x8x8xi32>
      %concatenate3A_2029 = tpu.concatenate %slice3A_2027, %slice3A_2028 in 2 : vector<32x8x120xi32>, vector<32x8x8xi32> -> vector<32x8x128xi32>
      %slice3A_2030 = vector.extract_strided_slice %select_n3A_2007 {offsets = [0, 0, 120], sizes = [32, 8, 8], strides = [1, 1, 1]} : vector<32x8x128xi32> to vector<32x8x8xi32>
      %slice3A_2031 = vector.extract_strided_slice %select_n3A_2007 {offsets = [0, 0, 0], sizes = [32, 8, 120], strides = [1, 1, 1]} : vector<32x8x128xi32> to vector<32x8x120xi32>
      %concatenate3A_2032 = tpu.concatenate %slice3A_2030, %slice3A_2031 in 2 : vector<32x8x8xi32>, vector<32x8x120xi32> -> vector<32x8x128xi32>
      %select_n3A_2033 = arith.select %eq3A_2013, %concatenate3A_2029, %concatenate3A_2032 : vector<32x8x128xi1>, vector<32x8x128xi32>
      %lt3A_2034 = arith.cmpi slt, %select_n3A_2006, %select_n3A_2026 : vector<32x8x128xi32>
      %eq3A_2035 = arith.cmpi eq, %select_n3A_2006, %select_n3A_2026 : vector<32x8x128xi32>
      %lt3A_2036 = arith.cmpi slt, %select_n3A_2007, %select_n3A_2033 : vector<32x8x128xi32>
      %and3A_2037 = arith.andi %eq3A_2035, %lt3A_2036 : vector<32x8x128xi1>
      %or3A_2038 = arith.ori %lt3A_2034, %and3A_2037 : vector<32x8x128xi1>
      %eq3A_2039 = arith.xori %eq3A_2013, %eq3A_2019 : vector<32x8x128xi1>
      %eq3A_2040 = arith.constant dense<true> : vector<32x8x128xi1>
      %eq3A_2041 = arith.xori %eq3A_2039, %eq3A_2040 : vector<32x8x128xi1>
      %eq3A_2042 = arith.xori %eq3A_2041, %or3A_2038 : vector<32x8x128xi1>
      %eq3A_2043 = arith.constant dense<true> : vector<32x8x128xi1>
      %eq3A_2044 = arith.xori %eq3A_2042, %eq3A_2043 : vector<32x8x128xi1>
      %select_n3A_2045 = arith.select %eq3A_2044, %select_n3A_2006, %select_n3A_2026 : vector<32x8x128xi1>, vector<32x8x128xi32>
      %select_n3A_2046 = arith.select %eq3A_2044, %select_n3A_2007, %select_n3A_2033 : vector<32x8x128xi1>, vector<32x8x128xi32>
      %and3A_2047 = arith.constant 4 : i32
      %and3A_2048 = vector.broadcast %and3A_2047 : i32 to vector<32x8x128xi32>
      %and3A_2049 = arith.andi %add3A, %and3A_2048 : vector<32x8x128xi32>
      %eq3A_2050 = arith.constant 0 : i32
      %eq3A_2051 = vector.broadcast %eq3A_2050 : i32 to vector<32x8x128xi32>
      %eq3A_2052 = arith.cmpi eq, %and3A_2049, %eq3A_2051 : vector<32x8x128xi32>
      %and3A_2053 = arith.constant 1024 : i32
      %and3A_2054 = vector.broadcast %and3A_2053 : i32 to vector<32x8x128xi32>
      %and3A_2055 = arith.andi %add3A, %and3A_2054 : vector<32x8x128xi32>
      %eq3A_2056 = arith.constant 0 : i32
      %eq3A_2057 = vector.broadcast %eq3A_2056 : i32 to vector<32x8x128xi32>
      %eq3A_2058 = arith.cmpi eq, %and3A_2055, %eq3A_2057 : vector<32x8x128xi32>
      %slice3A_2059 = vector.extract_strided_slice %select_n3A_2045 {offsets = [0, 0, 4], sizes = [32, 8, 124], strides = [1, 1, 1]} : vector<32x8x128xi32> to vector<32x8x124xi32>
      %slice3A_2060 = vector.extract_strided_slice %select_n3A_2045 {offsets = [0, 0, 0], sizes = [32, 8, 4], strides = [1, 1, 1]} : vector<32x8x128xi32> to vector<32x8x4xi32>
      %concatenate3A_2061 = tpu.concatenate %slice3A_2059, %slice3A_2060 in 2 : vector<32x8x124xi32>, vector<32x8x4xi32> -> vector<32x8x128xi32>
      %slice3A_2062 = vector.extract_strided_slice %select_n3A_2045 {offsets = [0, 0, 124], sizes = [32, 8, 4], strides = [1, 1, 1]} : vector<32x8x128xi32> to vector<32x8x4xi32>
      %slice3A_2063 = vector.extract_strided_slice %select_n3A_2045 {offsets = [0, 0, 0], sizes = [32, 8, 124], strides = [1, 1, 1]} : vector<32x8x128xi32> to vector<32x8x124xi32>
      %concatenate3A_2064 = tpu.concatenate %slice3A_2062, %slice3A_2063 in 2 : vector<32x8x4xi32>, vector<32x8x124xi32> -> vector<32x8x128xi32>
      %select_n3A_2065 = arith.select %eq3A_2052, %concatenate3A_2061, %concatenate3A_2064 : vector<32x8x128xi1>, vector<32x8x128xi32>
      %slice3A_2066 = vector.extract_strided_slice %select_n3A_2046 {offsets = [0, 0, 4], sizes = [32, 8, 124], strides = [1, 1, 1]} : vector<32x8x128xi32> to vector<32x8x124xi32>
      %slice3A_2067 = vector.extract_strided_slice %select_n3A_2046 {offsets = [0, 0, 0], sizes = [32, 8, 4], strides = [1, 1, 1]} : vector<32x8x128xi32> to vector<32x8x4xi32>
      %concatenate3A_2068 = tpu.concatenate %slice3A_2066, %slice3A_2067 in 2 : vector<32x8x124xi32>, vector<32x8x4xi32> -> vector<32x8x128xi32>
      %slice3A_2069 = vector.extract_strided_slice %select_n3A_2046 {offsets = [0, 0, 124], sizes = [32, 8, 4], strides = [1, 1, 1]} : vector<32x8x128xi32> to vector<32x8x4xi32>
      %slice3A_2070 = vector.extract_strided_slice %select_n3A_2046 {offsets = [0, 0, 0], sizes = [32, 8, 124], strides = [1, 1, 1]} : vector<32x8x128xi32> to vector<32x8x124xi32>
      %concatenate3A_2071 = tpu.concatenate %slice3A_2069, %slice3A_2070 in 2 : vector<32x8x4xi32>, vector<32x8x124xi32> -> vector<32x8x128xi32>
      %select_n3A_2072 = arith.select %eq3A_2052, %concatenate3A_2068, %concatenate3A_2071 : vector<32x8x128xi1>, vector<32x8x128xi32>
      %lt3A_2073 = arith.cmpi slt, %select_n3A_2045, %select_n3A_2065 : vector<32x8x128xi32>
      %eq3A_2074 = arith.cmpi eq, %select_n3A_2045, %select_n3A_2065 : vector<32x8x128xi32>
      %lt3A_2075 = arith.cmpi slt, %select_n3A_2046, %select_n3A_2072 : vector<32x8x128xi32>
      %and3A_2076 = arith.andi %eq3A_2074, %lt3A_2075 : vector<32x8x128xi1>
      %or3A_2077 = arith.ori %lt3A_2073, %and3A_2076 : vector<32x8x128xi1>
      %eq3A_2078 = arith.xori %eq3A_2052, %eq3A_2058 : vector<32x8x128xi1>
      %eq3A_2079 = arith.constant dense<true> : vector<32x8x128xi1>
      %eq3A_2080 = arith.xori %eq3A_2078, %eq3A_2079 : vector<32x8x128xi1>
      %eq3A_2081 = arith.xori %eq3A_2080, %or3A_2077 : vector<32x8x128xi1>
      %eq3A_2082 = arith.constant dense<true> : vector<32x8x128xi1>
      %eq3A_2083 = arith.xori %eq3A_2081, %eq3A_2082 : vector<32x8x128xi1>
      %select_n3A_2084 = arith.select %eq3A_2083, %select_n3A_2045, %select_n3A_2065 : vector<32x8x128xi1>, vector<32x8x128xi32>
      %select_n3A_2085 = arith.select %eq3A_2083, %select_n3A_2046, %select_n3A_2072 : vector<32x8x128xi1>, vector<32x8x128xi32>
      %and3A_2086 = arith.constant 2 : i32
      %and3A_2087 = vector.broadcast %and3A_2086 : i32 to vector<32x8x128xi32>
      %and3A_2088 = arith.andi %add3A, %and3A_2087 : vector<32x8x128xi32>
      %eq3A_2089 = arith.constant 0 : i32
      %eq3A_2090 = vector.broadcast %eq3A_2089 : i32 to vector<32x8x128xi32>
      %eq3A_2091 = arith.cmpi eq, %and3A_2088, %eq3A_2090 : vector<32x8x128xi32>
      %and3A_2092 = arith.constant 1024 : i32
      %and3A_2093 = vector.broadcast %and3A_2092 : i32 to vector<32x8x128xi32>
      %and3A_2094 = arith.andi %add3A, %and3A_2093 : vector<32x8x128xi32>
      %eq3A_2095 = arith.constant 0 : i32
      %eq3A_2096 = vector.broadcast %eq3A_2095 : i32 to vector<32x8x128xi32>
      %eq3A_2097 = arith.cmpi eq, %and3A_2094, %eq3A_2096 : vector<32x8x128xi32>
      %slice3A_2098 = vector.extract_strided_slice %select_n3A_2084 {offsets = [0, 0, 2], sizes = [32, 8, 126], strides = [1, 1, 1]} : vector<32x8x128xi32> to vector<32x8x126xi32>
      %slice3A_2099 = vector.extract_strided_slice %select_n3A_2084 {offsets = [0, 0, 0], sizes = [32, 8, 2], strides = [1, 1, 1]} : vector<32x8x128xi32> to vector<32x8x2xi32>
      %concatenate3A_2100 = tpu.concatenate %slice3A_2098, %slice3A_2099 in 2 : vector<32x8x126xi32>, vector<32x8x2xi32> -> vector<32x8x128xi32>
      %slice3A_2101 = vector.extract_strided_slice %select_n3A_2084 {offsets = [0, 0, 126], sizes = [32, 8, 2], strides = [1, 1, 1]} : vector<32x8x128xi32> to vector<32x8x2xi32>
      %slice3A_2102 = vector.extract_strided_slice %select_n3A_2084 {offsets = [0, 0, 0], sizes = [32, 8, 126], strides = [1, 1, 1]} : vector<32x8x128xi32> to vector<32x8x126xi32>
      %concatenate3A_2103 = tpu.concatenate %slice3A_2101, %slice3A_2102 in 2 : vector<32x8x2xi32>, vector<32x8x126xi32> -> vector<32x8x128xi32>
      %select_n3A_2104 = arith.select %eq3A_2091, %concatenate3A_2100, %concatenate3A_2103 : vector<32x8x128xi1>, vector<32x8x128xi32>
      %slice3A_2105 = vector.extract_strided_slice %select_n3A_2085 {offsets = [0, 0, 2], sizes = [32, 8, 126], strides = [1, 1, 1]} : vector<32x8x128xi32> to vector<32x8x126xi32>
      %slice3A_2106 = vector.extract_strided_slice %select_n3A_2085 {offsets = [0, 0, 0], sizes = [32, 8, 2], strides = [1, 1, 1]} : vector<32x8x128xi32> to vector<32x8x2xi32>
      %concatenate3A_2107 = tpu.concatenate %slice3A_2105, %slice3A_2106 in 2 : vector<32x8x126xi32>, vector<32x8x2xi32> -> vector<32x8x128xi32>
      %slice3A_2108 = vector.extract_strided_slice %select_n3A_2085 {offsets = [0, 0, 126], sizes = [32, 8, 2], strides = [1, 1, 1]} : vector<32x8x128xi32> to vector<32x8x2xi32>
      %slice3A_2109 = vector.extract_strided_slice %select_n3A_2085 {offsets = [0, 0, 0], sizes = [32, 8, 126], strides = [1, 1, 1]} : vector<32x8x128xi32> to vector<32x8x126xi32>
      %concatenate3A_2110 = tpu.concatenate %slice3A_2108, %slice3A_2109 in 2 : vector<32x8x2xi32>, vector<32x8x126xi32> -> vector<32x8x128xi32>
      %select_n3A_2111 = arith.select %eq3A_2091, %concatenate3A_2107, %concatenate3A_2110 : vector<32x8x128xi1>, vector<32x8x128xi32>
      %lt3A_2112 = arith.cmpi slt, %select_n3A_2084, %select_n3A_2104 : vector<32x8x128xi32>
      %eq3A_2113 = arith.cmpi eq, %select_n3A_2084, %select_n3A_2104 : vector<32x8x128xi32>
      %lt3A_2114 = arith.cmpi slt, %select_n3A_2085, %select_n3A_2111 : vector<32x8x128xi32>
      %and3A_2115 = arith.andi %eq3A_2113, %lt3A_2114 : vector<32x8x128xi1>
      %or3A_2116 = arith.ori %lt3A_2112, %and3A_2115 : vector<32x8x128xi1>
      %eq3A_2117 = arith.xori %eq3A_2091, %eq3A_2097 : vector<32x8x128xi1>
      %eq3A_2118 = arith.constant dense<true> : vector<32x8x128xi1>
      %eq3A_2119 = arith.xori %eq3A_2117, %eq3A_2118 : vector<32x8x128xi1>
      %eq3A_2120 = arith.xori %eq3A_2119, %or3A_2116 : vector<32x8x128xi1>
      %eq3A_2121 = arith.constant dense<true> : vector<32x8x128xi1>
      %eq3A_2122 = arith.xori %eq3A_2120, %eq3A_2121 : vector<32x8x128xi1>
      %select_n3A_2123 = arith.select %eq3A_2122, %select_n3A_2084, %select_n3A_2104 : vector<32x8x128xi1>, vector<32x8x128xi32>
      %select_n3A_2124 = arith.select %eq3A_2122, %select_n3A_2085, %select_n3A_2111 : vector<32x8x128xi1>, vector<32x8x128xi32>
      %and3A_2125 = arith.constant 1 : i32
      %and3A_2126 = vector.broadcast %and3A_2125 : i32 to vector<32x8x128xi32>
      %and3A_2127 = arith.andi %add3A, %and3A_2126 : vector<32x8x128xi32>
      %eq3A_2128 = arith.constant 0 : i32
      %eq3A_2129 = vector.broadcast %eq3A_2128 : i32 to vector<32x8x128xi32>
      %eq3A_2130 = arith.cmpi eq, %and3A_2127, %eq3A_2129 : vector<32x8x128xi32>
      %and3A_2131 = arith.constant 1024 : i32
      %and3A_2132 = vector.broadcast %and3A_2131 : i32 to vector<32x8x128xi32>
      %and3A_2133 = arith.andi %add3A, %and3A_2132 : vector<32x8x128xi32>
      %eq3A_2134 = arith.constant 0 : i32
      %eq3A_2135 = vector.broadcast %eq3A_2134 : i32 to vector<32x8x128xi32>
      %eq3A_2136 = arith.cmpi eq, %and3A_2133, %eq3A_2135 : vector<32x8x128xi32>
      %slice3A_2137 = vector.extract_strided_slice %select_n3A_2123 {offsets = [0, 0, 1], sizes = [32, 8, 127], strides = [1, 1, 1]} : vector<32x8x128xi32> to vector<32x8x127xi32>
      %slice3A_2138 = vector.extract_strided_slice %select_n3A_2123 {offsets = [0, 0, 0], sizes = [32, 8, 1], strides = [1, 1, 1]} : vector<32x8x128xi32> to vector<32x8x1xi32>
      %concatenate3A_2139 = tpu.concatenate %slice3A_2137, %slice3A_2138 in 2 : vector<32x8x127xi32>, vector<32x8x1xi32> -> vector<32x8x128xi32>
      %slice3A_2140 = vector.extract_strided_slice %select_n3A_2123 {offsets = [0, 0, 127], sizes = [32, 8, 1], strides = [1, 1, 1]} : vector<32x8x128xi32> to vector<32x8x1xi32>
      %slice3A_2141 = vector.extract_strided_slice %select_n3A_2123 {offsets = [0, 0, 0], sizes = [32, 8, 127], strides = [1, 1, 1]} : vector<32x8x128xi32> to vector<32x8x127xi32>
      %concatenate3A_2142 = tpu.concatenate %slice3A_2140, %slice3A_2141 in 2 : vector<32x8x1xi32>, vector<32x8x127xi32> -> vector<32x8x128xi32>
      %select_n3A_2143 = arith.select %eq3A_2130, %concatenate3A_2139, %concatenate3A_2142 : vector<32x8x128xi1>, vector<32x8x128xi32>
      %slice3A_2144 = vector.extract_strided_slice %select_n3A_2124 {offsets = [0, 0, 1], sizes = [32, 8, 127], strides = [1, 1, 1]} : vector<32x8x128xi32> to vector<32x8x127xi32>
      %slice3A_2145 = vector.extract_strided_slice %select_n3A_2124 {offsets = [0, 0, 0], sizes = [32, 8, 1], strides = [1, 1, 1]} : vector<32x8x128xi32> to vector<32x8x1xi32>
      %concatenate3A_2146 = tpu.concatenate %slice3A_2144, %slice3A_2145 in 2 : vector<32x8x127xi32>, vector<32x8x1xi32> -> vector<32x8x128xi32>
      %slice3A_2147 = vector.extract_strided_slice %select_n3A_2124 {offsets = [0, 0, 127], sizes = [32, 8, 1], strides = [1, 1, 1]} : vector<32x8x128xi32> to vector<32x8x1xi32>
      %slice3A_2148 = vector.extract_strided_slice %select_n3A_2124 {offsets = [0, 0, 0], sizes = [32, 8, 127], strides = [1, 1, 1]} : vector<32x8x128xi32> to vector<32x8x127xi32>
      %concatenate3A_2149 = tpu.concatenate %slice3A_2147, %slice3A_2148 in 2 : vector<32x8x1xi32>, vector<32x8x127xi32> -> vector<32x8x128xi32>
      %select_n3A_2150 = arith.select %eq3A_2130, %concatenate3A_2146, %concatenate3A_2149 : vector<32x8x128xi1>, vector<32x8x128xi32>
      %lt3A_2151 = arith.cmpi slt, %select_n3A_2123, %select_n3A_2143 : vector<32x8x128xi32>
      %eq3A_2152 = arith.cmpi eq, %select_n3A_2123, %select_n3A_2143 : vector<32x8x128xi32>
      %lt3A_2153 = arith.cmpi slt, %select_n3A_2124, %select_n3A_2150 : vector<32x8x128xi32>
      %and3A_2154 = arith.andi %eq3A_2152, %lt3A_2153 : vector<32x8x128xi1>
      %or3A_2155 = arith.ori %lt3A_2151, %and3A_2154 : vector<32x8x128xi1>
      %eq3A_2156 = arith.xori %eq3A_2130, %eq3A_2136 : vector<32x8x128xi1>
      %eq3A_2157 = arith.constant dense<true> : vector<32x8x128xi1>
      %eq3A_2158 = arith.xori %eq3A_2156, %eq3A_2157 : vector<32x8x128xi1>
      %eq3A_2159 = arith.xori %eq3A_2158, %or3A_2155 : vector<32x8x128xi1>
      %eq3A_2160 = arith.constant dense<true> : vector<32x8x128xi1>
      %eq3A_2161 = arith.xori %eq3A_2159, %eq3A_2160 : vector<32x8x128xi1>
      %select_n3A_2162 = arith.select %eq3A_2161, %select_n3A_2124, %select_n3A_2150 : vector<32x8x128xi1>, vector<32x8x128xi32>
      %iota3A_2163 = tpu.iota {dimensions = array<i32: 0>} : vector<32x2x128xi32>
      %slice3A_2164 = vector.extract_strided_slice %select_n3A_2162 {offsets = [0, 0, 0], sizes = [32, 2, 128], strides = [1, 1, 1]} : vector<32x8x128xi32> to vector<32x2x128xi32>
      %mul3A_2165 = arith.constant 1024 : i32
      %mul3A_2166 = vector.broadcast %mul3A_2165 : i32 to vector<32x2x128xi32>
      %mul3A_2167 = arith.muli %iota3A_2163, %mul3A_2166 : vector<32x2x128xi32>
      %add3A_2168 = arith.addi %slice3A_2164, %mul3A_2167 : vector<32x2x128xi32>
      %swap3A_2169 = arith.constant 0 : index
      %swap3A_2170 = arith.constant 0 : index
      %swap3A_2171 = arith.constant 0 : index
      %swap3A_2172 = vector.load %arg2[%swap3A_2169, %swap3A_2170, %swap3A_2171] : memref<32x2x128xi32, #tpu.memory_space<vmem>>, vector<32x2x128xi32>
      tpu.vector_store %arg2[%swap3A_2169, %swap3A_2170, %swap3A_2171], %add3A_2168 {strides = array<i32>} : memref<32x2x128xi32, #tpu.memory_space<vmem>>, vector<32x2x128xi32>,
    } else {
    }
    return
  }
  func.func @transform_0(%arg0: i32) -> (i32, i32, i32) {
    %c0_i32 = arith.constant 0 : i32
    %c0_i32_0 = arith.constant 0 : i32
    %c0_i32_1 = arith.constant 0 : i32
    return %arg0, %c0_i32, %c0_i32_0 : i32, i32, i32
  }
  func.func @transform_1(%arg0: i32) -> (i32, i32, i32) {
    %c0_i32 = arith.constant 0 : i32
    %c0_i32_0 = arith.constant 0 : i32
    %c0_i32_1 = arith.constant 0 : i32
    %c0_i32_2 = arith.constant 0 : i32
    return %c0_i32, %c0_i32_0, %c0_i32_1 : i32, i32, i32
  }
}

</mosaic_0001>

<sc_bundles>
// kernel: kernel.4.cloned.1.call-start
scs
__scs_entry_jumppad:
0x0: {  	(pc) =	sbr.rel $0x88, $3  }
0x1: {  	(tag) =	ssettag $0x0;
	lr =	simm.s32 $0x1  }
0x2: {  	[smem:$0x3F9F] =	sst lr;
	_ =	strace $0xD0000000  }
0x3: {  	_ = 	snop  }
0x4: {  	_ = 	snop  }
0x5: {  	_ = 	snop  }
0x6: {  	_ = 	snop  }
0x7: {  	_ = 	snop  }
__scs_overlays_trampoline_lowered:
0x8: {  	[smem:$0x3FAE] =	sst s0  }
0x9: {  	[smem:$0x3FAF] =	sst s1  }
0xa: {  	[smem:$0x3FB0] =	sst s2  }
0xb: {  	[smem:$0x3FB1] =	sst s3  }
0xc: {  	[smem:$0x3FB2] =	sst s4  }
0xd: {  	[smem:$0x3FB3] =	sst s5  }
0xe: {  	[smem:$0x3FB4] =	sst s6  }
0xf: {  	[smem:$0x3FB5] =	sst s7  }
0x10: {  	[smem:$0x3FB6] =	sst s8  }
0x11: {  	[smem:$0x3FB7] =	sst s9;
	s0 =	simm.s32 @!p0 $0x0  }
0x12: {  	s1 =	sld [smem:$0x3F9D];
	s0 =	simm.s32 @p0 $0x1  }
0x13: {  	[smem:$0x3FB8] =	sst s0;
	s0 =	simm.s32 @!p1 $0x0  }
0x14: {  	s2 =	sld [smem:$0x3F9C];
	s0 =	simm.s32 @p1 $0x1  }
0x15: {  	[smem:$0x3FB9] =	sst s0;
	s0 =	simm.s32 @!p2 $0x0  }
0x16: {  	s3 =	sld [smem:$0x3FDB];
	s0 =	simm.s32 @p2 $0x1  }
0x17: {  	s4 =	simm.s32 $0x1BF5;
	[smem:$0x3FBB] =	sst s0  }
0x18: {  	s0 =	sld [smem:$0x3F9E];
	_ =	swait.ge [sflag:s4], $0x0  }
0x19: {  	s7 =	sld [smem:$0x3F9F]  }
0x1a: {  	s8 =	sadd.s32 $0xFFFFE003, lr  }
0x1b: {  	s9 =	sadd.s32 $0xFFFFFEF7, lr;
	s5 =	simm.s32 $0xFFFFFFFF;
	p2 =	slt.u32 s8, $0xFFFFF086  }
0x1c: {  	p1 =	slt.u32 s9, $0xF7A;
	s5 =	simm.s32 @!p2 $0x0  }
0x1d: {  	s5 =	simm.s32 @p1 $0x1;
	p0 =	seq.s32 s7, s2  }
0x1e: {  	s7 =	smul.u32 @!p0 $0xF7A, s2;
	p2 =	seq.s32 @!p0 s5, $0x0  }
0x1f: {  	s9 =	smul.u32 $0xF7A, s1;
	s8 =	simm.s32 @!p0 $0x1BF5;
	p2 =	por !p2, p0  }
0x20: {  	[sflag:s8] =	ssyncset.s32 @!p0 $0xFFFFF086;
	s6 =	sadd.s32 @!p0 s3, s7;
	s7 =	simm.s32 @!p0 $0x108  }
0x21: {  	s3 =	sadd.s32 s3, s9;
	s6 =	sadd.s32 @!p0 $0x88, s6;
	s7 =	simm.s32 @p2 $0x1082  }
0x22: {  	[simem:s7], [sflag:s8] =	dma.local @!p0 [hbm:s6], $0xF7A  }
0x23: {  	s9 =	sor.u32 $0xD0000000, s2;
	s6 =	simm.s32 $0x108;
	_ =	swait.ge @!p0 [sflag:s8], $0x0  }
0x24: {  	s3 =	sadd.s32 $0x88, s3;
	s6 =	simm.s32 @!p1 $0x1082;
	[sflag:s4] =	ssyncset.s32 $0xFFFFF086  }
0x25: {  	[simem:s6], [sflag:s4] =	dma.local [hbm:s3], $0xF7A  }
0x26: {  	[smem:$0x3F9F] =	sst s1;
	(tag) =	ssettag s2;
	_ =	strace s9  }
0x27: {  	s1 =	sld [smem:$0x3FAF]  }
0x28: {  	s2 =	sld [smem:$0x3FB0]  }
0x29: {  	s4 =	sld [smem:$0x3FB2]  }
0x2a: {  	p0 =	seq.s32 s5, $0x0;
	s5 =	sld [smem:$0x3FB3]  }
0x2b: {  	s6 =	sld [smem:$0x3FB4]  }
0x2c: {  	s7 =	sld [smem:$0x3FB5]  }
0x2d: {  	s3 =	simm.s32 $0x108;
	s8 =	sld [smem:$0x3FB6]  }
0x2e: {  	s3 =	simm.s32 @!p0 $0x1082;
	s9 =	sld [smem:$0x3FB7]  }
0x2f: {  	lr =	sadd.s32 s0, s3;
	s0 =	sld [smem:$0x3FAE]  }
0x30: {  	s3 =	sld [smem:$0x3FB1]  }
0x31: {  	[smem:$0x3FBA] =	sst s10  }
0x32: {  	s10 =	sld [smem:$0x3FB8];
	_ =	sdelay $0x3  }
0x33: {  	p0 =	seq.s32 s10, $0x1;
	s10 =	sld [smem:$0x3FBA];
	_ =	sdelay $0x3  }
0x34: {  	[smem:$0x3FBA] =	sst s10  }
0x35: {  	s10 =	sld [smem:$0x3FB9];
	_ =	sdelay $0x3  }
0x36: {  	p1 =	seq.s32 s10, $0x1;
	s10 =	sld [smem:$0x3FBA];
	_ =	sdelay $0x3  }
0x37: {  	[smem:$0x3FBA] =	sst s10  }
0x38: {  	s10 =	sld [smem:$0x3FBB]  }
0x39: {  	_ = 	snop;
	(pc) =	sbr.ind lr, $3  }
0x3a: {  	_ = 	snop  }
0x3b: {  	_ = 	snop  }
0x3c: {  	p2 =	seq.s32 s10, $0x1;
	s10 =	sld [smem:$0x3FBA]  }
0x3d: {  	_ =	shalt  }
0x3e: {  	_ =	shalt  }
0x3f: {  	_ =	shalt  }
0x40: {  	_ =	shalt  }
0x41: {  	_ =	shalt  }
0x42: {  	_ =	shalt  }
0x43: {  	_ =	shalt  }
0x44: {  	_ =	shalt  }
0x45: {  	_ =	shalt  }
0x46: {  	_ =	shalt  }
0x47: {  	_ =	shalt  }
0x48: {  	_ =	shalt  }
0x49: {  	_ =	shalt  }
0x4a: {  	_ =	shalt  }
0x4b: {  	_ =	shalt  }
0x4c: {  	_ =	shalt  }
0x4d: {  	_ =	shalt  }
0x4e: {  	_ =	shalt  }
0x4f: {  	_ =	shalt  }
0x50: {  	_ =	shalt  }
0x51: {  	_ =	shalt  }
0x52: {  	_ =	shalt  }
0x53: {  	_ =	shalt  }
0x54: {  	_ =	shalt  }
0x55: {  	_ =	shalt  }
0x56: {  	_ =	shalt  }
0x57: {  	_ =	shalt  }
0x58: {  	_ =	shalt  }
0x59: {  	_ =	shalt  }
0x5a: {  	_ =	shalt  }
0x5b: {  	_ =	shalt  }
0x5c: {  	_ =	shalt  }
0x5d: {  	_ =	shalt  }
0x5e: {  	_ =	shalt  }
0x5f: {  	_ =	shalt  }
0x60: {  	_ =	shalt  }
0x61: {  	_ =	shalt  }
0x62: {  	_ =	shalt  }
0x63: {  	_ =	shalt  }
0x64: {  	_ =	shalt  }
0x65: {  	_ =	shalt  }
0x66: {  	_ =	shalt  }
0x67: {  	_ =	shalt  }
0x68: {  	_ =	shalt  }
0x69: {  	_ =	shalt  }
0x6a: {  	_ =	shalt  }
0x6b: {  	_ =	shalt  }
0x6c: {  	_ =	shalt  }
0x6d: {  	_ =	shalt  }
0x6e: {  	_ =	shalt  }
0x6f: {  	_ =	shalt  }
0x70: {  	_ =	shalt  }
0x71: {  	_ =	shalt  }
0x72: {  	_ =	shalt  }
0x73: {  	_ =	shalt  }
0x74: {  	_ =	shalt  }
0x75: {  	_ =	shalt  }
0x76: {  	_ =	shalt  }
0x77: {  	_ =	shalt  }
0x78: {  	_ =	shalt  }
0x79: {  	_ =	shalt  }
0x7a: {  	_ =	shalt  }
0x7b: {  	_ =	shalt  }
0x7c: {  	_ =	shalt  }
0x7d: {  	_ =	shalt  }
0x7e: {  	_ =	shalt  }
0x7f: {  	_ =	shalt  }
0x80: {  	_ =	shalt  }
0x81: {  	_ =	shalt  }
0x82: {  	_ =	shalt  }
0x83: {  	_ =	shalt  }
0x84: {  	_ =	shalt  }
0x85: {  	_ =	shalt  }
0x86: {  	_ =	shalt  }
0x87: {  	_ =	shalt  }
.Lfunc_end0:
.L_simem_size_0:
called_computation_lowered:
.L_overlay_start_0:
0x88: {  	s2 =	sld [smem:$0x3FD9]  }
0x89: {  	s3 =	sld [smem:$0x3FFE];
	_ =	sdelay $0x1  }
0x8a: {  	s1 =	srdreg.scid  }
0x8b: {  	s0 =	sand.u32 $0x1, s1  }
0x8c: {  	s17 =	sshll.u32 s0, $0xA;
	s2 =	sadd.s32 s3, s2  }
0x8d: {  	s2 =	sadd.s32 s2, s17  }
0x8e: {  	[smem:$0x3FC6] =	sst s2  }
0x8f: {  	_ = 	snop  }
0x90: {  	s2 =	sld [smem:$0x3FC9]  }
0x91: {  	s18 =	sld [smem:$0x3FD0];
	(tm) =	ssettm $0x1  }
0x92: {  	s4 =	sld [smem:$0x3FFB];
	_ =	sdelay $0x3  }
0x93: {  	_ =	strace s4  }
0x94: {  	s4 =	sld [smem:$0x3FFC];
	_ =	sdelay $0x3  }
0x95: {  	_ =	strace s4  }
0x96: {  	s4 =	sld [smem:$0x3FFD];
	_ =	sdelay $0x3  }
0x97: {  	_ =	strace s4  }
0x98: {  	_ =	strace $0x8FFFFFFF  }
0x99: {  	s19 =	sld [smem:$0x3FDB];
	_ =	sdelay $0x1  }
0x9a: {  	s5 =	simm.s32 $_scs_section_size  }
0x9b: {  	s6 =	simm.s32 $_size__tile_overlayer_lowered;
	s7 =	simm.s32 $_tile_overlayer_lowered  }
0x9c: {  	s22 =	simm.s32 $0x1BFF;
	s21 =	sshll.u32 s7, $0x1;
	s4 =	sadd.s32 s5, s19  }
0x9d: {  	s8 =	simm.s32 $0x0;
	s20 =	sshll.u32 s6, $0x1;
	s6 =	sadd.s32 s21, s4  }
0x9e: {  	[timem:s8], [sflag:s22] =	dma.local [hbm:s6], s20  }
0x9f: {  	_ =	swait.ge [sflag:s22], s20  }
0xa0: {  	s5 =	ssub.s32 $0x0, s20;
	[sflag:s22] =	ssyncset.done $0x0  }
0xa1: {  	[sflag:s22] =	ssyncadd.s32 s5;
	_ =	sdelay $0x1  }
0xa2: {  	s23 =	simm.s32 $0x1B8B  }
0xa3: {  	_ =	swait.ge [sflag:s23], $0x1  }
0xa4: {  	[sflag:s23] =	ssyncset.done $0x0  }
0xa5: {  	s25 =	simm.s32 $0x1B8E;
	s24 =	sld [smem:$0x3FFE];
	[sflag:s23] =	ssyncadd.s32 $0xFFFFFFFF  }
0xa6: {  	s26 =	simm.s32 $execute0_lowered;
	[smem:$0x3FD2] =	sst s25  }
0xa7: {  	s6 =	sshll.u32 s26, $0x1;
	_ =	strace $0x80000046;
	[dreg:$0x1] =	wrdreg $0xFFFFFFFF  }
0xa8: {  	s28 =	simm.s32 $_size_execute0_lowered;
	s4 =	sadd.s32 s4, s6;
	[dreg:$0x0] =	wrdreg $0x0  }
0xa9: {  	s6 =	sshll.u32 s28, $0x1;
	[dreg:$0x2] =	wrdreg s4  }
0xaa: {  	[dreg:$0x3] =	wrdreg s6  }
0xab: {  	[dreg:$0x4] =	wrdreg $0xC0  }
0xac: {  	_ =	task [dreg:s8], $0x5FFFF  }
0xad: {  	[dreg:$0x1] =	wrdreg $0xFFFFFFFF  }
0xae: {  	[dreg:$0x0] =	wrdreg $0x60  }
0xaf: {  	[dreg:$0x2] =	wrdreg s2  }
0xb0: {  	[dreg:$0x3] =	wrdreg s24  }
0xb1: {  	[dreg:$0x4] =	wrdreg s18  }
0xb2: {  	[dreg:$0x5] =	wrdreg $0x9  }
0xb3: {  	_ =	task.clear_ibuf [dreg:s8], $0x6FFFF;
	_ =	strace $0x90000046  }
0xb4: {  	s29 =	simm.s32 $0x9;
	_ =	strace $0x80000048  }
0xb5: {  	_ =	swait.ge [sflag:s29], $0x1  }
0xb6: {  	[sflag:s29] =	ssyncadd.s32 $0xFFFFFFFF  }
0xb7: {  	_ =	strace $0x90000048  }
0xb8: {  	_ =	sfence  }
0xb9: {  	s30 =	sld [smem:$0x0];
	_ =	sdelay $0x2  }
0xba: {  	s31 =	sshll.u32 s1, $0xD;
	s1 =	sshrl.u32 s1, $0x2  }
0xbb: {  	s3 =	sand.u32 $0x4000, s31;
	s1 =	sadd.s32 s1, s30  }
0xbc: {  	s0 =	sor.u32 s3, s0;
	s1 =	sshll.u32 s1, $0x11  }
0xbd: {  	s0 =	sor.u32 s1, s0  }
0xbe: {  	s0 =	sadd.s32 $0x8F2B, s0  }
0xbf: {  	[sflag:s0] =	ssyncadd.remote.s32 $0x1  }
0xc0: {  	_ =	sfence.sel $0xFFFF  }
0xc1: {  	[dreg:$0x0] =	wrdreg $0xFFFFFFFF;
	(pc) =	sbr.abs _section_cstart, $3  }
0xc2: {  	[dreg:$0x1] =	wrdreg $0xFFFFFFFF  }
0xc3: {  	_ =	task.clear_ibuf [dreg:s8], $0x2FFFF;
	_ =	strace $0x9FFFFFFF  }
0xc4: {  	(tm) =	ssettm $0x7FFFFFFF  }
0xc5: {  	_ =	shalt  }
tec
execute0_lowered:
.L_overlay_start_1:
0x0: {  	(tag) =	ssettag $0x1  }
0x1: {  	s1 =	rddreg [dreg:$0x0]  }
0x2: {  	s4 =	rddreg [dreg:$0x1]  }
0x3: {  	s5 =	rddreg [dreg:$0x2];
	s3 =	simm.s32 $0x0  }
0x4: {  	s9 =	simm.s32 $0x900;
	[smem:$0x7FF] =	sst s3  }
0x5: {  	s10 =	simm.s32 $0xD00;
	_ =	strace $0x80000047;
	[dreg:$0x6] =	wrdreg s9  }
0x6: {  	s11 =	simm.s32 $0x1500;
	[dreg:$0x7] =	wrdreg s10  }
0x7: {  	s12 =	simm.s32 $0x1900;
	[dreg:$0x8] =	wrdreg s11  }
0x8: {  	s13 =	simm.s32 $0x2100;
	[dreg:$0x9] =	wrdreg s12  }
0x9: {  	s14 =	simm.s32 $0x2500;
	[dreg:$0xa] =	wrdreg s13  }
0xa: {  	s15 =	simm.s32 $0x2D00;
	[dreg:$0xb] =	wrdreg s14  }
0xb: {  	s16 =	simm.s32 $0x3100;
	[dreg:$0xc] =	wrdreg s15  }
0xc: {  	s17 =	simm.s32 $0x3900;
	[dreg:$0xd] =	wrdreg s16  }
0xd: {  	s18 =	simm.s32 $0x3D00;
	[dreg:$0xe] =	wrdreg s17  }
0xe: {  	s19 =	simm.s32 $0x4500;
	[dreg:$0xf] =	wrdreg s18  }
0xf: {  	s20 =	simm.s32 $0x4900;
	[dreg:$0x10] =	wrdreg s19  }
0x10: {  	s21 =	simm.s32 $0x5100;
	[dreg:$0x11] =	wrdreg s20  }
0x11: {  	s22 =	simm.s32 $0x5500;
	[dreg:$0x12] =	wrdreg s21  }
0x12: {  	s23 =	simm.s32 $0x5D00;
	[dreg:$0x13] =	wrdreg s22  }
0x13: {  	s24 =	simm.s32 $0x6100;
	[dreg:$0x14] =	wrdreg s23  }
0x14: {  	s25 =	simm.s32 $0x6900;
	[dreg:$0x15] =	wrdreg s24  }
0x15: {  	s0 =	stileid.u32;
	s26 =	simm.s32 $0x6D00;
	[dreg:$0x16] =	wrdreg s25  }
0x16: {  	s6 =	sshll.u32 s0, $0x6;
	s0 =	simm.s32 $0x7500;
	[dreg:$0x17] =	wrdreg s26  }
0x17: {  	[dreg:$0x18] =	wrdreg s0;
	s9 =	simm.s32 $0x9100  }
0x18: {  	s10 =	simm.s32 $0x9900;
	[dreg:$0x1d] =	wrdreg s9  }
0x19: {  	s11 =	simm.s32 $0x9D00;
	[dreg:$0x1e] =	wrdreg s10  }
0x1a: {  	s12 =	simm.s32 $0xA500;
	[dreg:$0x1f] =	wrdreg s11  }
0x1b: {  	s13 =	simm.s32 $0xA900;
	[smem:$0x7F0] =	sst s12  }
0x1c: {  	s14 =	simm.s32 $0xB100;
	[smem:$0x7F1] =	sst s13  }
0x1d: {  	s15 =	simm.s32 $0xB500;
	[smem:$0x7F2] =	sst s14  }
0x1e: {  	s2 =	srdreg.scid;
	s16 =	simm.s32 $0xBD00;
	[smem:$0x7F3] =	sst s15  }
0x1f: {  	s28 =	simm.s32 $0x16900;
	s17 =	simm.s32 $0xC100;
	[smem:$0x7F4] =	sst s16  }
0x20: {  	s29 =	simm.s32 $0x17100;
	s18 =	simm.s32 $0xC900;
	[smem:$0x7F5] =	sst s17  }
0x21: {  	s30 =	simm.s32 $0x17500;
	s19 =	simm.s32 $0xCD00;
	[smem:$0x7F6] =	sst s18  }
0x22: {  	s31 =	simm.s32 $0x17D00;
	s20 =	simm.s32 $0xD500;
	[smem:$0x7F7] =	sst s19  }
0x23: {  	s2 =	sand.u32 $0x1, s2;
	s21 =	simm.s32 $0xD900;
	[smem:$0x7F8] =	sst s20  }
0x24: {  	s7 =	sshll.u32 s2, $0x5;
	s23 =	simm.s32 $0xE100;
	[smem:$0x7F9] =	sst s21  }
0x25: {  	s2 =	ssub.s32 $0x2, s2;
	s24 =	simm.s32 $0xE500;
	[smem:$0x7FA] =	sst s23  }
0x26: {  	s25 =	simm.s32 $0xED00;
	s26 =	simm.s32 $0xF100;
	[smem:$0x7FB] =	sst s24  }
0x27: {  	s6 =	sor.u32 s7, s6;
	s7 =	simm.s32 $0x8500;
	[smem:$0x7FC] =	sst s25  }
0x28: {  	s22 =	sshrl.u32 s2, $0x1;
	[smem:$0x7FD] =	sst s26;
	s9 =	simm.s32 $0xFD00  }
0x29: {  	s10 =	simm.s32 $0x10500;
	s11 =	simm.s32 $0x10900;
	s12 =	simm.s32 $0x11100  }
0x2a: {  	s13 =	simm.s32 $0x11500;
	s14 =	simm.s32 $0x11D00;
	s15 =	simm.s32 $0x12100  }
0x2b: {  	s16 =	simm.s32 $0x12900;
	s17 =	simm.s32 $0x12D00;
	s18 =	simm.s32 $0x13500  }
0x2c: {  	s19 =	simm.s32 $0x13900;
	s20 =	simm.s32 $0x14100;
	s21 =	simm.s32 $0x14500  }
0x2d: {  	s23 =	simm.s32 $0x15100;
	s24 =	simm.s32 $0x15900;
	s25 =	simm.s32 $0x15D00  }
0x2e: {  	s26 =	simm.s32 $0x16500;
	s4 =	sadd.s32 s6, s4;
	s6 =	smul.u32 $0x180, s6  }
0x2f: {  	[dreg:$0x1b] =	wrdreg s7;
	s2 =	ssub.s32 s2, s22;
	s4 =	sadd.s32 $0x600, s4  }
0x30: {  	s7 =	simm.s32 $0x100;
	[dreg:$0x4] =	wrdreg s4;
	s8 =	sadd.s32 s5, s6  }
0x31: {  	s22 =	simm.s32 $0x14D00;
	s5 =	simm.s32 $0x7900;
	[dreg:$0x5] =	wrdreg s8  }
0x32: {  	v2 =	vlaneseq.u32;
	s6 =	simm.s32 $0x8100;
	s4 =	sadd.s32 $0x100, s1;
	[dreg:$0x19] =	wrdreg s5  }
0x33: {  	vm0 =	vmmov $0xffff;
	vm1 =	vmmov $0xff;
	v1 =	vshrl.u32 v2, $0x3;
	[dreg:$0x1a] =	wrdreg s6;
	s8 =	simm.s32 $0x8D00;
	s5 =	smax.u32 s2, $0x1  }
0x34: {  	v0 =	vand.u32 $0x7, v2;
	v2 =	vor.u32 $0x8, v2;
	v1 =	vmul.u32 $0x8, v1;
	s6 =	simm.s32 $0x2;
	s2 =	simm.s32 $0x1;
	[dreg:$0x1c] =	wrdreg s8  }
.LBB2_1:
0x35: {  	s0 =	rddreg [dreg:$0x4]  }
0x36: {  	[tilespmem:s3], [sflag:$0x2] =	stream.linear.gather [hbm4b:s0+s3], $0x100, $0x38;
	[tilespmem:$0x18100] =	vst v63  }
0x37: {  	_ =	swait.ge [sflag:s6], $0x100  }
0x38: {  	[sflag:s6] =	ssyncset.done $0x0  }
0x39: {  	[sflag:s6] =	ssyncadd.s32 $0xFFFFFF00  }
0x3a: {  	v3 =	vld [tilespmem:$0x0];
	_ =	sdelay $0x4  }
0x3b: {  	v4 =	vshrl.u32 v3, $0x3  }
0x3c: {  	v4 =	vmul.u32 $0x18, v4  }
0x3d: {  	v3 =	vand.u32 $0x7, v3  }
0x3e: {  	v3 =	vor.u32 v3, v4  }
0x3f: {  	v4 =	vperm.xlane v3, v0;
	_ =	sdelay $0x1  }
0x40: {  	v4 =	vadd.s32 v1, v4;
	_ =	sdelay $0x1  }
0x41: {  	v3 =	vperm.xlane v3, v2;
	_ =	sdelay $0x1  }
0x42: {  	v3 =	vadd.s32 v1, v3  }
0x43: {  	[tilespmem:s7], [sflag:$0x1] =	stream.indirect_vreg.gather [hbm4b:s1+s3], $0x80, v4, vm0, $0xb8;
	[tilespmem:$0x18100] =	vst v63  }
0x44: {  	s0 =	rddreg [dreg:$0x6]  }
0x45: {  	[tilespmem:s0], [sflag:$0x1] =	stream.indirect_vreg.gather [hbm4b:s4+s3], $0x80, v4, vm1, $0xb8;
	[tilespmem:$0x18100] =	vst v63  }
0x46: {  	s8 =	rddreg [dreg:$0x7]  }
0x47: {  	[tilespmem:s8], [sflag:$0x1] =	stream.indirect_vreg.gather [hbm4b:s1+s3], $0x80, v3, vm0, $0xb8;
	[tilespmem:$0x18100] =	vst v63  }
0x48: {  	s0 =	rddreg [dreg:$0x8]  }
0x49: {  	[tilespmem:s0], [sflag:$0x1] =	stream.indirect_vreg.gather [hbm4b:s4+s3], $0x80, v3, vm1, $0xb8;
	[tilespmem:$0x18100] =	vst v63  }
0x4a: {  	v3 =	vld [tilespmem:$0x10];
	_ =	sdelay $0x4  }
0x4b: {  	v49 =	vshrl.u32 v3, $0x3  }
0x4c: {  	v4 =	vmul.u32 $0x18, v49  }
0x4d: {  	v3 =	vand.u32 $0x7, v3  }
0x4e: {  	v3 =	vor.u32 v3, v4  }
0x4f: {  	v4 =	vperm.xlane v3, v0;
	_ =	sdelay $0x1  }
0x50: {  	v4 =	vadd.s32 v1, v4;
	_ =	sdelay $0x1  }
0x51: {  	v3 =	vperm.xlane v3, v2;
	_ =	sdelay $0x1  }
0x52: {  	s0 =	rddreg [dreg:$0x9];
	v3 =	vadd.s32 v1, v3  }
0x53: {  	[tilespmem:s0], [sflag:$0x1] =	stream.indirect_vreg.gather [hbm4b:s1+s3], $0x80, v4, vm0, $0xb8;
	[tilespmem:$0x18100] =	vst v63  }
0x54: {  	s8 =	rddreg [dreg:$0xa]  }
0x55: {  	[tilespmem:s8], [sflag:$0x1] =	stream.indirect_vreg.gather [hbm4b:s4+s3], $0x80, v4, vm1, $0xb8;
	[tilespmem:$0x18100] =	vst v63  }
0x56: {  	s0 =	rddreg [dreg:$0xb]  }
0x57: {  	[tilespmem:s0], [sflag:$0x1] =	stream.indirect_vreg.gather [hbm4b:s1+s3], $0x80, v3, vm0, $0xb8;
	[tilespmem:$0x18100] =	vst v63  }
0x58: {  	s8 =	rddreg [dreg:$0xc]  }
0x59: {  	[tilespmem:s8], [sflag:$0x1] =	stream.indirect_vreg.gather [hbm4b:s4+s3], $0x80, v3, vm1, $0xb8;
	[tilespmem:$0x18100] =	vst v63  }
0x5a: {  	v3 =	vld [tilespmem:$0x20];
	_ =	sdelay $0x4  }
0x5b: {  	v50 =	vshrl.u32 v3, $0x3  }
0x5c: {  	v4 =	vmul.u32 $0x18, v50  }
0x5d: {  	v3 =	vand.u32 $0x7, v3  }
0x5e: {  	v3 =	vor.u32 v3, v4  }
0x5f: {  	v4 =	vperm.xlane v3, v0;
	_ =	sdelay $0x1  }
0x60: {  	v4 =	vadd.s32 v1, v4;
	_ =	sdelay $0x1  }
0x61: {  	v3 =	vperm.xlane v3, v2;
	_ =	sdelay $0x1  }
0x62: {  	s0 =	rddreg [dreg:$0xd];
	v3 =	vadd.s32 v1, v3  }
0x63: {  	[tilespmem:s0], [sflag:$0x1] =	stream.indirect_vreg.gather [hbm4b:s1+s3], $0x80, v4, vm0, $0xb8;
	[tilespmem:$0x18100] =	vst v63  }
0x64: {  	s8 =	rddreg [dreg:$0xe]  }
0x65: {  	[tilespmem:s8], [sflag:$0x1] =	stream.indirect_vreg.gather [hbm4b:s4+s3], $0x80, v4, vm1, $0xb8;
	[tilespmem:$0x18100] =	vst v63  }
0x66: {  	s0 =	rddreg [dreg:$0xf]  }
0x67: {  	[tilespmem:s0], [sflag:$0x1] =	stream.indirect_vreg.gather [hbm4b:s1+s3], $0x80, v3, vm0, $0xb8;
	[tilespmem:$0x18100] =	vst v63  }
0x68: {  	s8 =	rddreg [dreg:$0x10]  }
0x69: {  	[tilespmem:s8], [sflag:$0x1] =	stream.indirect_vreg.gather [hbm4b:s4+s3], $0x80, v3, vm1, $0xb8;
	[tilespmem:$0x18100] =	vst v63  }
0x6a: {  	v3 =	vld [tilespmem:$0x30];
	_ =	sdelay $0x4  }
0x6b: {  	v51 =	vshrl.u32 v3, $0x3  }
0x6c: {  	v4 =	vmul.u32 $0x18, v51  }
0x6d: {  	v3 =	vand.u32 $0x7, v3  }
0x6e: {  	v3 =	vor.u32 v3, v4  }
0x6f: {  	v4 =	vperm.xlane v3, v0;
	_ =	sdelay $0x1  }
0x70: {  	v4 =	vadd.s32 v1, v4;
	_ =	sdelay $0x1  }
0x71: {  	v3 =	vperm.xlane v3, v2;
	_ =	sdelay $0x1  }
0x72: {  	s0 =	rddreg [dreg:$0x11];
	v3 =	vadd.s32 v1, v3  }
0x73: {  	[tilespmem:s0], [sflag:$0x1] =	stream.indirect_vreg.gather [hbm4b:s1+s3], $0x80, v4, vm0, $0xb8;
	[tilespmem:$0x18100] =	vst v63  }
0x74: {  	s8 =	rddreg [dreg:$0x12]  }
0x75: {  	[tilespmem:s8], [sflag:$0x1] =	stream.indirect_vreg.gather [hbm4b:s4+s3], $0x80, v4, vm1, $0xb8;
	[tilespmem:$0x18100] =	vst v63  }
0x76: {  	s0 =	rddreg [dreg:$0x13]  }
0x77: {  	[tilespmem:s0], [sflag:$0x1] =	stream.indirect_vreg.gather [hbm4b:s1+s3], $0x80, v3, vm0, $0xb8;
	[tilespmem:$0x18100] =	vst v63  }
0x78: {  	s8 =	rddreg [dreg:$0x14]  }
0x79: {  	[tilespmem:s8], [sflag:$0x1] =	stream.indirect_vreg.gather [hbm4b:s4+s3], $0x80, v3, vm1, $0xb8;
	[tilespmem:$0x18100] =	vst v63  }
0x7a: {  	v3 =	vld [tilespmem:$0x40];
	_ =	sdelay $0x4  }
0x7b: {  	v52 =	vshrl.u32 v3, $0x3  }
0x7c: {  	v4 =	vmul.u32 $0x18, v52  }
0x7d: {  	v3 =	vand.u32 $0x7, v3  }
0x7e: {  	v3 =	vor.u32 v3, v4  }
0x7f: {  	v4 =	vperm.xlane v3, v0;
	_ =	sdelay $0x1  }
0x80: {  	v4 =	vadd.s32 v1, v4;
	_ =	sdelay $0x1  }
0x81: {  	v3 =	vperm.xlane v3, v2;
	_ =	sdelay $0x1  }
0x82: {  	s0 =	rddreg [dreg:$0x15];
	v3 =	vadd.s32 v1, v3  }
0x83: {  	[tilespmem:s0], [sflag:$0x1] =	stream.indirect_vreg.gather [hbm4b:s1+s3], $0x80, v4, vm0, $0xb8;
	[tilespmem:$0x18100] =	vst v63  }
0x84: {  	s8 =	rddreg [dreg:$0x16]  }
0x85: {  	[tilespmem:s8], [sflag:$0x1] =	stream.indirect_vreg.gather [hbm4b:s4+s3], $0x80, v4, vm1, $0xb8;
	[tilespmem:$0x18100] =	vst v63  }
0x86: {  	s0 =	rddreg [dreg:$0x17]  }
0x87: {  	[tilespmem:s0], [sflag:$0x1] =	stream.indirect_vreg.gather [hbm4b:s1+s3], $0x80, v3, vm0, $0xb8;
	[tilespmem:$0x18100] =	vst v63  }
0x88: {  	s8 =	rddreg [dreg:$0x18]  }
0x89: {  	[tilespmem:s8], [sflag:$0x1] =	stream.indirect_vreg.gather [hbm4b:s4+s3], $0x80, v3, vm1, $0xb8;
	[tilespmem:$0x18100] =	vst v63  }
0x8a: {  	v3 =	vld [tilespmem:$0x50];
	_ =	sdelay $0x4  }
0x8b: {  	v53 =	vshrl.u32 v3, $0x3  }
0x8c: {  	v4 =	vmul.u32 $0x18, v53  }
0x8d: {  	v3 =	vand.u32 $0x7, v3  }
0x8e: {  	v3 =	vor.u32 v3, v4  }
0x8f: {  	v4 =	vperm.xlane v3, v0;
	_ =	sdelay $0x1  }
0x90: {  	v4 =	vadd.s32 v1, v4;
	_ =	sdelay $0x1  }
0x91: {  	v3 =	vperm.xlane v3, v2;
	_ =	sdelay $0x1  }
0x92: {  	s0 =	rddreg [dreg:$0x19];
	v3 =	vadd.s32 v1, v3  }
0x93: {  	[tilespmem:s0], [sflag:$0x1] =	stream.indirect_vreg.gather [hbm4b:s1+s3], $0x80, v4, vm0, $0xb8;
	[tilespmem:$0x18100] =	vst v63  }
0x94: {  	s8 =	rddreg [dreg:$0x1a]  }
0x95: {  	[tilespmem:s8], [sflag:$0x1] =	stream.indirect_vreg.gather [hbm4b:s4+s3], $0x80, v4, vm1, $0xb8;
	[tilespmem:$0x18100] =	vst v63  }
0x96: {  	s0 =	rddreg [dreg:$0x1b]  }
0x97: {  	[tilespmem:s0], [sflag:$0x1] =	stream.indirect_vreg.gather [hbm4b:s1+s3], $0x80, v3, vm0, $0xb8;
	[tilespmem:$0x18100] =	vst v63  }
0x98: {  	s8 =	rddreg [dreg:$0x1c]  }
0x99: {  	[tilespmem:s8], [sflag:$0x1] =	stream.indirect_vreg.gather [hbm4b:s4+s3], $0x80, v3, vm1, $0xb8;
	[tilespmem:$0x18100] =	vst v63  }
0x9a: {  	v3 =	vld [tilespmem:$0x60];
	_ =	sdelay $0x4  }
0x9b: {  	v54 =	vshrl.u32 v3, $0x3  }
0x9c: {  	v4 =	vmul.u32 $0x18, v54  }
0x9d: {  	v3 =	vand.u32 $0x7, v3  }
0x9e: {  	v3 =	vor.u32 v3, v4  }
0x9f: {  	v4 =	vperm.xlane v3, v0;
	_ =	sdelay $0x1  }
0xa0: {  	v4 =	vadd.s32 v1, v4;
	_ =	sdelay $0x1  }
0xa1: {  	v3 =	vperm.xlane v3, v2  }
0xa2: {  	s0 =	rddreg [dreg:$0x1d]  }
0xa3: {  	s8 =	rddreg [dreg:$0x1e];
	v3 =	vadd.s32 v1, v3  }
0xa4: {  	[tilespmem:s0], [sflag:$0x1] =	stream.indirect_vreg.gather [hbm4b:s1+s3], $0x80, v4, vm0, $0xb8;
	[tilespmem:$0x18100] =	vst v63  }
0xa5: {  	s0 =	rddreg [dreg:$0x1f]  }
0xa6: {  	[tilespmem:s8], [sflag:$0x1] =	stream.indirect_vreg.gather [hbm4b:s4+s3], $0x80, v4, vm1, $0xb8;
	[tilespmem:$0x18100] =	vst v63  }
0xa7: {  	s8 =	sld [smem:$0x7F0]  }
0xa8: {  	[tilespmem:s0], [sflag:$0x1] =	stream.indirect_vreg.gather [hbm4b:s1+s3], $0x80, v3, vm0, $0xb8;
	[tilespmem:$0x18100] =	vst v63  }
0xa9: {  	_ = 	snop  }
0xaa: {  	[tilespmem:s8], [sflag:$0x1] =	stream.indirect_vreg.gather [hbm4b:s4+s3], $0x80, v3, vm1, $0xb8;
	[tilespmem:$0x18100] =	vst v63  }
0xab: {  	v3 =	vld [tilespmem:$0x70];
	_ =	sdelay $0x4  }
0xac: {  	v55 =	vshrl.u32 v3, $0x3  }
0xad: {  	v4 =	vmul.u32 $0x18, v55  }
0xae: {  	v3 =	vand.u32 $0x7, v3  }
0xaf: {  	v3 =	vor.u32 v3, v4  }
0xb0: {  	v4 =	vperm.xlane v3, v0;
	_ =	sdelay $0x1  }
0xb1: {  	v4 =	vadd.s32 v1, v4;
	_ =	sdelay $0x1  }
0xb2: {  	s0 =	sld [smem:$0x7F1];
	v3 =	vperm.xlane v3, v2;
	_ =	sdelay $0x1  }
0xb3: {  	s8 =	sld [smem:$0x7F2];
	v3 =	vadd.s32 v1, v3  }
0xb4: {  	[tilespmem:s0], [sflag:$0x1] =	stream.indirect_vreg.gather [hbm4b:s1+s3], $0x80, v4, vm0, $0xb8;
	[tilespmem:$0x18100] =	vst v63  }
0xb5: {  	s0 =	sld [smem:$0x7F3]  }
0xb6: {  	[tilespmem:s8], [sflag:$0x1] =	stream.indirect_vreg.gather [hbm4b:s4+s3], $0x80, v4, vm1, $0xb8;
	[tilespmem:$0x18100] =	vst v63  }
0xb7: {  	s8 =	sld [smem:$0x7F4]  }
0xb8: {  	[tilespmem:s0], [sflag:$0x1] =	stream.indirect_vreg.gather [hbm4b:s1+s3], $0x80, v3, vm0, $0xb8;
	[tilespmem:$0x18100] =	vst v63  }
0xb9: {  	_ = 	snop  }
0xba: {  	[tilespmem:s8], [sflag:$0x1] =	stream.indirect_vreg.gather [hbm4b:s4+s3], $0x80, v3, vm1, $0xb8;
	[tilespmem:$0x18100] =	vst v63  }
0xbb: {  	v3 =	vld [tilespmem:$0x80];
	_ =	sdelay $0x4  }
0xbc: {  	v56 =	vshrl.u32 v3, $0x3  }
0xbd: {  	v4 =	vmul.u32 $0x18, v56  }
0xbe: {  	v3 =	vand.u32 $0x7, v3  }
0xbf: {  	v3 =	vor.u32 v3, v4  }
0xc0: {  	v4 =	vperm.xlane v3, v0;
	_ =	sdelay $0x1  }
0xc1: {  	v4 =	vadd.s32 v1, v4;
	_ =	sdelay $0x1  }
0xc2: {  	s0 =	sld [smem:$0x7F5];
	v3 =	vperm.xlane v3, v2;
	_ =	sdelay $0x1  }
0xc3: {  	s8 =	sld [smem:$0x7F6];
	v3 =	vadd.s32 v1, v3  }
0xc4: {  	[tilespmem:s0], [sflag:$0x1] =	stream.indirect_vreg.gather [hbm4b:s1+s3], $0x80, v4, vm0, $0xb8;
	[tilespmem:$0x18100] =	vst v63  }
0xc5: {  	s0 =	sld [smem:$0x7F7]  }
0xc6: {  	[tilespmem:s8], [sflag:$0x1] =	stream.indirect_vreg.gather [hbm4b:s4+s3], $0x80, v4, vm1, $0xb8;
	[tilespmem:$0x18100] =	vst v63  }
0xc7: {  	s8 =	sld [smem:$0x7F8]  }
0xc8: {  	[tilespmem:s0], [sflag:$0x1] =	stream.indirect_vreg.gather [hbm4b:s1+s3], $0x80, v3, vm0, $0xb8;
	[tilespmem:$0x18100] =	vst v63  }
0xc9: {  	_ = 	snop  }
0xca: {  	[tilespmem:s8], [sflag:$0x1] =	stream.indirect_vreg.gather [hbm4b:s4+s3], $0x80, v3, vm1, $0xb8;
	[tilespmem:$0x18100] =	vst v63  }
0xcb: {  	v3 =	vld [tilespmem:$0x90];
	_ =	sdelay $0x4  }
0xcc: {  	v57 =	vshrl.u32 v3, $0x3  }
0xcd: {  	v4 =	vmul.u32 $0x18, v57  }
0xce: {  	v3 =	vand.u32 $0x7, v3  }
0xcf: {  	v3 =	vor.u32 v3, v4  }
0xd0: {  	v4 =	vperm.xlane v3, v0;
	_ =	sdelay $0x1  }
0xd1: {  	v4 =	vadd.s32 v1, v4;
	_ =	sdelay $0x1  }
0xd2: {  	s0 =	sld [smem:$0x7F9];
	v3 =	vperm.xlane v3, v2;
	_ =	sdelay $0x1  }
0xd3: {  	s8 =	sld [smem:$0x7FA];
	v3 =	vadd.s32 v1, v3  }
0xd4: {  	[tilespmem:s0], [sflag:$0x1] =	stream.indirect_vreg.gather [hbm4b:s1+s3], $0x80, v4, vm0, $0xb8;
	[tilespmem:$0x18100] =	vst v63  }
0xd5: {  	s0 =	sld [smem:$0x7FB]  }
0xd6: {  	[tilespmem:s8], [sflag:$0x1] =	stream.indirect_vreg.gather [hbm4b:s4+s3], $0x80, v4, vm1, $0xb8;
	[tilespmem:$0x18100] =	vst v63  }
0xd7: {  	s8 =	sld [smem:$0x7FC]  }
0xd8: {  	[tilespmem:s0], [sflag:$0x1] =	stream.indirect_vreg.gather [hbm4b:s1+s3], $0x80, v3, vm0, $0xb8;
	[tilespmem:$0x18100] =	vst v63  }
0xd9: {  	_ = 	snop  }
0xda: {  	[tilespmem:s8], [sflag:$0x1] =	stream.indirect_vreg.gather [hbm4b:s4+s3], $0x80, v3, vm1, $0xb8;
	[tilespmem:$0x18100] =	vst v63  }
0xdb: {  	v3 =	vld [tilespmem:$0xA0];
	_ =	sdelay $0x4  }
0xdc: {  	v58 =	vshrl.u32 v3, $0x3  }
0xdd: {  	v4 =	vmul.u32 $0x18, v58  }
0xde: {  	v3 =	vand.u32 $0x7, v3  }
0xdf: {  	v3 =	vor.u32 v3, v4  }
0xe0: {  	v4 =	vperm.xlane v3, v0;
	_ =	sdelay $0x1  }
0xe1: {  	v4 =	vadd.s32 v1, v4;
	_ =	sdelay $0x1  }
0xe2: {  	s8 =	sld [smem:$0x7FD];
	v3 =	vperm.xlane v3, v2;
	_ =	sdelay $0x1  }
0xe3: {  	v3 =	vadd.s32 v1, v3  }
0xe4: {  	[tilespmem:s8], [sflag:$0x1] =	stream.indirect_vreg.gather [hbm4b:s1+s3], $0x80, v4, vm0, $0xb8;
	[tilespmem:$0x18100] =	vst v63  }
0xe5: {  	s8 =	simm.s32 $0xF900  }
0xe6: {  	[tilespmem:s8], [sflag:$0x1] =	stream.indirect_vreg.gather [hbm4b:s4+s3], $0x80, v4, vm1, $0xb8;
	[tilespmem:$0x18100] =	vst v63  }
0xe7: {  	_ = 	snop  }
0xe8: {  	[tilespmem:s9], [sflag:$0x1] =	stream.indirect_vreg.gather [hbm4b:s1+s3], $0x80, v3, vm0, $0xb8;
	[tilespmem:$0x18100] =	vst v63  }
0xe9: {  	_ = 	snop  }
0xea: {  	[tilespmem:s10], [sflag:$0x1] =	stream.indirect_vreg.gather [hbm4b:s4+s3], $0x80, v3, vm1, $0xb8;
	[tilespmem:$0x18100] =	vst v63  }
0xeb: {  	v3 =	vld [tilespmem:$0xB0];
	_ =	sdelay $0x4  }
0xec: {  	v59 =	vshrl.u32 v3, $0x3  }
0xed: {  	v4 =	vmul.u32 $0x18, v59  }
0xee: {  	v3 =	vand.u32 $0x7, v3  }
0xef: {  	v3 =	vor.u32 v3, v4  }
0xf0: {  	v4 =	vperm.xlane v3, v0;
	_ =	sdelay $0x1  }
0xf1: {  	v4 =	vadd.s32 v1, v4;
	_ =	sdelay $0x1  }
0xf2: {  	v3 =	vperm.xlane v3, v2;
	_ =	sdelay $0x1  }
0xf3: {  	v3 =	vadd.s32 v1, v3  }
0xf4: {  	[tilespmem:s11], [sflag:$0x1] =	stream.indirect_vreg.gather [hbm4b:s1+s3], $0x80, v4, vm0, $0xb8;
	[tilespmem:$0x18100] =	vst v63  }
0xf5: {  	_ = 	snop  }
0xf6: {  	[tilespmem:s12], [sflag:$0x1] =	stream.indirect_vreg.gather [hbm4b:s4+s3], $0x80, v4, vm1, $0xb8;
	[tilespmem:$0x18100] =	vst v63  }
0xf7: {  	_ = 	snop  }
0xf8: {  	[tilespmem:s13], [sflag:$0x1] =	stream.indirect_vreg.gather [hbm4b:s1+s3], $0x80, v3, vm0, $0xb8;
	[tilespmem:$0x18100] =	vst v63  }
0xf9: {  	_ = 	snop  }
0xfa: {  	[tilespmem:s14], [sflag:$0x1] =	stream.indirect_vreg.gather [hbm4b:s4+s3], $0x80, v3, vm1, $0xb8;
	[tilespmem:$0x18100] =	vst v63  }
0xfb: {  	v3 =	vld [tilespmem:$0xC0];
	_ =	sdelay $0x4  }
0xfc: {  	v60 =	vshrl.u32 v3, $0x3  }
0xfd: {  	v4 =	vmul.u32 $0x18, v60  }
0xfe: {  	v3 =	vand.u32 $0x7, v3  }
0xff: {  	v3 =	vor.u32 v3, v4  }
0x100: {  	v4 =	vperm.xlane v3, v0;
	_ =	sdelay $0x1  }
0x101: {  	v4 =	vadd.s32 v1, v4;
	_ =	sdelay $0x1  }
0x102: {  	v3 =	vperm.xlane v3, v2;
	_ =	sdelay $0x1  }
0x103: {  	v3 =	vadd.s32 v1, v3  }
0x104: {  	[tilespmem:s15], [sflag:$0x1] =	stream.indirect_vreg.gather [hbm4b:s1+s3], $0x80, v4, vm0, $0xb8;
	[tilespmem:$0x18100] =	vst v63  }
0x105: {  	_ = 	snop  }
0x106: {  	[tilespmem:s16], [sflag:$0x1] =	stream.indirect_vreg.gather [hbm4b:s4+s3], $0x80, v4, vm1, $0xb8;
	[tilespmem:$0x18100] =	vst v63  }
0x107: {  	_ = 	snop  }
0x108: {  	[tilespmem:s17], [sflag:$0x1] =	stream.indirect_vreg.gather [hbm4b:s1+s3], $0x80, v3, vm0, $0xb8;
	[tilespmem:$0x18100] =	vst v63  }
0x109: {  	_ = 	snop  }
0x10a: {  	[tilespmem:s18], [sflag:$0x1] =	stream.indirect_vreg.gather [hbm4b:s4+s3], $0x80, v3, vm1, $0xb8;
	[tilespmem:$0x18100] =	vst v63  }
0x10b: {  	v3 =	vld [tilespmem:$0xD0];
	_ =	sdelay $0x4  }
0x10c: {  	v61 =	vshrl.u32 v3, $0x3  }
0x10d: {  	v4 =	vmul.u32 $0x18, v61  }
0x10e: {  	v3 =	vand.u32 $0x7, v3  }
0x10f: {  	v3 =	vor.u32 v3, v4  }
0x110: {  	v4 =	vperm.xlane v3, v0;
	_ =	sdelay $0x1  }
0x111: {  	v4 =	vadd.s32 v1, v4;
	_ =	sdelay $0x1  }
0x112: {  	v3 =	vperm.xlane v3, v2;
	_ =	sdelay $0x1  }
0x113: {  	v3 =	vadd.s32 v1, v3  }
0x114: {  	[tilespmem:s19], [sflag:$0x1] =	stream.indirect_vreg.gather [hbm4b:s1+s3], $0x80, v4, vm0, $0xb8;
	[tilespmem:$0x18100] =	vst v63  }
0x115: {  	_ = 	snop  }
0x116: {  	[tilespmem:s20], [sflag:$0x1] =	stream.indirect_vreg.gather [hbm4b:s4+s3], $0x80, v4, vm1, $0xb8;
	[tilespmem:$0x18100] =	vst v63  }
0x117: {  	_ = 	snop  }
0x118: {  	[tilespmem:s21], [sflag:$0x1] =	stream.indirect_vreg.gather [hbm4b:s1+s3], $0x80, v3, vm0, $0xb8;
	[tilespmem:$0x18100] =	vst v63  }
0x119: {  	_ = 	snop  }
0x11a: {  	[tilespmem:s22], [sflag:$0x1] =	stream.indirect_vreg.gather [hbm4b:s4+s3], $0x80, v3, vm1, $0xb8;
	[tilespmem:$0x18100] =	vst v63  }
0x11b: {  	v3 =	vld [tilespmem:$0xE0];
	_ =	sdelay $0x4  }
0x11c: {  	v62 =	vshrl.u32 v3, $0x3  }
0x11d: {  	v4 =	vmul.u32 $0x18, v62  }
0x11e: {  	v3 =	vand.u32 $0x7, v3  }
0x11f: {  	v3 =	vor.u32 v3, v4  }
0x120: {  	v4 =	vperm.xlane v3, v0;
	_ =	sdelay $0x1  }
0x121: {  	v4 =	vadd.s32 v1, v4;
	_ =	sdelay $0x1  }
0x122: {  	v3 =	vperm.xlane v3, v2;
	_ =	sdelay $0x1  }
0x123: {  	v3 =	vadd.s32 v1, v3  }
0x124: {  	[tilespmem:s23], [sflag:$0x1] =	stream.indirect_vreg.gather [hbm4b:s1+s3], $0x80, v4, vm0, $0xb8;
	[tilespmem:$0x18100] =	vst v63  }
0x125: {  	_ = 	snop  }
0x126: {  	[tilespmem:s24], [sflag:$0x1] =	stream.indirect_vreg.gather [hbm4b:s4+s3], $0x80, v4, vm1, $0xb8;
	[tilespmem:$0x18100] =	vst v63  }
0x127: {  	_ = 	snop  }
0x128: {  	[tilespmem:s25], [sflag:$0x1] =	stream.indirect_vreg.gather [hbm4b:s1+s3], $0x80, v3, vm0, $0xb8;
	[tilespmem:$0x18100] =	vst v63  }
0x129: {  	_ = 	snop  }
0x12a: {  	[tilespmem:s26], [sflag:$0x1] =	stream.indirect_vreg.gather [hbm4b:s4+s3], $0x80, v3, vm1, $0xb8;
	[tilespmem:$0x18100] =	vst v63  }
0x12b: {  	v3 =	vld [tilespmem:$0xF0];
	_ =	sdelay $0x4  }
0x12c: {  	v63 =	vshrl.u32 v3, $0x3  }
0x12d: {  	v4 =	vmul.u32 $0x18, v63  }
0x12e: {  	v3 =	vand.u32 $0x7, v3  }
0x12f: {  	v3 =	vor.u32 v3, v4  }
0x130: {  	v4 =	vperm.xlane v3, v0;
	_ =	sdelay $0x1  }
0x131: {  	v4 =	vadd.s32 v1, v4;
	_ =	sdelay $0x1  }
0x132: {  	v3 =	vperm.xlane v3, v2;
	_ =	sdelay $0x1  }
0x133: {  	v3 =	vadd.s32 v1, v3  }
0x134: {  	[tilespmem:s28], [sflag:$0x1] =	stream.indirect_vreg.gather [hbm4b:s1+s3], $0x80, v4, vm0, $0xb8;
	[tilespmem:$0x18100] =	vst v63  }
0x135: {  	_ = 	snop  }
0x136: {  	[tilespmem:s29], [sflag:$0x1] =	stream.indirect_vreg.gather [hbm4b:s4+s3], $0x80, v4, vm1, $0xb8;
	[tilespmem:$0x18100] =	vst v63  }
0x137: {  	_ = 	snop  }
0x138: {  	[tilespmem:s30], [sflag:$0x1] =	stream.indirect_vreg.gather [hbm4b:s1+s3], $0x80, v3, vm0, $0xb8;
	[tilespmem:$0x18100] =	vst v63  }
0x139: {  	_ = 	snop  }
0x13a: {  	[tilespmem:s31], [sflag:$0x1] =	stream.indirect_vreg.gather [hbm4b:s4+s3], $0x80, v3, vm1, $0xb8;
	[tilespmem:$0x18100] =	vst v63  }
0x13b: {  	_ =	swait.ge [sflag:s2], $0x18000  }
0x13c: {  	p0 =	sne.s32 s5, $0x1;
	[sflag:s2] =	ssyncset.done $0x0  }
.Ltmp0:
0x13d: {  	s8 =	rddreg [dreg:$0x5];
	[sflag:s2] =	ssyncadd.s32 $0xFFFE8000;
	(pc) =	sbr.rel @p0 .LBB2_1-.Ltmp0, $4  }
0x13e: {  	[hbm4b:s8+s3] =	stream.linear.scatter [tilespmem:s7], [sflag:$0x2], $0x18000, $0x38;
	[tilespmem:$0x18100] =	vst v63  }
0x13f: {  	_ =	swait.ge [sflag:s6], $0x18000  }
0x140: {  	[sflag:s6] =	ssyncset.done $0x0  }
0x141: {  	s5 =	sadd.s32 $0xFFFFFFFF, s5;
	[sflag:s6] =	ssyncadd.s32 $0xFFFE8000  }
0x142: {  	_ =	sfence.sel $0x180000  }
0x143: {  	[bflag:$0x0] =	sbarrier.arrive $0xFFFF  }
0x144: {  	_ =	strace $0x90000047  }
0x145: {  	s0 =	stileid.u32;
	[bflag:$0x2] =	sbarrier.arrive $0xFFFF  }
0x146: {  	p0 =	sne.s32 s0, $0x0;
	s0 =	rddreg [dreg:$0x3]  }
0x147: {  	s0 =	sadd.s32 @!p0 $0x100000, s0  }
0x148: {  	[sflag:s0] =	ssyncadd.tile.s32 @!p0 $0x1;
	_ =	shalt  }
.Lfunc_end2:
_tile_overlayer_lowered:
.L_overlay_start_2:
0x149: {  	(tag) =	ssettag $0x2  }
0x14a: {  	s0 =	rddreg [dreg:$0x0];
	s2 =	stileid.u32  }
0x14b: {  	s1 =	rddreg [dreg:$0x1];
	p0 =	sne.s32 s2, $0x0  }
0x14c: {  	s3 =	rddreg [dreg:$0x2];
	[bflag:$0x3] =	sbarrier.arrive $0xFFFF;
	s2 =	simm.s32 @!p0 $0x1C02  }
0x14d: {  	[timem:s3], [sflag:s2] =	dma.local @!p0 [hbm:s0], s1  }
0x14e: {  	s0 =	simm.s32 @!p0 $0x2  }
0x14f: {  	_ =	swait.ge @!p0 [sflag:s0], s1  }
0x150: {  	s1 =	ssub.s32 @!p0 $0x0, s1;
	[sflag:s0] =	ssyncset.done @!p0 $0x0  }
0x151: {  	[sflag:s0] =	ssyncadd.s32 @!p0 s1  }
0x152: {  	[bflag:$0x3] =	sbarrier.arrive $0xFFFF  }
0x153: {  	_ =	shalt  }

</sc_bundles>
